<compile_context>
chip_gen: v7x
topology: tpu7x:2x2x1
jax: 0.10.2.dev20260603
libtpu: 0.0.44.dev20260713+nightly
codegen_flags: <defaults>
</compile_context>

<pallas_src>
import functools

import jax
import jax.numpy as jnp
from jax import lax
from jax.experimental import pallas as pl
from jax.experimental.pallas import tpu as pltpu
from jax.experimental.pallas import tpu_sc as plsc

N = 320000
D = 128
B = 1024
NC = 2
NS = 16
NW = NC * NS

SUB = 80
GRP = 5
CHUNK = SUB * GRP
ROWS_PER_W = N // NW
CHUNKS_PER_W = ROWS_PER_W // CHUNK


def _sc_segment_sums(x_h, x_g, ids_h2, ids_g2, zeros_bd):
  mesh = plsc.VectorSubcoreMesh(core_axis_name="c", subcore_axis_name="s")

  @functools.partial(
      pl.kernel,
      out_type=(
          jax.ShapeDtypeStruct((NC, B, D), jnp.float32),
          jax.ShapeDtypeStruct((NC, NS, B), jnp.float32),
          jax.ShapeDtypeStruct((NC, B, D), jnp.float32),
          jax.ShapeDtypeStruct((NC, NS, B), jnp.float32),
      ),
      mesh=mesh,
      compiler_params=pltpu.CompilerParams(needs_layout_passes=False),
      scratch_types=[
          pltpu.VMEM((GRP, SUB), jnp.int32),
          pltpu.VMEM((GRP, SUB), jnp.int32),
          pltpu.VMEM((CHUNK, D), jnp.float32),
          pltpu.VMEM((CHUNK, D), jnp.float32),
          pltpu.VMEM((B,), jnp.float32),
          pltpu.VMEM((B,), jnp.float32),
          pltpu.VMEM_SHARED((B, D), jnp.float32),
          pltpu.VMEM_SHARED((B, D), jnp.float32),
          pltpu.SemaphoreType.DMA,
          pltpu.SemaphoreType.DMA,
          pltpu.SemaphoreType.DMA,
          pltpu.SemaphoreType.DMA,
      ],
  )
  def k(x_h_hbm, x_g_hbm, ih_hbm, ig_hbm, zbd_hbm,
        sums_h_hbm, cnt_h_hbm, sums_g_hbm, cnt_g_hbm,
        idx0_v, idx1_v, rows0_v, rows1_v, hist_h, hist_g,
        acc_h, acc_g, si0, si1, sr0, sr1):
    cid = lax.axis_index("c")
    sid = lax.axis_index("s")
    wid = cid * NS + sid
    idx_b = (idx0_v, idx1_v)
    rows_b = (rows0_v, rows1_v)
    sem_i = (si0, si1)
    sem_r = (sr0, sr1)
    STRIPE = B // NS
    chunk_base = wid * CHUNKS_PER_W

    pltpu.async_copy(ih_hbm.at[chunk_base], idx0_v, si0)
    pltpu.async_copy(x_h_hbm.at[pl.ds(chunk_base * CHUNK, CHUNK)], rows0_v, sr0)

    pltpu.sync_copy(zbd_hbm.at[pl.ds(0, STRIPE)],
                    acc_h.at[pl.ds(sid * STRIPE, STRIPE)])
    pltpu.sync_copy(zbd_hbm.at[pl.ds(0, STRIPE)],
                    acc_g.at[pl.ds(sid * STRIPE, STRIPE)])

    @pl.loop(0, B // 16)
    def _(i):
      z = jnp.zeros((16,), jnp.float32)
      hist_h[pl.ds(i * 16, 16)] = z
      hist_g[pl.ds(i * 16, 16)] = z

    plsc.subcore_barrier()

    def accumulate(x_hbm, ids_hbm, acc, hist, prefetched=False):
      def start(c, b):
        ci = chunk_base + c
        pltpu.async_copy(ids_hbm.at[ci], idx_b[b], sem_i[b])
        pltpu.async_copy(x_hbm.at[pl.ds(ci * CHUNK, CHUNK)], rows_b[b],
                         sem_r[b])

      def consume(c, b):
        @pl.when(c + 1 < CHUNKS_PER_W)
        def _():
          start(c + 1, 1 - b)
        pltpu.make_async_copy(ids_hbm.at[chunk_base], idx_b[b],
                              sem_i[b]).wait()
        ones16 = jnp.ones((16,), jnp.float32)
        for j in range(GRP):
          for q in range(SUB // 16):
            ids16 = idx_b[b][j, pl.ds(q * 16, 16)]
            plsc.addupdate_scatter(hist, [ids16], ones16)
        pltpu.make_async_copy(x_hbm.at[pl.ds(0, CHUNK)], rows_b[b],
                              sem_r[b]).wait()
        for j in range(GRP):
          pltpu.sync_copy(rows_b[b].at[pl.ds(j * SUB, SUB)],
                          acc.at[idx_b[b].at[j]], add=True)

      if not prefetched:
        start(0, 0)

      @pl.loop(0, CHUNKS_PER_W - 1, step=2)
      def _(i):
        for b in range(2):
          consume(i + b, b)

      consume(CHUNKS_PER_W - 1, 0)

    accumulate(x_h_hbm, ih_hbm, acc_h, hist_h, prefetched=True)
    accumulate(x_g_hbm, ig_hbm, acc_g, hist_g)

    pltpu.sync_copy(hist_h, cnt_h_hbm.at[cid].at[sid])
    pltpu.sync_copy(hist_g, cnt_g_hbm.at[cid].at[sid])

    plsc.subcore_barrier()

    pltpu.sync_copy(acc_h.at[pl.ds(sid * STRIPE, STRIPE)],
                    sums_h_hbm.at[cid].at[pl.ds(sid * STRIPE, STRIPE)])
    pltpu.sync_copy(acc_g.at[pl.ds(sid * STRIPE, STRIPE)],
                    sums_g_hbm.at[cid].at[pl.ds(sid * STRIPE, STRIPE)])

  return k(x_h, x_g, ids_h2, ids_g2, zeros_bd)


def _mlp_kernel(sh_ref, ch_ref, sg_ref, cg_ref, u_ref, w1_ref, b1_ref,
                w2_ref, b2_ref, out_ref):
  sh = sh_ref[0] + sh_ref[1]
  ch = jnp.sum(ch_ref[...], axis=(0, 1))
  sg = sg_ref[0] + sg_ref[1]
  cg = jnp.sum(cg_ref[...], axis=(0, 1))
  mean_h = sh / jnp.maximum(ch, 1.0)[:, None]
  mean_g = sg / jnp.maximum(cg, 1.0)[:, None]
  w1 = w1_ref[...]
  h = (jnp.dot(u_ref[...], w1[:D], preferred_element_type=jnp.float32)
       + jnp.dot(mean_h, w1[D:2 * D], preferred_element_type=jnp.float32)
       + jnp.dot(mean_g, w1[2 * D:], preferred_element_type=jnp.float32)
       + b1_ref[...])
  h = jnp.where(h > 0, h, 0.1 * h)
  out_ref[...] = (jnp.dot(h, w2_ref[...], preferred_element_type=jnp.float32)
                  + b2_ref[...])


@jax.jit
def kernel(x_h, x_g, edge_index, edge_attr, u, batch_h, batch_g, W1, b1, W2, b2):
  del edge_index, edge_attr
  bh = batch_h.astype(jnp.int32)
  bg = batch_g.astype(jnp.int32)
  ih2 = bh.reshape(N // CHUNK, GRP, SUB)
  ig2 = bg.reshape(N // CHUNK, GRP, SUB)
  zeros_bd = jnp.zeros((B // NS, D), jnp.float32)

  sums_h, cnt_h, sums_g, cnt_g = _sc_segment_sums(
      x_h, x_g, ih2, ig2, zeros_bd)
  return pl.pallas_call(
      _mlp_kernel,
      out_shape=jax.ShapeDtypeStruct((B, D), jnp.float32),
  )(sums_h, cnt_h, sums_g, cnt_g, u, W1, b1, W2, b2)

# --- scband reference (transcript-rebuilt; emitter-appended) ---
"""Pipeline reference for scband-global-model-31748398252730 (READ-ONLY COPY).

The authoritative reference and input builder live on the scoring server;
editing this copy changes nothing except your own understanding.
"""

import jax, jax.numpy as jnp
import numpy as np

N = 320000
D = 128
B = 1024
E = 320000
DE = 16


def scatter_mean(x, ids, num_segments):
    sums = jax.ops.segment_sum(x, ids, num_segments=num_segments)
    counts = jax.ops.segment_sum(jnp.ones((x.shape[0],), dtype=x.dtype), ids, num_segments=num_segments)
    return sums / jnp.clip(counts, 1.0)[:, None]


def setup_inputs(seed: int = 0) -> dict:
    key = jax.random.key(seed)
    ks = jax.random.split(key, 12)
    x_h = jax.random.normal(ks[0], (N, D), dtype=jnp.float32)
    x_g = jax.random.normal(ks[1], (N, D), dtype=jnp.float32)
    edge_index = jax.random.randint(ks[2], (2, E), 0, N, dtype=jnp.int64)
    edge_attr = jax.random.normal(ks[3], (E, DE), dtype=jnp.float32)
    u = jax.random.normal(ks[4], (B, D), dtype=jnp.float32)
    batch_h = jnp.sort(jax.random.randint(ks[5], (N,), 0, B, dtype=jnp.int64))
    batch_g = jnp.sort(jax.random.randint(ks[6], (N,), 0, B, dtype=jnp.int64))
    # MLP params: Lin(3*D -> D), LeakyReLU(0.1), Lin(D -> D)
    W1 = jax.random.normal(ks[7], (3 * D, D), dtype=jnp.float32) * (1.0 / np.sqrt(3 * D))
    b1 = jnp.zeros((D,), dtype=jnp.float32)
    W2 = jax.random.normal(ks[8], (D, D), dtype=jnp.float32) * (1.0 / np.sqrt(D))
    b2 = jnp.zeros((D,), dtype=jnp.float32)
    return {"x_h": x_h, "x_g": x_g, "edge_index": edge_index, "edge_attr": edge_attr,
            "u": u, "batch_h": batch_h, "batch_g": batch_g,
            "W1": W1, "b1": b1, "W2": W2, "b2": b2}


def reference(x_h, x_g, edge_index, edge_attr, u, batch_h, batch_g, W1, b1, W2, b2):
    mean_h = scatter_mean(x_h, batch_h, B)
    mean_g = scatter_mean(x_g, batch_g, B)
    out = jnp.concatenate([u, mean_h, mean_g], axis=1)
    h = out @ W1 + b1
    h = jnp.where(h > 0, h, 0.1 * h)
    return h @ W2 + b2

if __name__ == "__main__":
    import jax
    _d = setup_inputs()
    print(jax.jit(kernel)(*tuple(_d.values())))

</pallas_src>

<mosaic_0001>
#map = affine_map<(d0, d1) -> (0, 0)>
#map1 = affine_map<(d0, d1) -> (0, 0, 0)>
module attributes {stable_mosaic.version = 14 : i64} {
  func.func @k(%arg0: i32, %arg1: i32, %arg2: memref<320000x128xf32, #tpu.memory_space<hbm>>, %arg3: memref<320000x128xf32, #tpu.memory_space<hbm>>, %arg4: memref<800x5x80xi32, #tpu.memory_space<hbm>>, %arg5: memref<800x5x80xi32, #tpu.memory_space<hbm>>, %arg6: memref<64x128xf32, #tpu.memory_space<hbm>>, %arg7: memref<2x1024x128xf32, #tpu.memory_space<hbm>>, %arg8: memref<2x16x1024xf32, #tpu.memory_space<hbm>>, %arg9: memref<2x1024x128xf32, #tpu.memory_space<hbm>>, %arg10: memref<2x16x1024xf32, #tpu.memory_space<hbm>>, %arg11: memref<5x80xi32, #tpu.memory_space<vmem>>, %arg12: memref<5x80xi32, #tpu.memory_space<vmem>>, %arg13: memref<400x128xf32, #tpu.memory_space<vmem>>, %arg14: memref<400x128xf32, #tpu.memory_space<vmem>>, %arg15: memref<1024xf32, #tpu.memory_space<vmem>>, %arg16: memref<1024xf32, #tpu.memory_space<vmem>>, %arg17: memref<1024x128xf32, #tpu.memory_space<vmem_shared>>, %arg18: memref<1024x128xf32, #tpu.memory_space<vmem_shared>>, %arg19: memref<!tpu.dma_semaphore, #tpu.memory_space<semaphore_mem>>, %arg20: memref<!tpu.dma_semaphore, #tpu.memory_space<semaphore_mem>>, %arg21: memref<!tpu.dma_semaphore, #tpu.memory_space<semaphore_mem>>, %arg22: memref<!tpu.dma_semaphore, #tpu.memory_space<semaphore_mem>>) attributes {dimension_semantics = [#tpu.dimension_semantics<core_parallel>, #tpu.dimension_semantics<subcore_parallel>], iteration_bounds = array<i64: 2, 16>, scalar_prefetch = 0 : i64, scratch_operands = 12 : i64, tpu.core_type = #tpu.core_type<sc_vector_subcore>, window_params = [{transform_indices = #map}, {transform_indices = #map}, {transform_indices = #map1}, {transform_indices = #map1}, {transform_indices = #map}, {transform_indices = #map1}, {transform_indices = #map1}, {transform_indices = #map1}, {transform_indices = #map1}]} {
    %mul3A = arith.constant 16 : i32
    %mul3A_0 = arith.muli %arg0, %mul3A : i32
    %add3A = arith.addi %mul3A_0, %arg1 : i32
    %mul3A_1 = arith.constant 25 : i32
    %mul3A_2 = arith.muli %add3A, %mul3A_1 : i32
    %dma_start3A = arith.constant 0 : i32
    %dma_start3A_3 = arith.constant 0 : i32
    %dma_start3A_4 = tpu.memref_slice %arg4[%mul3A_2, %dma_start3A, %dma_start3A_3] : memref<800x5x80xi32, #tpu.memory_space<hbm>> -> memref<1x5x80xi32, #tpu.memory_space<hbm>>
    %dma_start3A_5 = tpu.memref_squeeze %dma_start3A_4 : memref<1x5x80xi32, #tpu.memory_space<hbm>> -> memref<5x80xi32, #tpu.memory_space<hbm>>
    %dma_start3A_6 = arith.constant 0 : i32
    %dma_start3A_7 = arith.constant 0 : i32
    %dma_start3A_8 = tpu.memref_slice %arg4[%mul3A_2, %dma_start3A_6, %dma_start3A_7] : memref<800x5x80xi32, #tpu.memory_space<hbm>> -> memref<1x5x80xi32, #tpu.memory_space<hbm>>
    %dma_start3A_9 = tpu.memref_squeeze %dma_start3A_8 : memref<1x5x80xi32, #tpu.memory_space<hbm>> -> memref<5x80xi32, #tpu.memory_space<hbm>>
    tpu.enqueue_dma source(%dma_start3A_9 : memref<5x80xi32, #tpu.memory_space<hbm>>) target(%arg11 : memref<5x80xi32, #tpu.memory_space<vmem>>) target_semaphore(%arg19 : memref<!tpu.dma_semaphore, #tpu.memory_space<semaphore_mem>>)
    %mul3A_10 = arith.constant 400 : i32
    %mul3A_11 = arith.muli %mul3A_2, %mul3A_10 : i32
    %dma_start3A_12 = arith.constant 0 : i32
    %dma_start3A_13 = tpu.memref_slice %arg2[%mul3A_11, %dma_start3A_12] : memref<320000x128xf32, #tpu.memory_space<hbm>> -> memref<400x128xf32, #tpu.memory_space<hbm>>
    %dma_start3A_14 = arith.constant 0 : i32
    %dma_start3A_15 = tpu.memref_slice %arg2[%mul3A_11, %dma_start3A_14] : memref<320000x128xf32, #tpu.memory_space<hbm>> -> memref<400x128xf32, #tpu.memory_space<hbm>>
    tpu.enqueue_dma source(%dma_start3A_15 : memref<400x128xf32, #tpu.memory_space<hbm>>) target(%arg13 : memref<400x128xf32, #tpu.memory_space<vmem>>) target_semaphore(%arg21 : memref<!tpu.dma_semaphore, #tpu.memory_space<semaphore_mem>>)
    %mul3A_16 = arith.constant 64 : i32
    %mul3A_17 = arith.muli %arg1, %mul3A_16 : i32
    "tpu.region"() ({
      %run_scoped3A_297 = tpu.sem_alloc : memref<!tpu.dma_semaphore, #tpu.memory_space<semaphore_mem>>
      %dma_start3A_298 = arith.constant 0 : i32
      %dma_start3A_299 = tpu.memref_slice %arg17[%mul3A_17, %dma_start3A_298] : memref<1024x128xf32, #tpu.memory_space<vmem_shared>> -> memref<64x128xf32, #tpu.memory_space<vmem_shared>>
      %dma_start3A_300 = arith.constant 0 : i32
      %dma_start3A_301 = arith.constant 0 : i32
      %dma_start3A_302 = tpu.memref_slice %arg6[%dma_start3A_300, %dma_start3A_301] : memref<64x128xf32, #tpu.memory_space<hbm>> -> memref<64x128xf32, #tpu.memory_space<hbm>>
      tpu.enqueue_dma source(%dma_start3A_302 : memref<64x128xf32, #tpu.memory_space<hbm>>) target(%dma_start3A_299 : memref<64x128xf32, #tpu.memory_space<vmem_shared>>) target_semaphore(%run_scoped3A_297 : memref<!tpu.dma_semaphore, #tpu.memory_space<semaphore_mem>>)
      %dma_wait3A_303 = arith.constant 0 : i32
      %dma_wait3A_304 = tpu.memref_slice %arg17[%mul3A_17, %dma_wait3A_303] : memref<1024x128xf32, #tpu.memory_space<vmem_shared>> -> memref<64x128xf32, #tpu.memory_space<vmem_shared>>
      %dma_wait3A_305 = arith.constant 0 : i32
      %dma_wait3A_306 = arith.constant 0 : i32
      %dma_wait3A_307 = tpu.memref_slice %arg6[%dma_wait3A_305, %dma_wait3A_306] : memref<64x128xf32, #tpu.memory_space<hbm>> -> memref<64x128xf32, #tpu.memory_space<hbm>>
      tpu.wait_dma2 semaphore(%run_scoped3A_297 : memref<!tpu.dma_semaphore, #tpu.memory_space<semaphore_mem>>) src(%dma_wait3A_307 : memref<64x128xf32, #tpu.memory_space<hbm>>) dst(%dma_wait3A_304 : memref<64x128xf32, #tpu.memory_space<vmem_shared>>)
      tpu.yield
    }) : () -> ()
    %mul3A_18 = arith.constant 64 : i32
    %mul3A_19 = arith.muli %arg1, %mul3A_18 : i32
    "tpu.region"() ({
      %run_scoped3A_297 = tpu.sem_alloc : memref<!tpu.dma_semaphore, #tpu.memory_space<semaphore_mem>>
      %dma_start3A_298 = arith.constant 0 : i32
      %dma_start3A_299 = tpu.memref_slice %arg18[%mul3A_19, %dma_start3A_298] : memref<1024x128xf32, #tpu.memory_space<vmem_shared>> -> memref<64x128xf32, #tpu.memory_space<vmem_shared>>
      %dma_start3A_300 = arith.constant 0 : i32
      %dma_start3A_301 = arith.constant 0 : i32
      %dma_start3A_302 = tpu.memref_slice %arg6[%dma_start3A_300, %dma_start3A_301] : memref<64x128xf32, #tpu.memory_space<hbm>> -> memref<64x128xf32, #tpu.memory_space<hbm>>
      tpu.enqueue_dma source(%dma_start3A_302 : memref<64x128xf32, #tpu.memory_space<hbm>>) target(%dma_start3A_299 : memref<64x128xf32, #tpu.memory_space<vmem_shared>>) target_semaphore(%run_scoped3A_297 : memref<!tpu.dma_semaphore, #tpu.memory_space<semaphore_mem>>)
      %dma_wait3A_303 = arith.constant 0 : i32
      %dma_wait3A_304 = tpu.memref_slice %arg18[%mul3A_19, %dma_wait3A_303] : memref<1024x128xf32, #tpu.memory_space<vmem_shared>> -> memref<64x128xf32, #tpu.memory_space<vmem_shared>>
      %dma_wait3A_305 = arith.constant 0 : i32
      %dma_wait3A_306 = arith.constant 0 : i32
      %dma_wait3A_307 = tpu.memref_slice %arg6[%dma_wait3A_305, %dma_wait3A_306] : memref<64x128xf32, #tpu.memory_space<hbm>> -> memref<64x128xf32, #tpu.memory_space<hbm>>
      tpu.wait_dma2 semaphore(%run_scoped3A_297 : memref<!tpu.dma_semaphore, #tpu.memory_space<semaphore_mem>>) src(%dma_wait3A_307 : memref<64x128xf32, #tpu.memory_space<hbm>>) dst(%dma_wait3A_304 : memref<64x128xf32, #tpu.memory_space<vmem_shared>>)
      tpu.yield
    }) : () -> ()
    %scan3A = arith.constant 0 : i32
    %scan3A_20 = arith.constant 64 : i32
    %scan3A_21 = arith.addi %scan3A, %scan3A_20 : i32
    %scan3A_22 = arith.constant 1 : i32
    scf.for %scan3A_297 = %scan3A to %scan3A_21 step %scan3A_22  : i32 {
      %mul3A_298 = arith.constant 1 : i32
      %mul3A_299 = arith.muli %scan3A_297, %mul3A_298 : i32
      %add3A_300 = arith.constant 0 : i32
      %add3A_301 = arith.addi %add3A_300, %mul3A_299 : i32
      %broadcast_in_dim3A_302 = arith.constant 0.000000e+00 : f32
      %broadcast_in_dim3A_303 = vector.broadcast %broadcast_in_dim3A_302 : f32 to vector<16xf32>
      %mul3A_304 = arith.constant 16 : i32
      %mul3A_305 = arith.muli %add3A_301, %mul3A_304 : i32
      %swap3A = arith.index_cast %mul3A_305 : i32 to index
      %swap3A_306 = tpu.vector_load %arg15[%swap3A] {strides = array<i32>} : memref<1024xf32, #tpu.memory_space<vmem>>, vector<16xf32>,
      tpu.vector_store %arg15[%swap3A], %broadcast_in_dim3A_303 {strides = array<i32>} : memref<1024xf32, #tpu.memory_space<vmem>>, vector<16xf32>,
      %mul3A_307 = arith.constant 16 : i32
      %mul3A_308 = arith.muli %add3A_301, %mul3A_307 : i32
      %swap3A_309 = arith.index_cast %mul3A_308 : i32 to index
      %swap3A_310 = tpu.vector_load %arg16[%swap3A_309] {strides = array<i32>} : memref<1024xf32, #tpu.memory_space<vmem>>, vector<16xf32>,
      tpu.vector_store %arg16[%swap3A_309], %broadcast_in_dim3A_303 {strides = array<i32>} : memref<1024xf32, #tpu.memory_space<vmem>>, vector<16xf32>,
    }
    %scan3A_23 = arith.constant 64 : i32
    %barrier3A = arith.constant 0 : index
    tpu.barrier barrier_id(%barrier3A)
    %scan3A_24 = arith.constant 0 : i32
    %scan3A_25 = arith.constant 12 : i32
    %scan3A_26 = arith.addi %scan3A_24, %scan3A_25 : i32
    %scan3A_27 = arith.constant 1 : i32
    scf.for %scan3A_297 = %scan3A_24 to %scan3A_26 step %scan3A_27  : i32 {
      %mul3A_298 = arith.constant 2 : i32
      %mul3A_299 = arith.muli %scan3A_297, %mul3A_298 : i32
      %add3A_300 = arith.constant 0 : i32
      %add3A_301 = arith.addi %add3A_300, %mul3A_299 : i32
      %add3A_302 = arith.constant 0 : i32
      %add3A_303 = arith.addi %add3A_301, %add3A_302 : i32
      %add3A_304 = arith.constant 1 : i32
      %add3A_305 = arith.addi %add3A_303, %add3A_304 : i32
      %lt3A = arith.constant 25 : i32
      %lt3A_306 = arith.cmpi slt, %add3A_305, %lt3A : i32
      %convert_element_type3A = arith.extui %lt3A_306 : i1 to i32
      %cond3A = arith.constant 0 : i32
      %cond3A_307 = arith.cmpi ne, %convert_element_type3A, %cond3A : i32
      scf.if %cond3A_307 {
        %add3A_559 = arith.constant 1 : i32
        %add3A_560 = arith.addi %add3A_303, %add3A_559 : i32
        %add3A_561 = arith.addi %mul3A_2, %add3A_560 : i32
        %dma_start3A_562 = arith.constant 0 : i32
        %dma_start3A_563 = arith.constant 0 : i32
        %dma_start3A_564 = tpu.memref_slice %arg4[%add3A_561, %dma_start3A_562, %dma_start3A_563] : memref<800x5x80xi32, #tpu.memory_space<hbm>> -> memref<1x5x80xi32, #tpu.memory_space<hbm>>
        %dma_start3A_565 = tpu.memref_squeeze %dma_start3A_564 : memref<1x5x80xi32, #tpu.memory_space<hbm>> -> memref<5x80xi32, #tpu.memory_space<hbm>>
        %dma_start3A_566 = arith.constant 0 : i32
        %dma_start3A_567 = arith.constant 0 : i32
        %dma_start3A_568 = tpu.memref_slice %arg4[%add3A_561, %dma_start3A_566, %dma_start3A_567] : memref<800x5x80xi32, #tpu.memory_space<hbm>> -> memref<1x5x80xi32, #tpu.memory_space<hbm>>
        %dma_start3A_569 = tpu.memref_squeeze %dma_start3A_568 : memref<1x5x80xi32, #tpu.memory_space<hbm>> -> memref<5x80xi32, #tpu.memory_space<hbm>>
        tpu.enqueue_dma source(%dma_start3A_569 : memref<5x80xi32, #tpu.memory_space<hbm>>) target(%arg12 : memref<5x80xi32, #tpu.memory_space<vmem>>) target_semaphore(%arg20 : memref<!tpu.dma_semaphore, #tpu.memory_space<semaphore_mem>>)
        %mul3A_570 = arith.constant 400 : i32
        %mul3A_571 = arith.muli %add3A_561, %mul3A_570 : i32
        %dma_start3A_572 = arith.constant 0 : i32
        %dma_start3A_573 = tpu.memref_slice %arg2[%mul3A_571, %dma_start3A_572] : memref<320000x128xf32, #tpu.memory_space<hbm>> -> memref<400x128xf32, #tpu.memory_space<hbm>>
        %dma_start3A_574 = arith.constant 0 : i32
        %dma_start3A_575 = tpu.memref_slice %arg2[%mul3A_571, %dma_start3A_574] : memref<320000x128xf32, #tpu.memory_space<hbm>> -> memref<400x128xf32, #tpu.memory_space<hbm>>
        tpu.enqueue_dma source(%dma_start3A_575 : memref<400x128xf32, #tpu.memory_space<hbm>>) target(%arg14 : memref<400x128xf32, #tpu.memory_space<vmem>>) target_semaphore(%arg22 : memref<!tpu.dma_semaphore, #tpu.memory_space<semaphore_mem>>)
      } else {
      }
      %dma_wait3A_308 = arith.constant 0 : i32
      %dma_wait3A_309 = arith.constant 0 : i32
      %dma_wait3A_310 = tpu.memref_slice %arg4[%mul3A_2, %dma_wait3A_308, %dma_wait3A_309] : memref<800x5x80xi32, #tpu.memory_space<hbm>> -> memref<1x5x80xi32, #tpu.memory_space<hbm>>
      %dma_wait3A_311 = tpu.memref_squeeze %dma_wait3A_310 : memref<1x5x80xi32, #tpu.memory_space<hbm>> -> memref<5x80xi32, #tpu.memory_space<hbm>>
      %dma_wait3A_312 = arith.constant 0 : i32
      %dma_wait3A_313 = arith.constant 0 : i32
      %dma_wait3A_314 = tpu.memref_slice %arg4[%mul3A_2, %dma_wait3A_312, %dma_wait3A_313] : memref<800x5x80xi32, #tpu.memory_space<hbm>> -> memref<1x5x80xi32, #tpu.memory_space<hbm>>
      %dma_wait3A_315 = tpu.memref_squeeze %dma_wait3A_314 : memref<1x5x80xi32, #tpu.memory_space<hbm>> -> memref<5x80xi32, #tpu.memory_space<hbm>>
      tpu.wait_dma2 semaphore(%arg19 : memref<!tpu.dma_semaphore, #tpu.memory_space<semaphore_mem>>) src(%dma_wait3A_315 : memref<5x80xi32, #tpu.memory_space<hbm>>) dst(%arg11 : memref<5x80xi32, #tpu.memory_space<vmem>>)
      %broadcast_in_dim3A_316 = arith.constant 1.000000e+00 : f32
      %broadcast_in_dim3A_317 = vector.broadcast %broadcast_in_dim3A_316 : f32 to vector<16xf32>
      %get3A_318 = arith.constant 0 : i32
      %get3A_319 = arith.index_cast %get3A_318 : i32 to index
      %get3A_320 = arith.constant 0 : index
      %get3A_321 = tpu.vector_load %arg11[%get3A_319, %get3A_320] {strides = array<i32>} : memref<5x80xi32, #tpu.memory_space<vmem>>, vector<16xi32>,
      tpu.vector_store_idx %arg15[%get3A_321], %broadcast_in_dim3A_317 {add = true} : memref<1024xf32, #tpu.memory_space<vmem>>[vector<16xi32>], vector<16xf32>,
      %get3A_322 = arith.constant 0 : i32
      %get3A_323 = arith.index_cast %get3A_322 : i32 to index
      %get3A_324 = arith.constant 16 : index
      %get3A_325 = tpu.vector_load %arg11[%get3A_323, %get3A_324] {strides = array<i32>} : memref<5x80xi32, #tpu.memory_space<vmem>>, vector<16xi32>,
      tpu.vector_store_idx %arg15[%get3A_325], %broadcast_in_dim3A_317 {add = true} : memref<1024xf32, #tpu.memory_space<vmem>>[vector<16xi32>], vector<16xf32>,
      %get3A_326 = arith.constant 0 : i32
      %get3A_327 = arith.index_cast %get3A_326 : i32 to index
      %get3A_328 = arith.constant 32 : index
      %get3A_329 = tpu.vector_load %arg11[%get3A_327, %get3A_328] {strides = array<i32>} : memref<5x80xi32, #tpu.memory_space<vmem>>, vector<16xi32>,
      tpu.vector_store_idx %arg15[%get3A_329], %broadcast_in_dim3A_317 {add = true} : memref<1024xf32, #tpu.memory_space<vmem>>[vector<16xi32>], vector<16xf32>,
      %get3A_330 = arith.constant 0 : i32
      %get3A_331 = arith.index_cast %get3A_330 : i32 to index
      %get3A_332 = arith.constant 48 : index
      %get3A_333 = tpu.vector_load %arg11[%get3A_331, %get3A_332] {strides = array<i32>} : memref<5x80xi32, #tpu.memory_space<vmem>>, vector<16xi32>,
      tpu.vector_store_idx %arg15[%get3A_333], %broadcast_in_dim3A_317 {add = true} : memref<1024xf32, #tpu.memory_space<vmem>>[vector<16xi32>], vector<16xf32>,
      %get3A_334 = arith.constant 0 : i32
      %get3A_335 = arith.index_cast %get3A_334 : i32 to index
      %get3A_336 = arith.constant 64 : index
      %get3A_337 = tpu.vector_load %arg11[%get3A_335, %get3A_336] {strides = array<i32>} : memref<5x80xi32, #tpu.memory_space<vmem>>, vector<16xi32>,
      tpu.vector_store_idx %arg15[%get3A_337], %broadcast_in_dim3A_317 {add = true} : memref<1024xf32, #tpu.memory_space<vmem>>[vector<16xi32>], vector<16xf32>,
      %get3A_338 = arith.constant 1 : i32
      %get3A_339 = arith.index_cast %get3A_338 : i32 to index
      %get3A_340 = arith.constant 0 : index
      %get3A_341 = tpu.vector_load %arg11[%get3A_339, %get3A_340] {strides = array<i32>} : memref<5x80xi32, #tpu.memory_space<vmem>>, vector<16xi32>,
      tpu.vector_store_idx %arg15[%get3A_341], %broadcast_in_dim3A_317 {add = true} : memref<1024xf32, #tpu.memory_space<vmem>>[vector<16xi32>], vector<16xf32>,
      %get3A_342 = arith.constant 1 : i32
      %get3A_343 = arith.index_cast %get3A_342 : i32 to index
      %get3A_344 = arith.constant 16 : index
      %get3A_345 = tpu.vector_load %arg11[%get3A_343, %get3A_344] {strides = array<i32>} : memref<5x80xi32, #tpu.memory_space<vmem>>, vector<16xi32>,
      tpu.vector_store_idx %arg15[%get3A_345], %broadcast_in_dim3A_317 {add = true} : memref<1024xf32, #tpu.memory_space<vmem>>[vector<16xi32>], vector<16xf32>,
      %get3A_346 = arith.constant 1 : i32
      %get3A_347 = arith.index_cast %get3A_346 : i32 to index
      %get3A_348 = arith.constant 32 : index
      %get3A_349 = tpu.vector_load %arg11[%get3A_347, %get3A_348] {strides = array<i32>} : memref<5x80xi32, #tpu.memory_space<vmem>>, vector<16xi32>,
      tpu.vector_store_idx %arg15[%get3A_349], %broadcast_in_dim3A_317 {add = true} : memref<1024xf32, #tpu.memory_space<vmem>>[vector<16xi32>], vector<16xf32>,
      %get3A_350 = arith.constant 1 : i32
      %get3A_351 = arith.index_cast %get3A_350 : i32 to index
      %get3A_352 = arith.constant 48 : index
      %get3A_353 = tpu.vector_load %arg11[%get3A_351, %get3A_352] {strides = array<i32>} : memref<5x80xi32, #tpu.memory_space<vmem>>, vector<16xi32>,
      tpu.vector_store_idx %arg15[%get3A_353], %broadcast_in_dim3A_317 {add = true} : memref<1024xf32, #tpu.memory_space<vmem>>[vector<16xi32>], vector<16xf32>,
      %get3A_354 = arith.constant 1 : i32
      %get3A_355 = arith.index_cast %get3A_354 : i32 to index
      %get3A_356 = arith.constant 64 : index
      %get3A_357 = tpu.vector_load %arg11[%get3A_355, %get3A_356] {strides = array<i32>} : memref<5x80xi32, #tpu.memory_space<vmem>>, vector<16xi32>,
      tpu.vector_store_idx %arg15[%get3A_357], %broadcast_in_dim3A_317 {add = true} : memref<1024xf32, #tpu.memory_space<vmem>>[vector<16xi32>], vector<16xf32>,
      %get3A_358 = arith.constant 2 : i32
      %get3A_359 = arith.index_cast %get3A_358 : i32 to index
      %get3A_360 = arith.constant 0 : index
      %get3A_361 = tpu.vector_load %arg11[%get3A_359, %get3A_360] {strides = array<i32>} : memref<5x80xi32, #tpu.memory_space<vmem>>, vector<16xi32>,
      tpu.vector_store_idx %arg15[%get3A_361], %broadcast_in_dim3A_317 {add = true} : memref<1024xf32, #tpu.memory_space<vmem>>[vector<16xi32>], vector<16xf32>,
      %get3A_362 = arith.constant 2 : i32
      %get3A_363 = arith.index_cast %get3A_362 : i32 to index
      %get3A_364 = arith.constant 16 : index
      %get3A_365 = tpu.vector_load %arg11[%get3A_363, %get3A_364] {strides = array<i32>} : memref<5x80xi32, #tpu.memory_space<vmem>>, vector<16xi32>,
      tpu.vector_store_idx %arg15[%get3A_365], %broadcast_in_dim3A_317 {add = true} : memref<1024xf32, #tpu.memory_space<vmem>>[vector<16xi32>], vector<16xf32>,
      %get3A_366 = arith.constant 2 : i32
      %get3A_367 = arith.index_cast %get3A_366 : i32 to index
      %get3A_368 = arith.constant 32 : index
      %get3A_369 = tpu.vector_load %arg11[%get3A_367, %get3A_368] {strides = array<i32>} : memref<5x80xi32, #tpu.memory_space<vmem>>, vector<16xi32>,
      tpu.vector_store_idx %arg15[%get3A_369], %broadcast_in_dim3A_317 {add = true} : memref<1024xf32, #tpu.memory_space<vmem>>[vector<16xi32>], vector<16xf32>,
      %get3A_370 = arith.constant 2 : i32
      %get3A_371 = arith.index_cast %get3A_370 : i32 to index
      %get3A_372 = arith.constant 48 : index
      %get3A_373 = tpu.vector_load %arg11[%get3A_371, %get3A_372] {strides = array<i32>} : memref<5x80xi32, #tpu.memory_space<vmem>>, vector<16xi32>,
      tpu.vector_store_idx %arg15[%get3A_373], %broadcast_in_dim3A_317 {add = true} : memref<1024xf32, #tpu.memory_space<vmem>>[vector<16xi32>], vector<16xf32>,
      %get3A_374 = arith.constant 2 : i32
      %get3A_375 = arith.index_cast %get3A_374 : i32 to index
      %get3A_376 = arith.constant 64 : index
      %get3A_377 = tpu.vector_load %arg11[%get3A_375, %get3A_376] {strides = array<i32>} : memref<5x80xi32, #tpu.memory_space<vmem>>, vector<16xi32>,
      tpu.vector_store_idx %arg15[%get3A_377], %broadcast_in_dim3A_317 {add = true} : memref<1024xf32, #tpu.memory_space<vmem>>[vector<16xi32>], vector<16xf32>,
      %get3A_378 = arith.constant 3 : i32
      %get3A_379 = arith.index_cast %get3A_378 : i32 to index
      %get3A_380 = arith.constant 0 : index
      %get3A_381 = tpu.vector_load %arg11[%get3A_379, %get3A_380] {strides = array<i32>} : memref<5x80xi32, #tpu.memory_space<vmem>>, vector<16xi32>,
      tpu.vector_store_idx %arg15[%get3A_381], %broadcast_in_dim3A_317 {add = true} : memref<1024xf32, #tpu.memory_space<vmem>>[vector<16xi32>], vector<16xf32>,
      %get3A_382 = arith.constant 3 : i32
      %get3A_383 = arith.index_cast %get3A_382 : i32 to index
      %get3A_384 = arith.constant 16 : index
      %get3A_385 = tpu.vector_load %arg11[%get3A_383, %get3A_384] {strides = array<i32>} : memref<5x80xi32, #tpu.memory_space<vmem>>, vector<16xi32>,
      tpu.vector_store_idx %arg15[%get3A_385], %broadcast_in_dim3A_317 {add = true} : memref<1024xf32, #tpu.memory_space<vmem>>[vector<16xi32>], vector<16xf32>,
      %get3A_386 = arith.constant 3 : i32
      %get3A_387 = arith.index_cast %get3A_386 : i32 to index
      %get3A_388 = arith.constant 32 : index
      %get3A_389 = tpu.vector_load %arg11[%get3A_387, %get3A_388] {strides = array<i32>} : memref<5x80xi32, #tpu.memory_space<vmem>>, vector<16xi32>,
      tpu.vector_store_idx %arg15[%get3A_389], %broadcast_in_dim3A_317 {add = true} : memref<1024xf32, #tpu.memory_space<vmem>>[vector<16xi32>], vector<16xf32>,
      %get3A_390 = arith.constant 3 : i32
      %get3A_391 = arith.index_cast %get3A_390 : i32 to index
      %get3A_392 = arith.constant 48 : index
      %get3A_393 = tpu.vector_load %arg11[%get3A_391, %get3A_392] {strides = array<i32>} : memref<5x80xi32, #tpu.memory_space<vmem>>, vector<16xi32>,
      tpu.vector_store_idx %arg15[%get3A_393], %broadcast_in_dim3A_317 {add = true} : memref<1024xf32, #tpu.memory_space<vmem>>[vector<16xi32>], vector<16xf32>,
      %get3A_394 = arith.constant 3 : i32
      %get3A_395 = arith.index_cast %get3A_394 : i32 to index
      %get3A_396 = arith.constant 64 : index
      %get3A_397 = tpu.vector_load %arg11[%get3A_395, %get3A_396] {strides = array<i32>} : memref<5x80xi32, #tpu.memory_space<vmem>>, vector<16xi32>,
      tpu.vector_store_idx %arg15[%get3A_397], %broadcast_in_dim3A_317 {add = true} : memref<1024xf32, #tpu.memory_space<vmem>>[vector<16xi32>], vector<16xf32>,
      %get3A_398 = arith.constant 4 : i32
      %get3A_399 = arith.index_cast %get3A_398 : i32 to index
      %get3A_400 = arith.constant 0 : index
      %get3A_401 = tpu.vector_load %arg11[%get3A_399, %get3A_400] {strides = array<i32>} : memref<5x80xi32, #tpu.memory_space<vmem>>, vector<16xi32>,
      tpu.vector_store_idx %arg15[%get3A_401], %broadcast_in_dim3A_317 {add = true} : memref<1024xf32, #tpu.memory_space<vmem>>[vector<16xi32>], vector<16xf32>,
      %get3A_402 = arith.constant 4 : i32
      %get3A_403 = arith.index_cast %get3A_402 : i32 to index
      %get3A_404 = arith.constant 16 : index
      %get3A_405 = tpu.vector_load %arg11[%get3A_403, %get3A_404] {strides = array<i32>} : memref<5x80xi32, #tpu.memory_space<vmem>>, vector<16xi32>,
      tpu.vector_store_idx %arg15[%get3A_405], %broadcast_in_dim3A_317 {add = true} : memref<1024xf32, #tpu.memory_space<vmem>>[vector<16xi32>], vector<16xf32>,
      %get3A_406 = arith.constant 4 : i32
      %get3A_407 = arith.index_cast %get3A_406 : i32 to index
      %get3A_408 = arith.constant 32 : index
      %get3A_409 = tpu.vector_load %arg11[%get3A_407, %get3A_408] {strides = array<i32>} : memref<5x80xi32, #tpu.memory_space<vmem>>, vector<16xi32>,
      tpu.vector_store_idx %arg15[%get3A_409], %broadcast_in_dim3A_317 {add = true} : memref<1024xf32, #tpu.memory_space<vmem>>[vector<16xi32>], vector<16xf32>,
      %get3A_410 = arith.constant 4 : i32
      %get3A_411 = arith.index_cast %get3A_410 : i32 to index
      %get3A_412 = arith.constant 48 : index
      %get3A_413 = tpu.vector_load %arg11[%get3A_411, %get3A_412] {strides = array<i32>} : memref<5x80xi32, #tpu.memory_space<vmem>>, vector<16xi32>,
      tpu.vector_store_idx %arg15[%get3A_413], %broadcast_in_dim3A_317 {add = true} : memref<1024xf32, #tpu.memory_space<vmem>>[vector<16xi32>], vector<16xf32>,
      %get3A_414 = arith.constant 4 : i32
      %get3A_415 = arith.index_cast %get3A_414 : i32 to index
      %get3A_416 = arith.constant 64 : index
      %get3A_417 = tpu.vector_load %arg11[%get3A_415, %get3A_416] {strides = array<i32>} : memref<5x80xi32, #tpu.memory_space<vmem>>, vector<16xi32>,
      tpu.vector_store_idx %arg15[%get3A_417], %broadcast_in_dim3A_317 {add = true} : memref<1024xf32, #tpu.memory_space<vmem>>[vector<16xi32>], vector<16xf32>,
      %dma_wait3A_418 = arith.constant 0 : i32
      %dma_wait3A_419 = arith.constant 0 : i32
      %dma_wait3A_420 = tpu.memref_slice %arg2[%dma_wait3A_418, %dma_wait3A_419] : memref<320000x128xf32, #tpu.memory_space<hbm>> -> memref<400x128xf32, #tpu.memory_space<hbm>>
      %dma_wait3A_421 = arith.constant 0 : i32
      %dma_wait3A_422 = arith.constant 0 : i32
      %dma_wait3A_423 = tpu.memref_slice %arg2[%dma_wait3A_421, %dma_wait3A_422] : memref<320000x128xf32, #tpu.memory_space<hbm>> -> memref<400x128xf32, #tpu.memory_space<hbm>>
      tpu.wait_dma2 semaphore(%arg21 : memref<!tpu.dma_semaphore, #tpu.memory_space<semaphore_mem>>) src(%dma_wait3A_423 : memref<400x128xf32, #tpu.memory_space<hbm>>) dst(%arg13 : memref<400x128xf32, #tpu.memory_space<vmem>>)
      %run_scoped3A_424 = arith.constant 0 : i32
      "tpu.region"() ({
        %run_scoped3A_559 = tpu.sem_alloc : memref<!tpu.dma_semaphore, #tpu.memory_space<semaphore_mem>>
        %dma_start3A_560 = arith.constant 0 : i32
        %dma_start3A_561 = arith.constant 0 : i32
        %dma_start3A_562 = tpu.memref_slice %arg13[%dma_start3A_560, %dma_start3A_561] : memref<400x128xf32, #tpu.memory_space<vmem>> -> memref<80x128xf32, #tpu.memory_space<vmem>>
        %dma_start3A_563 = arith.constant 0 : i32
        %dma_start3A_564 = tpu.memref_slice %arg11[%run_scoped3A_424, %dma_start3A_563] : memref<5x80xi32, #tpu.memory_space<vmem>> -> memref<1x80xi32, #tpu.memory_space<vmem>>
        %dma_start3A_565 = tpu.memref_squeeze %dma_start3A_564 : memref<1x80xi32, #tpu.memory_space<vmem>> -> memref<80xi32, #tpu.memory_space<vmem>>
        %dma_start3A_566 = arith.constant 0 : i32
        %dma_start3A_567 = arith.constant 0 : i32
        %dma_start3A_568 = tpu.memref_slice %arg17[%dma_start3A_566, %dma_start3A_567] : memref<1024x128xf32, #tpu.memory_space<vmem_shared>> -> memref<1024x128xf32, #tpu.memory_space<vmem_shared>>
        tpu.enqueue_indirect_dma source(%dma_start3A_562 : memref<80x128xf32, #tpu.memory_space<vmem>>) target(%dma_start3A_568 : memref<1024x128xf32, #tpu.memory_space<vmem_shared>>) offsets(%dma_start3A_565 : memref<80xi32, #tpu.memory_space<vmem>>) semaphore(%run_scoped3A_559 : memref<!tpu.dma_semaphore, #tpu.memory_space<semaphore_mem>>) {add = true}
        %dma_wait3A_569 = arith.constant 0 : i32
        %dma_wait3A_570 = arith.constant 0 : i32
        %dma_wait3A_571 = tpu.memref_slice %arg13[%dma_wait3A_569, %dma_wait3A_570] : memref<400x128xf32, #tpu.memory_space<vmem>> -> memref<80x128xf32, #tpu.memory_space<vmem>>
        %dma_wait3A_572 = arith.constant 0 : i32
        %dma_wait3A_573 = tpu.memref_slice %arg11[%run_scoped3A_424, %dma_wait3A_572] : memref<5x80xi32, #tpu.memory_space<vmem>> -> memref<1x80xi32, #tpu.memory_space<vmem>>
        %dma_wait3A_574 = tpu.memref_squeeze %dma_wait3A_573 : memref<1x80xi32, #tpu.memory_space<vmem>> -> memref<80xi32, #tpu.memory_space<vmem>>
        %dma_wait3A_575 = arith.constant 0 : i32
        %dma_wait3A_576 = arith.constant 0 : i32
        %dma_wait3A_577 = tpu.memref_slice %arg17[%dma_wait3A_575, %dma_wait3A_576] : memref<1024x128xf32, #tpu.memory_space<vmem_shared>> -> memref<1024x128xf32, #tpu.memory_space<vmem_shared>>
        tpu.wait_indirect_dma semaphore(%run_scoped3A_559 : memref<!tpu.dma_semaphore, #tpu.memory_space<semaphore_mem>>) src(%dma_wait3A_571 : memref<80x128xf32, #tpu.memory_space<vmem>>) dst(%dma_wait3A_577 : memref<1024x128xf32, #tpu.memory_space<vmem_shared>>)
        tpu.yield
      }) : () -> ()
      %run_scoped3A_425 = arith.constant 1 : i32
      "tpu.region"() ({
        %run_scoped3A_559 = tpu.sem_alloc : memref<!tpu.dma_semaphore, #tpu.memory_space<semaphore_mem>>
        %dma_start3A_560 = arith.constant 80 : i32
        %dma_start3A_561 = arith.constant 0 : i32
        %dma_start3A_562 = tpu.memref_slice %arg13[%dma_start3A_560, %dma_start3A_561] : memref<400x128xf32, #tpu.memory_space<vmem>> -> memref<80x128xf32, #tpu.memory_space<vmem>>
        %dma_start3A_563 = arith.constant 0 : i32
        %dma_start3A_564 = tpu.memref_slice %arg11[%run_scoped3A_425, %dma_start3A_563] : memref<5x80xi32, #tpu.memory_space<vmem>> -> memref<1x80xi32, #tpu.memory_space<vmem>>
        %dma_start3A_565 = tpu.memref_squeeze %dma_start3A_564 : memref<1x80xi32, #tpu.memory_space<vmem>> -> memref<80xi32, #tpu.memory_space<vmem>>
        %dma_start3A_566 = arith.constant 0 : i32
        %dma_start3A_567 = arith.constant 0 : i32
        %dma_start3A_568 = tpu.memref_slice %arg17[%dma_start3A_566, %dma_start3A_567] : memref<1024x128xf32, #tpu.memory_space<vmem_shared>> -> memref<1024x128xf32, #tpu.memory_space<vmem_shared>>
        tpu.enqueue_indirect_dma source(%dma_start3A_562 : memref<80x128xf32, #tpu.memory_space<vmem>>) target(%dma_start3A_568 : memref<1024x128xf32, #tpu.memory_space<vmem_shared>>) offsets(%dma_start3A_565 : memref<80xi32, #tpu.memory_space<vmem>>) semaphore(%run_scoped3A_559 : memref<!tpu.dma_semaphore, #tpu.memory_space<semaphore_mem>>) {add = true}
        %dma_wait3A_569 = arith.constant 80 : i32
        %dma_wait3A_570 = arith.constant 0 : i32
        %dma_wait3A_571 = tpu.memref_slice %arg13[%dma_wait3A_569, %dma_wait3A_570] : memref<400x128xf32, #tpu.memory_space<vmem>> -> memref<80x128xf32, #tpu.memory_space<vmem>>
        %dma_wait3A_572 = arith.constant 0 : i32
        %dma_wait3A_573 = tpu.memref_slice %arg11[%run_scoped3A_425, %dma_wait3A_572] : memref<5x80xi32, #tpu.memory_space<vmem>> -> memref<1x80xi32, #tpu.memory_space<vmem>>
        %dma_wait3A_574 = tpu.memref_squeeze %dma_wait3A_573 : memref<1x80xi32, #tpu.memory_space<vmem>> -> memref<80xi32, #tpu.memory_space<vmem>>
        %dma_wait3A_575 = arith.constant 0 : i32
        %dma_wait3A_576 = arith.constant 0 : i32
        %dma_wait3A_577 = tpu.memref_slice %arg17[%dma_wait3A_575, %dma_wait3A_576] : memref<1024x128xf32, #tpu.memory_space<vmem_shared>> -> memref<1024x128xf32, #tpu.memory_space<vmem_shared>>
        tpu.wait_indirect_dma semaphore(%run_scoped3A_559 : memref<!tpu.dma_semaphore, #tpu.memory_space<semaphore_mem>>) src(%dma_wait3A_571 : memref<80x128xf32, #tpu.memory_space<vmem>>) dst(%dma_wait3A_577 : memref<1024x128xf32, #tpu.memory_space<vmem_shared>>)
        tpu.yield
      }) : () -> ()
      %run_scoped3A_426 = arith.constant 2 : i32
      "tpu.region"() ({
        %run_scoped3A_559 = tpu.sem_alloc : memref<!tpu.dma_semaphore, #tpu.memory_space<semaphore_mem>>
        %dma_start3A_560 = arith.constant 160 : i32
        %dma_start3A_561 = arith.constant 0 : i32
        %dma_start3A_562 = tpu.memref_slice %arg13[%dma_start3A_560, %dma_start3A_561] : memref<400x128xf32, #tpu.memory_space<vmem>> -> memref<80x128xf32, #tpu.memory_space<vmem>>
        %dma_start3A_563 = arith.constant 0 : i32
        %dma_start3A_564 = tpu.memref_slice %arg11[%run_scoped3A_426, %dma_start3A_563] : memref<5x80xi32, #tpu.memory_space<vmem>> -> memref<1x80xi32, #tpu.memory_space<vmem>>
        %dma_start3A_565 = tpu.memref_squeeze %dma_start3A_564 : memref<1x80xi32, #tpu.memory_space<vmem>> -> memref<80xi32, #tpu.memory_space<vmem>>
        %dma_start3A_566 = arith.constant 0 : i32
        %dma_start3A_567 = arith.constant 0 : i32
        %dma_start3A_568 = tpu.memref_slice %arg17[%dma_start3A_566, %dma_start3A_567] : memref<1024x128xf32, #tpu.memory_space<vmem_shared>> -> memref<1024x128xf32, #tpu.memory_space<vmem_shared>>
        tpu.enqueue_indirect_dma source(%dma_start3A_562 : memref<80x128xf32, #tpu.memory_space<vmem>>) target(%dma_start3A_568 : memref<1024x128xf32, #tpu.memory_space<vmem_shared>>) offsets(%dma_start3A_565 : memref<80xi32, #tpu.memory_space<vmem>>) semaphore(%run_scoped3A_559 : memref<!tpu.dma_semaphore, #tpu.memory_space<semaphore_mem>>) {add = true}
        %dma_wait3A_569 = arith.constant 160 : i32
        %dma_wait3A_570 = arith.constant 0 : i32
        %dma_wait3A_571 = tpu.memref_slice %arg13[%dma_wait3A_569, %dma_wait3A_570] : memref<400x128xf32, #tpu.memory_space<vmem>> -> memref<80x128xf32, #tpu.memory_space<vmem>>
        %dma_wait3A_572 = arith.constant 0 : i32
        %dma_wait3A_573 = tpu.memref_slice %arg11[%run_scoped3A_426, %dma_wait3A_572] : memref<5x80xi32, #tpu.memory_space<vmem>> -> memref<1x80xi32, #tpu.memory_space<vmem>>
        %dma_wait3A_574 = tpu.memref_squeeze %dma_wait3A_573 : memref<1x80xi32, #tpu.memory_space<vmem>> -> memref<80xi32, #tpu.memory_space<vmem>>
        %dma_wait3A_575 = arith.constant 0 : i32
        %dma_wait3A_576 = arith.constant 0 : i32
        %dma_wait3A_577 = tpu.memref_slice %arg17[%dma_wait3A_575, %dma_wait3A_576] : memref<1024x128xf32, #tpu.memory_space<vmem_shared>> -> memref<1024x128xf32, #tpu.memory_space<vmem_shared>>
        tpu.wait_indirect_dma semaphore(%run_scoped3A_559 : memref<!tpu.dma_semaphore, #tpu.memory_space<semaphore_mem>>) src(%dma_wait3A_571 : memref<80x128xf32, #tpu.memory_space<vmem>>) dst(%dma_wait3A_577 : memref<1024x128xf32, #tpu.memory_space<vmem_shared>>)
        tpu.yield
      }) : () -> ()
      %run_scoped3A_427 = arith.constant 3 : i32
      "tpu.region"() ({
        %run_scoped3A_559 = tpu.sem_alloc : memref<!tpu.dma_semaphore, #tpu.memory_space<semaphore_mem>>
        %dma_start3A_560 = arith.constant 240 : i32
        %dma_start3A_561 = arith.constant 0 : i32
        %dma_start3A_562 = tpu.memref_slice %arg13[%dma_start3A_560, %dma_start3A_561] : memref<400x128xf32, #tpu.memory_space<vmem>> -> memref<80x128xf32, #tpu.memory_space<vmem>>
        %dma_start3A_563 = arith.constant 0 : i32
        %dma_start3A_564 = tpu.memref_slice %arg11[%run_scoped3A_427, %dma_start3A_563] : memref<5x80xi32, #tpu.memory_space<vmem>> -> memref<1x80xi32, #tpu.memory_space<vmem>>
        %dma_start3A_565 = tpu.memref_squeeze %dma_start3A_564 : memref<1x80xi32, #tpu.memory_space<vmem>> -> memref<80xi32, #tpu.memory_space<vmem>>
        %dma_start3A_566 = arith.constant 0 : i32
        %dma_start3A_567 = arith.constant 0 : i32
        %dma_start3A_568 = tpu.memref_slice %arg17[%dma_start3A_566, %dma_start3A_567] : memref<1024x128xf32, #tpu.memory_space<vmem_shared>> -> memref<1024x128xf32, #tpu.memory_space<vmem_shared>>
        tpu.enqueue_indirect_dma source(%dma_start3A_562 : memref<80x128xf32, #tpu.memory_space<vmem>>) target(%dma_start3A_568 : memref<1024x128xf32, #tpu.memory_space<vmem_shared>>) offsets(%dma_start3A_565 : memref<80xi32, #tpu.memory_space<vmem>>) semaphore(%run_scoped3A_559 : memref<!tpu.dma_semaphore, #tpu.memory_space<semaphore_mem>>) {add = true}
        %dma_wait3A_569 = arith.constant 240 : i32
        %dma_wait3A_570 = arith.constant 0 : i32
        %dma_wait3A_571 = tpu.memref_slice %arg13[%dma_wait3A_569, %dma_wait3A_570] : memref<400x128xf32, #tpu.memory_space<vmem>> -> memref<80x128xf32, #tpu.memory_space<vmem>>
        %dma_wait3A_572 = arith.constant 0 : i32
        %dma_wait3A_573 = tpu.memref_slice %arg11[%run_scoped3A_427, %dma_wait3A_572] : memref<5x80xi32, #tpu.memory_space<vmem>> -> memref<1x80xi32, #tpu.memory_space<vmem>>
        %dma_wait3A_574 = tpu.memref_squeeze %dma_wait3A_573 : memref<1x80xi32, #tpu.memory_space<vmem>> -> memref<80xi32, #tpu.memory_space<vmem>>
        %dma_wait3A_575 = arith.constant 0 : i32
        %dma_wait3A_576 = arith.constant 0 : i32
        %dma_wait3A_577 = tpu.memref_slice %arg17[%dma_wait3A_575, %dma_wait3A_576] : memref<1024x128xf32, #tpu.memory_space<vmem_shared>> -> memref<1024x128xf32, #tpu.memory_space<vmem_shared>>
        tpu.wait_indirect_dma semaphore(%run_scoped3A_559 : memref<!tpu.dma_semaphore, #tpu.memory_space<semaphore_mem>>) src(%dma_wait3A_571 : memref<80x128xf32, #tpu.memory_space<vmem>>) dst(%dma_wait3A_577 : memref<1024x128xf32, #tpu.memory_space<vmem_shared>>)
        tpu.yield
      }) : () -> ()
      %run_scoped3A_428 = arith.constant 4 : i32
      "tpu.region"() ({
        %run_scoped3A_559 = tpu.sem_alloc : memref<!tpu.dma_semaphore, #tpu.memory_space<semaphore_mem>>
        %dma_start3A_560 = arith.constant 320 : i32
        %dma_start3A_561 = arith.constant 0 : i32
        %dma_start3A_562 = tpu.memref_slice %arg13[%dma_start3A_560, %dma_start3A_561] : memref<400x128xf32, #tpu.memory_space<vmem>> -> memref<80x128xf32, #tpu.memory_space<vmem>>
        %dma_start3A_563 = arith.constant 0 : i32
        %dma_start3A_564 = tpu.memref_slice %arg11[%run_scoped3A_428, %dma_start3A_563] : memref<5x80xi32, #tpu.memory_space<vmem>> -> memref<1x80xi32, #tpu.memory_space<vmem>>
        %dma_start3A_565 = tpu.memref_squeeze %dma_start3A_564 : memref<1x80xi32, #tpu.memory_space<vmem>> -> memref<80xi32, #tpu.memory_space<vmem>>
        %dma_start3A_566 = arith.constant 0 : i32
        %dma_start3A_567 = arith.constant 0 : i32
        %dma_start3A_568 = tpu.memref_slice %arg17[%dma_start3A_566, %dma_start3A_567] : memref<1024x128xf32, #tpu.memory_space<vmem_shared>> -> memref<1024x128xf32, #tpu.memory_space<vmem_shared>>
        tpu.enqueue_indirect_dma source(%dma_start3A_562 : memref<80x128xf32, #tpu.memory_space<vmem>>) target(%dma_start3A_568 : memref<1024x128xf32, #tpu.memory_space<vmem_shared>>) offsets(%dma_start3A_565 : memref<80xi32, #tpu.memory_space<vmem>>) semaphore(%run_scoped3A_559 : memref<!tpu.dma_semaphore, #tpu.memory_space<semaphore_mem>>) {add = true}
        %dma_wait3A_569 = arith.constant 320 : i32
        %dma_wait3A_570 = arith.constant 0 : i32
        %dma_wait3A_571 = tpu.memref_slice %arg13[%dma_wait3A_569, %dma_wait3A_570] : memref<400x128xf32, #tpu.memory_space<vmem>> -> memref<80x128xf32, #tpu.memory_space<vmem>>
        %dma_wait3A_572 = arith.constant 0 : i32
        %dma_wait3A_573 = tpu.memref_slice %arg11[%run_scoped3A_428, %dma_wait3A_572] : memref<5x80xi32, #tpu.memory_space<vmem>> -> memref<1x80xi32, #tpu.memory_space<vmem>>
        %dma_wait3A_574 = tpu.memref_squeeze %dma_wait3A_573 : memref<1x80xi32, #tpu.memory_space<vmem>> -> memref<80xi32, #tpu.memory_space<vmem>>
        %dma_wait3A_575 = arith.constant 0 : i32
        %dma_wait3A_576 = arith.constant 0 : i32
        %dma_wait3A_577 = tpu.memref_slice %arg17[%dma_wait3A_575, %dma_wait3A_576] : memref<1024x128xf32, #tpu.memory_space<vmem_shared>> -> memref<1024x128xf32, #tpu.memory_space<vmem_shared>>
        tpu.wait_indirect_dma semaphore(%run_scoped3A_559 : memref<!tpu.dma_semaphore, #tpu.memory_space<semaphore_mem>>) src(%dma_wait3A_571 : memref<80x128xf32, #tpu.memory_space<vmem>>) dst(%dma_wait3A_577 : memref<1024x128xf32, #tpu.memory_space<vmem_shared>>)
        tpu.yield
      }) : () -> ()
      %add3A_429 = arith.constant 1 : i32
      %add3A_430 = arith.addi %add3A_301, %add3A_429 : i32
      %add3A_431 = arith.constant 1 : i32
      %add3A_432 = arith.addi %add3A_430, %add3A_431 : i32
      %lt3A_433 = arith.constant 25 : i32
      %lt3A_434 = arith.cmpi slt, %add3A_432, %lt3A_433 : i32
      %convert_element_type3A_435 = arith.extui %lt3A_434 : i1 to i32
      %cond3A_436 = arith.constant 0 : i32
      %cond3A_437 = arith.cmpi ne, %convert_element_type3A_435, %cond3A_436 : i32
      scf.if %cond3A_437 {
        %add3A_559 = arith.constant 1 : i32
        %add3A_560 = arith.addi %add3A_430, %add3A_559 : i32
        %add3A_561 = arith.addi %mul3A_2, %add3A_560 : i32
        %dma_start3A_562 = arith.constant 0 : i32
        %dma_start3A_563 = arith.constant 0 : i32
        %dma_start3A_564 = tpu.memref_slice %arg4[%add3A_561, %dma_start3A_562, %dma_start3A_563] : memref<800x5x80xi32, #tpu.memory_space<hbm>> -> memref<1x5x80xi32, #tpu.memory_space<hbm>>
        %dma_start3A_565 = tpu.memref_squeeze %dma_start3A_564 : memref<1x5x80xi32, #tpu.memory_space<hbm>> -> memref<5x80xi32, #tpu.memory_space<hbm>>
        %dma_start3A_566 = arith.constant 0 : i32
        %dma_start3A_567 = arith.constant 0 : i32
        %dma_start3A_568 = tpu.memref_slice %arg4[%add3A_561, %dma_start3A_566, %dma_start3A_567] : memref<800x5x80xi32, #tpu.memory_space<hbm>> -> memref<1x5x80xi32, #tpu.memory_space<hbm>>
        %dma_start3A_569 = tpu.memref_squeeze %dma_start3A_568 : memref<1x5x80xi32, #tpu.memory_space<hbm>> -> memref<5x80xi32, #tpu.memory_space<hbm>>
        tpu.enqueue_dma source(%dma_start3A_569 : memref<5x80xi32, #tpu.memory_space<hbm>>) target(%arg11 : memref<5x80xi32, #tpu.memory_space<vmem>>) target_semaphore(%arg19 : memref<!tpu.dma_semaphore, #tpu.memory_space<semaphore_mem>>)
        %mul3A_570 = arith.constant 400 : i32
        %mul3A_571 = arith.muli %add3A_561, %mul3A_570 : i32
        %dma_start3A_572 = arith.constant 0 : i32
        %dma_start3A_573 = tpu.memref_slice %arg2[%mul3A_571, %dma_start3A_572] : memref<320000x128xf32, #tpu.memory_space<hbm>> -> memref<400x128xf32, #tpu.memory_space<hbm>>
        %dma_start3A_574 = arith.constant 0 : i32
        %dma_start3A_575 = tpu.memref_slice %arg2[%mul3A_571, %dma_start3A_574] : memref<320000x128xf32, #tpu.memory_space<hbm>> -> memref<400x128xf32, #tpu.memory_space<hbm>>
        tpu.enqueue_dma source(%dma_start3A_575 : memref<400x128xf32, #tpu.memory_space<hbm>>) target(%arg13 : memref<400x128xf32, #tpu.memory_space<vmem>>) target_semaphore(%arg21 : memref<!tpu.dma_semaphore, #tpu.memory_space<semaphore_mem>>)
      } else {
      }
      %dma_wait3A_438 = arith.constant 0 : i32
      %dma_wait3A_439 = arith.constant 0 : i32
      %dma_wait3A_440 = tpu.memref_slice %arg4[%mul3A_2, %dma_wait3A_438, %dma_wait3A_439] : memref<800x5x80xi32, #tpu.memory_space<hbm>> -> memref<1x5x80xi32, #tpu.memory_space<hbm>>
      %dma_wait3A_441 = tpu.memref_squeeze %dma_wait3A_440 : memref<1x5x80xi32, #tpu.memory_space<hbm>> -> memref<5x80xi32, #tpu.memory_space<hbm>>
      %dma_wait3A_442 = arith.constant 0 : i32
      %dma_wait3A_443 = arith.constant 0 : i32
      %dma_wait3A_444 = tpu.memref_slice %arg4[%mul3A_2, %dma_wait3A_442, %dma_wait3A_443] : memref<800x5x80xi32, #tpu.memory_space<hbm>> -> memref<1x5x80xi32, #tpu.memory_space<hbm>>
      %dma_wait3A_445 = tpu.memref_squeeze %dma_wait3A_444 : memref<1x5x80xi32, #tpu.memory_space<hbm>> -> memref<5x80xi32, #tpu.memory_space<hbm>>
      tpu.wait_dma2 semaphore(%arg20 : memref<!tpu.dma_semaphore, #tpu.memory_space<semaphore_mem>>) src(%dma_wait3A_445 : memref<5x80xi32, #tpu.memory_space<hbm>>) dst(%arg12 : memref<5x80xi32, #tpu.memory_space<vmem>>)
      %broadcast_in_dim3A_446 = arith.constant 1.000000e+00 : f32
      %broadcast_in_dim3A_447 = vector.broadcast %broadcast_in_dim3A_446 : f32 to vector<16xf32>
      %get3A_448 = arith.constant 0 : i32
      %get3A_449 = arith.index_cast %get3A_448 : i32 to index
      %get3A_450 = arith.constant 0 : index
      %get3A_451 = tpu.vector_load %arg12[%get3A_449, %get3A_450] {strides = array<i32>} : memref<5x80xi32, #tpu.memory_space<vmem>>, vector<16xi32>,
      tpu.vector_store_idx %arg15[%get3A_451], %broadcast_in_dim3A_447 {add = true} : memref<1024xf32, #tpu.memory_space<vmem>>[vector<16xi32>], vector<16xf32>,
      %get3A_452 = arith.constant 0 : i32
      %get3A_453 = arith.index_cast %get3A_452 : i32 to index
      %get3A_454 = arith.constant 16 : index
      %get3A_455 = tpu.vector_load %arg12[%get3A_453, %get3A_454] {strides = array<i32>} : memref<5x80xi32, #tpu.memory_space<vmem>>, vector<16xi32>,
      tpu.vector_store_idx %arg15[%get3A_455], %broadcast_in_dim3A_447 {add = true} : memref<1024xf32, #tpu.memory_space<vmem>>[vector<16xi32>], vector<16xf32>,
      %get3A_456 = arith.constant 0 : i32
      %get3A_457 = arith.index_cast %get3A_456 : i32 to index
      %get3A_458 = arith.constant 32 : index
      %get3A_459 = tpu.vector_load %arg12[%get3A_457, %get3A_458] {strides = array<i32>} : memref<5x80xi32, #tpu.memory_space<vmem>>, vector<16xi32>,
      tpu.vector_store_idx %arg15[%get3A_459], %broadcast_in_dim3A_447 {add = true} : memref<1024xf32, #tpu.memory_space<vmem>>[vector<16xi32>], vector<16xf32>,
      %get3A_460 = arith.constant 0 : i32
      %get3A_461 = arith.index_cast %get3A_460 : i32 to index
      %get3A_462 = arith.constant 48 : index
      %get3A_463 = tpu.vector_load %arg12[%get3A_461, %get3A_462] {strides = array<i32>} : memref<5x80xi32, #tpu.memory_space<vmem>>, vector<16xi32>,
      tpu.vector_store_idx %arg15[%get3A_463], %broadcast_in_dim3A_447 {add = true} : memref<1024xf32, #tpu.memory_space<vmem>>[vector<16xi32>], vector<16xf32>,
      %get3A_464 = arith.constant 0 : i32
      %get3A_465 = arith.index_cast %get3A_464 : i32 to index
      %get3A_466 = arith.constant 64 : index
      %get3A_467 = tpu.vector_load %arg12[%get3A_465, %get3A_466] {strides = array<i32>} : memref<5x80xi32, #tpu.memory_space<vmem>>, vector<16xi32>,
      tpu.vector_store_idx %arg15[%get3A_467], %broadcast_in_dim3A_447 {add = true} : memref<1024xf32, #tpu.memory_space<vmem>>[vector<16xi32>], vector<16xf32>,
      %get3A_468 = arith.constant 1 : i32
      %get3A_469 = arith.index_cast %get3A_468 : i32 to index
      %get3A_470 = arith.constant 0 : index
      %get3A_471 = tpu.vector_load %arg12[%get3A_469, %get3A_470] {strides = array<i32>} : memref<5x80xi32, #tpu.memory_space<vmem>>, vector<16xi32>,
      tpu.vector_store_idx %arg15[%get3A_471], %broadcast_in_dim3A_447 {add = true} : memref<1024xf32, #tpu.memory_space<vmem>>[vector<16xi32>], vector<16xf32>,
      %get3A_472 = arith.constant 1 : i32
      %get3A_473 = arith.index_cast %get3A_472 : i32 to index
      %get3A_474 = arith.constant 16 : index
      %get3A_475 = tpu.vector_load %arg12[%get3A_473, %get3A_474] {strides = array<i32>} : memref<5x80xi32, #tpu.memory_space<vmem>>, vector<16xi32>,
      tpu.vector_store_idx %arg15[%get3A_475], %broadcast_in_dim3A_447 {add = true} : memref<1024xf32, #tpu.memory_space<vmem>>[vector<16xi32>], vector<16xf32>,
      %get3A_476 = arith.constant 1 : i32
      %get3A_477 = arith.index_cast %get3A_476 : i32 to index
      %get3A_478 = arith.constant 32 : index
      %get3A_479 = tpu.vector_load %arg12[%get3A_477, %get3A_478] {strides = array<i32>} : memref<5x80xi32, #tpu.memory_space<vmem>>, vector<16xi32>,
      tpu.vector_store_idx %arg15[%get3A_479], %broadcast_in_dim3A_447 {add = true} : memref<1024xf32, #tpu.memory_space<vmem>>[vector<16xi32>], vector<16xf32>,
      %get3A_480 = arith.constant 1 : i32
      %get3A_481 = arith.index_cast %get3A_480 : i32 to index
      %get3A_482 = arith.constant 48 : index
      %get3A_483 = tpu.vector_load %arg12[%get3A_481, %get3A_482] {strides = array<i32>} : memref<5x80xi32, #tpu.memory_space<vmem>>, vector<16xi32>,
      tpu.vector_store_idx %arg15[%get3A_483], %broadcast_in_dim3A_447 {add = true} : memref<1024xf32, #tpu.memory_space<vmem>>[vector<16xi32>], vector<16xf32>,
      %get3A_484 = arith.constant 1 : i32
      %get3A_485 = arith.index_cast %get3A_484 : i32 to index
      %get3A_486 = arith.constant 64 : index
      %get3A_487 = tpu.vector_load %arg12[%get3A_485, %get3A_486] {strides = array<i32>} : memref<5x80xi32, #tpu.memory_space<vmem>>, vector<16xi32>,
      tpu.vector_store_idx %arg15[%get3A_487], %broadcast_in_dim3A_447 {add = true} : memref<1024xf32, #tpu.memory_space<vmem>>[vector<16xi32>], vector<16xf32>,
      %get3A_488 = arith.constant 2 : i32
      %get3A_489 = arith.index_cast %get3A_488 : i32 to index
      %get3A_490 = arith.constant 0 : index
      %get3A_491 = tpu.vector_load %arg12[%get3A_489, %get3A_490] {strides = array<i32>} : memref<5x80xi32, #tpu.memory_space<vmem>>, vector<16xi32>,
      tpu.vector_store_idx %arg15[%get3A_491], %broadcast_in_dim3A_447 {add = true} : memref<1024xf32, #tpu.memory_space<vmem>>[vector<16xi32>], vector<16xf32>,
      %get3A_492 = arith.constant 2 : i32
      %get3A_493 = arith.index_cast %get3A_492 : i32 to index
      %get3A_494 = arith.constant 16 : index
      %get3A_495 = tpu.vector_load %arg12[%get3A_493, %get3A_494] {strides = array<i32>} : memref<5x80xi32, #tpu.memory_space<vmem>>, vector<16xi32>,
      tpu.vector_store_idx %arg15[%get3A_495], %broadcast_in_dim3A_447 {add = true} : memref<1024xf32, #tpu.memory_space<vmem>>[vector<16xi32>], vector<16xf32>,
      %get3A_496 = arith.constant 2 : i32
      %get3A_497 = arith.index_cast %get3A_496 : i32 to index
      %get3A_498 = arith.constant 32 : index
      %get3A_499 = tpu.vector_load %arg12[%get3A_497, %get3A_498] {strides = array<i32>} : memref<5x80xi32, #tpu.memory_space<vmem>>, vector<16xi32>,
      tpu.vector_store_idx %arg15[%get3A_499], %broadcast_in_dim3A_447 {add = true} : memref<1024xf32, #tpu.memory_space<vmem>>[vector<16xi32>], vector<16xf32>,
      %get3A_500 = arith.constant 2 : i32
      %get3A_501 = arith.index_cast %get3A_500 : i32 to index
      %get3A_502 = arith.constant 48 : index
      %get3A_503 = tpu.vector_load %arg12[%get3A_501, %get3A_502] {strides = array<i32>} : memref<5x80xi32, #tpu.memory_space<vmem>>, vector<16xi32>,
      tpu.vector_store_idx %arg15[%get3A_503], %broadcast_in_dim3A_447 {add = true} : memref<1024xf32, #tpu.memory_space<vmem>>[vector<16xi32>], vector<16xf32>,
      %get3A_504 = arith.constant 2 : i32
      %get3A_505 = arith.index_cast %get3A_504 : i32 to index
      %get3A_506 = arith.constant 64 : index
      %get3A_507 = tpu.vector_load %arg12[%get3A_505, %get3A_506] {strides = array<i32>} : memref<5x80xi32, #tpu.memory_space<vmem>>, vector<16xi32>,
      tpu.vector_store_idx %arg15[%get3A_507], %broadcast_in_dim3A_447 {add = true} : memref<1024xf32, #tpu.memory_space<vmem>>[vector<16xi32>], vector<16xf32>,
      %get3A_508 = arith.constant 3 : i32
      %get3A_509 = arith.index_cast %get3A_508 : i32 to index
      %get3A_510 = arith.constant 0 : index
      %get3A_511 = tpu.vector_load %arg12[%get3A_509, %get3A_510] {strides = array<i32>} : memref<5x80xi32, #tpu.memory_space<vmem>>, vector<16xi32>,
      tpu.vector_store_idx %arg15[%get3A_511], %broadcast_in_dim3A_447 {add = true} : memref<1024xf32, #tpu.memory_space<vmem>>[vector<16xi32>], vector<16xf32>,
      %get3A_512 = arith.constant 3 : i32
      %get3A_513 = arith.index_cast %get3A_512 : i32 to index
      %get3A_514 = arith.constant 16 : index
      %get3A_515 = tpu.vector_load %arg12[%get3A_513, %get3A_514] {strides = array<i32>} : memref<5x80xi32, #tpu.memory_space<vmem>>, vector<16xi32>,
      tpu.vector_store_idx %arg15[%get3A_515], %broadcast_in_dim3A_447 {add = true} : memref<1024xf32, #tpu.memory_space<vmem>>[vector<16xi32>], vector<16xf32>,
      %get3A_516 = arith.constant 3 : i32
      %get3A_517 = arith.index_cast %get3A_516 : i32 to index
      %get3A_518 = arith.constant 32 : index
      %get3A_519 = tpu.vector_load %arg12[%get3A_517, %get3A_518] {strides = array<i32>} : memref<5x80xi32, #tpu.memory_space<vmem>>, vector<16xi32>,
      tpu.vector_store_idx %arg15[%get3A_519], %broadcast_in_dim3A_447 {add = true} : memref<1024xf32, #tpu.memory_space<vmem>>[vector<16xi32>], vector<16xf32>,
      %get3A_520 = arith.constant 3 : i32
      %get3A_521 = arith.index_cast %get3A_520 : i32 to index
      %get3A_522 = arith.constant 48 : index
      %get3A_523 = tpu.vector_load %arg12[%get3A_521, %get3A_522] {strides = array<i32>} : memref<5x80xi32, #tpu.memory_space<vmem>>, vector<16xi32>,
      tpu.vector_store_idx %arg15[%get3A_523], %broadcast_in_dim3A_447 {add = true} : memref<1024xf32, #tpu.memory_space<vmem>>[vector<16xi32>], vector<16xf32>,
      %get3A_524 = arith.constant 3 : i32
      %get3A_525 = arith.index_cast %get3A_524 : i32 to index
      %get3A_526 = arith.constant 64 : index
      %get3A_527 = tpu.vector_load %arg12[%get3A_525, %get3A_526] {strides = array<i32>} : memref<5x80xi32, #tpu.memory_space<vmem>>, vector<16xi32>,
      tpu.vector_store_idx %arg15[%get3A_527], %broadcast_in_dim3A_447 {add = true} : memref<1024xf32, #tpu.memory_space<vmem>>[vector<16xi32>], vector<16xf32>,
      %get3A_528 = arith.constant 4 : i32
      %get3A_529 = arith.index_cast %get3A_528 : i32 to index
      %get3A_530 = arith.constant 0 : index
      %get3A_531 = tpu.vector_load %arg12[%get3A_529, %get3A_530] {strides = array<i32>} : memref<5x80xi32, #tpu.memory_space<vmem>>, vector<16xi32>,
      tpu.vector_store_idx %arg15[%get3A_531], %broadcast_in_dim3A_447 {add = true} : memref<1024xf32, #tpu.memory_space<vmem>>[vector<16xi32>], vector<16xf32>,
      %get3A_532 = arith.constant 4 : i32
      %get3A_533 = arith.index_cast %get3A_532 : i32 to index
      %get3A_534 = arith.constant 16 : index
      %get3A_535 = tpu.vector_load %arg12[%get3A_533, %get3A_534] {strides = array<i32>} : memref<5x80xi32, #tpu.memory_space<vmem>>, vector<16xi32>,
      tpu.vector_store_idx %arg15[%get3A_535], %broadcast_in_dim3A_447 {add = true} : memref<1024xf32, #tpu.memory_space<vmem>>[vector<16xi32>], vector<16xf32>,
      %get3A_536 = arith.constant 4 : i32
      %get3A_537 = arith.index_cast %get3A_536 : i32 to index
      %get3A_538 = arith.constant 32 : index
      %get3A_539 = tpu.vector_load %arg12[%get3A_537, %get3A_538] {strides = array<i32>} : memref<5x80xi32, #tpu.memory_space<vmem>>, vector<16xi32>,
      tpu.vector_store_idx %arg15[%get3A_539], %broadcast_in_dim3A_447 {add = true} : memref<1024xf32, #tpu.memory_space<vmem>>[vector<16xi32>], vector<16xf32>,
      %get3A_540 = arith.constant 4 : i32
      %get3A_541 = arith.index_cast %get3A_540 : i32 to index
      %get3A_542 = arith.constant 48 : index
      %get3A_543 = tpu.vector_load %arg12[%get3A_541, %get3A_542] {strides = array<i32>} : memref<5x80xi32, #tpu.memory_space<vmem>>, vector<16xi32>,
      tpu.vector_store_idx %arg15[%get3A_543], %broadcast_in_dim3A_447 {add = true} : memref<1024xf32, #tpu.memory_space<vmem>>[vector<16xi32>], vector<16xf32>,
      %get3A_544 = arith.constant 4 : i32
      %get3A_545 = arith.index_cast %get3A_544 : i32 to index
      %get3A_546 = arith.constant 64 : index
      %get3A_547 = tpu.vector_load %arg12[%get3A_545, %get3A_546] {strides = array<i32>} : memref<5x80xi32, #tpu.memory_space<vmem>>, vector<16xi32>,
      tpu.vector_store_idx %arg15[%get3A_547], %broadcast_in_dim3A_447 {add = true} : memref<1024xf32, #tpu.memory_space<vmem>>[vector<16xi32>], vector<16xf32>,
      %dma_wait3A_548 = arith.constant 0 : i32
      %dma_wait3A_549 = arith.constant 0 : i32
      %dma_wait3A_550 = tpu.memref_slice %arg2[%dma_wait3A_548, %dma_wait3A_549] : memref<320000x128xf32, #tpu.memory_space<hbm>> -> memref<400x128xf32, #tpu.memory_space<hbm>>
      %dma_wait3A_551 = arith.constant 0 : i32
      %dma_wait3A_552 = arith.constant 0 : i32
      %dma_wait3A_553 = tpu.memref_slice %arg2[%dma_wait3A_551, %dma_wait3A_552] : memref<320000x128xf32, #tpu.memory_space<hbm>> -> memref<400x128xf32, #tpu.memory_space<hbm>>
      tpu.wait_dma2 semaphore(%arg22 : memref<!tpu.dma_semaphore, #tpu.memory_space<semaphore_mem>>) src(%dma_wait3A_553 : memref<400x128xf32, #tpu.memory_space<hbm>>) dst(%arg14 : memref<400x128xf32, #tpu.memory_space<vmem>>)
      %run_scoped3A_554 = arith.constant 0 : i32
      "tpu.region"() ({
        %run_scoped3A_559 = tpu.sem_alloc : memref<!tpu.dma_semaphore, #tpu.memory_space<semaphore_mem>>
        %dma_start3A_560 = arith.constant 0 : i32
        %dma_start3A_561 = arith.constant 0 : i32
        %dma_start3A_562 = tpu.memref_slice %arg14[%dma_start3A_560, %dma_start3A_561] : memref<400x128xf32, #tpu.memory_space<vmem>> -> memref<80x128xf32, #tpu.memory_space<vmem>>
        %dma_start3A_563 = arith.constant 0 : i32
        %dma_start3A_564 = tpu.memref_slice %arg12[%run_scoped3A_554, %dma_start3A_563] : memref<5x80xi32, #tpu.memory_space<vmem>> -> memref<1x80xi32, #tpu.memory_space<vmem>>
        %dma_start3A_565 = tpu.memref_squeeze %dma_start3A_564 : memref<1x80xi32, #tpu.memory_space<vmem>> -> memref<80xi32, #tpu.memory_space<vmem>>
        %dma_start3A_566 = arith.constant 0 : i32
        %dma_start3A_567 = arith.constant 0 : i32
        %dma_start3A_568 = tpu.memref_slice %arg17[%dma_start3A_566, %dma_start3A_567] : memref<1024x128xf32, #tpu.memory_space<vmem_shared>> -> memref<1024x128xf32, #tpu.memory_space<vmem_shared>>
        tpu.enqueue_indirect_dma source(%dma_start3A_562 : memref<80x128xf32, #tpu.memory_space<vmem>>) target(%dma_start3A_568 : memref<1024x128xf32, #tpu.memory_space<vmem_shared>>) offsets(%dma_start3A_565 : memref<80xi32, #tpu.memory_space<vmem>>) semaphore(%run_scoped3A_559 : memref<!tpu.dma_semaphore, #tpu.memory_space<semaphore_mem>>) {add = true}
        %dma_wait3A_569 = arith.constant 0 : i32
        %dma_wait3A_570 = arith.constant 0 : i32
        %dma_wait3A_571 = tpu.memref_slice %arg14[%dma_wait3A_569, %dma_wait3A_570] : memref<400x128xf32, #tpu.memory_space<vmem>> -> memref<80x128xf32, #tpu.memory_space<vmem>>
        %dma_wait3A_572 = arith.constant 0 : i32
        %dma_wait3A_573 = tpu.memref_slice %arg12[%run_scoped3A_554, %dma_wait3A_572] : memref<5x80xi32, #tpu.memory_space<vmem>> -> memref<1x80xi32, #tpu.memory_space<vmem>>
        %dma_wait3A_574 = tpu.memref_squeeze %dma_wait3A_573 : memref<1x80xi32, #tpu.memory_space<vmem>> -> memref<80xi32, #tpu.memory_space<vmem>>
        %dma_wait3A_575 = arith.constant 0 : i32
        %dma_wait3A_576 = arith.constant 0 : i32
        %dma_wait3A_577 = tpu.memref_slice %arg17[%dma_wait3A_575, %dma_wait3A_576] : memref<1024x128xf32, #tpu.memory_space<vmem_shared>> -> memref<1024x128xf32, #tpu.memory_space<vmem_shared>>
        tpu.wait_indirect_dma semaphore(%run_scoped3A_559 : memref<!tpu.dma_semaphore, #tpu.memory_space<semaphore_mem>>) src(%dma_wait3A_571 : memref<80x128xf32, #tpu.memory_space<vmem>>) dst(%dma_wait3A_577 : memref<1024x128xf32, #tpu.memory_space<vmem_shared>>)
        tpu.yield
      }) : () -> ()
      %run_scoped3A_555 = arith.constant 1 : i32
      "tpu.region"() ({
        %run_scoped3A_559 = tpu.sem_alloc : memref<!tpu.dma_semaphore, #tpu.memory_space<semaphore_mem>>
        %dma_start3A_560 = arith.constant 80 : i32
        %dma_start3A_561 = arith.constant 0 : i32
        %dma_start3A_562 = tpu.memref_slice %arg14[%dma_start3A_560, %dma_start3A_561] : memref<400x128xf32, #tpu.memory_space<vmem>> -> memref<80x128xf32, #tpu.memory_space<vmem>>
        %dma_start3A_563 = arith.constant 0 : i32
        %dma_start3A_564 = tpu.memref_slice %arg12[%run_scoped3A_555, %dma_start3A_563] : memref<5x80xi32, #tpu.memory_space<vmem>> -> memref<1x80xi32, #tpu.memory_space<vmem>>
        %dma_start3A_565 = tpu.memref_squeeze %dma_start3A_564 : memref<1x80xi32, #tpu.memory_space<vmem>> -> memref<80xi32, #tpu.memory_space<vmem>>
        %dma_start3A_566 = arith.constant 0 : i32
        %dma_start3A_567 = arith.constant 0 : i32
        %dma_start3A_568 = tpu.memref_slice %arg17[%dma_start3A_566, %dma_start3A_567] : memref<1024x128xf32, #tpu.memory_space<vmem_shared>> -> memref<1024x128xf32, #tpu.memory_space<vmem_shared>>
        tpu.enqueue_indirect_dma source(%dma_start3A_562 : memref<80x128xf32, #tpu.memory_space<vmem>>) target(%dma_start3A_568 : memref<1024x128xf32, #tpu.memory_space<vmem_shared>>) offsets(%dma_start3A_565 : memref<80xi32, #tpu.memory_space<vmem>>) semaphore(%run_scoped3A_559 : memref<!tpu.dma_semaphore, #tpu.memory_space<semaphore_mem>>) {add = true}
        %dma_wait3A_569 = arith.constant 80 : i32
        %dma_wait3A_570 = arith.constant 0 : i32
        %dma_wait3A_571 = tpu.memref_slice %arg14[%dma_wait3A_569, %dma_wait3A_570] : memref<400x128xf32, #tpu.memory_space<vmem>> -> memref<80x128xf32, #tpu.memory_space<vmem>>
        %dma_wait3A_572 = arith.constant 0 : i32
        %dma_wait3A_573 = tpu.memref_slice %arg12[%run_scoped3A_555, %dma_wait3A_572] : memref<5x80xi32, #tpu.memory_space<vmem>> -> memref<1x80xi32, #tpu.memory_space<vmem>>
        %dma_wait3A_574 = tpu.memref_squeeze %dma_wait3A_573 : memref<1x80xi32, #tpu.memory_space<vmem>> -> memref<80xi32, #tpu.memory_space<vmem>>
        %dma_wait3A_575 = arith.constant 0 : i32
        %dma_wait3A_576 = arith.constant 0 : i32
        %dma_wait3A_577 = tpu.memref_slice %arg17[%dma_wait3A_575, %dma_wait3A_576] : memref<1024x128xf32, #tpu.memory_space<vmem_shared>> -> memref<1024x128xf32, #tpu.memory_space<vmem_shared>>
        tpu.wait_indirect_dma semaphore(%run_scoped3A_559 : memref<!tpu.dma_semaphore, #tpu.memory_space<semaphore_mem>>) src(%dma_wait3A_571 : memref<80x128xf32, #tpu.memory_space<vmem>>) dst(%dma_wait3A_577 : memref<1024x128xf32, #tpu.memory_space<vmem_shared>>)
        tpu.yield
      }) : () -> ()
      %run_scoped3A_556 = arith.constant 2 : i32
      "tpu.region"() ({
        %run_scoped3A_559 = tpu.sem_alloc : memref<!tpu.dma_semaphore, #tpu.memory_space<semaphore_mem>>
        %dma_start3A_560 = arith.constant 160 : i32
        %dma_start3A_561 = arith.constant 0 : i32
        %dma_start3A_562 = tpu.memref_slice %arg14[%dma_start3A_560, %dma_start3A_561] : memref<400x128xf32, #tpu.memory_space<vmem>> -> memref<80x128xf32, #tpu.memory_space<vmem>>
        %dma_start3A_563 = arith.constant 0 : i32
        %dma_start3A_564 = tpu.memref_slice %arg12[%run_scoped3A_556, %dma_start3A_563] : memref<5x80xi32, #tpu.memory_space<vmem>> -> memref<1x80xi32, #tpu.memory_space<vmem>>
        %dma_start3A_565 = tpu.memref_squeeze %dma_start3A_564 : memref<1x80xi32, #tpu.memory_space<vmem>> -> memref<80xi32, #tpu.memory_space<vmem>>
        %dma_start3A_566 = arith.constant 0 : i32
        %dma_start3A_567 = arith.constant 0 : i32
        %dma_start3A_568 = tpu.memref_slice %arg17[%dma_start3A_566, %dma_start3A_567] : memref<1024x128xf32, #tpu.memory_space<vmem_shared>> -> memref<1024x128xf32, #tpu.memory_space<vmem_shared>>
        tpu.enqueue_indirect_dma source(%dma_start3A_562 : memref<80x128xf32, #tpu.memory_space<vmem>>) target(%dma_start3A_568 : memref<1024x128xf32, #tpu.memory_space<vmem_shared>>) offsets(%dma_start3A_565 : memref<80xi32, #tpu.memory_space<vmem>>) semaphore(%run_scoped3A_559 : memref<!tpu.dma_semaphore, #tpu.memory_space<semaphore_mem>>) {add = true}
        %dma_wait3A_569 = arith.constant 160 : i32
        %dma_wait3A_570 = arith.constant 0 : i32
        %dma_wait3A_571 = tpu.memref_slice %arg14[%dma_wait3A_569, %dma_wait3A_570] : memref<400x128xf32, #tpu.memory_space<vmem>> -> memref<80x128xf32, #tpu.memory_space<vmem>>
        %dma_wait3A_572 = arith.constant 0 : i32
        %dma_wait3A_573 = tpu.memref_slice %arg12[%run_scoped3A_556, %dma_wait3A_572] : memref<5x80xi32, #tpu.memory_space<vmem>> -> memref<1x80xi32, #tpu.memory_space<vmem>>
        %dma_wait3A_574 = tpu.memref_squeeze %dma_wait3A_573 : memref<1x80xi32, #tpu.memory_space<vmem>> -> memref<80xi32, #tpu.memory_space<vmem>>
        %dma_wait3A_575 = arith.constant 0 : i32
        %dma_wait3A_576 = arith.constant 0 : i32
        %dma_wait3A_577 = tpu.memref_slice %arg17[%dma_wait3A_575, %dma_wait3A_576] : memref<1024x128xf32, #tpu.memory_space<vmem_shared>> -> memref<1024x128xf32, #tpu.memory_space<vmem_shared>>
        tpu.wait_indirect_dma semaphore(%run_scoped3A_559 : memref<!tpu.dma_semaphore, #tpu.memory_space<semaphore_mem>>) src(%dma_wait3A_571 : memref<80x128xf32, #tpu.memory_space<vmem>>) dst(%dma_wait3A_577 : memref<1024x128xf32, #tpu.memory_space<vmem_shared>>)
        tpu.yield
      }) : () -> ()
      %run_scoped3A_557 = arith.constant 3 : i32
      "tpu.region"() ({
        %run_scoped3A_559 = tpu.sem_alloc : memref<!tpu.dma_semaphore, #tpu.memory_space<semaphore_mem>>
        %dma_start3A_560 = arith.constant 240 : i32
        %dma_start3A_561 = arith.constant 0 : i32
        %dma_start3A_562 = tpu.memref_slice %arg14[%dma_start3A_560, %dma_start3A_561] : memref<400x128xf32, #tpu.memory_space<vmem>> -> memref<80x128xf32, #tpu.memory_space<vmem>>
        %dma_start3A_563 = arith.constant 0 : i32
        %dma_start3A_564 = tpu.memref_slice %arg12[%run_scoped3A_557, %dma_start3A_563] : memref<5x80xi32, #tpu.memory_space<vmem>> -> memref<1x80xi32, #tpu.memory_space<vmem>>
        %dma_start3A_565 = tpu.memref_squeeze %dma_start3A_564 : memref<1x80xi32, #tpu.memory_space<vmem>> -> memref<80xi32, #tpu.memory_space<vmem>>
        %dma_start3A_566 = arith.constant 0 : i32
        %dma_start3A_567 = arith.constant 0 : i32
        %dma_start3A_568 = tpu.memref_slice %arg17[%dma_start3A_566, %dma_start3A_567] : memref<1024x128xf32, #tpu.memory_space<vmem_shared>> -> memref<1024x128xf32, #tpu.memory_space<vmem_shared>>
        tpu.enqueue_indirect_dma source(%dma_start3A_562 : memref<80x128xf32, #tpu.memory_space<vmem>>) target(%dma_start3A_568 : memref<1024x128xf32, #tpu.memory_space<vmem_shared>>) offsets(%dma_start3A_565 : memref<80xi32, #tpu.memory_space<vmem>>) semaphore(%run_scoped3A_559 : memref<!tpu.dma_semaphore, #tpu.memory_space<semaphore_mem>>) {add = true}
        %dma_wait3A_569 = arith.constant 240 : i32
        %dma_wait3A_570 = arith.constant 0 : i32
        %dma_wait3A_571 = tpu.memref_slice %arg14[%dma_wait3A_569, %dma_wait3A_570] : memref<400x128xf32, #tpu.memory_space<vmem>> -> memref<80x128xf32, #tpu.memory_space<vmem>>
        %dma_wait3A_572 = arith.constant 0 : i32
        %dma_wait3A_573 = tpu.memref_slice %arg12[%run_scoped3A_557, %dma_wait3A_572] : memref<5x80xi32, #tpu.memory_space<vmem>> -> memref<1x80xi32, #tpu.memory_space<vmem>>
        %dma_wait3A_574 = tpu.memref_squeeze %dma_wait3A_573 : memref<1x80xi32, #tpu.memory_space<vmem>> -> memref<80xi32, #tpu.memory_space<vmem>>
        %dma_wait3A_575 = arith.constant 0 : i32
        %dma_wait3A_576 = arith.constant 0 : i32
        %dma_wait3A_577 = tpu.memref_slice %arg17[%dma_wait3A_575, %dma_wait3A_576] : memref<1024x128xf32, #tpu.memory_space<vmem_shared>> -> memref<1024x128xf32, #tpu.memory_space<vmem_shared>>
        tpu.wait_indirect_dma semaphore(%run_scoped3A_559 : memref<!tpu.dma_semaphore, #tpu.memory_space<semaphore_mem>>) src(%dma_wait3A_571 : memref<80x128xf32, #tpu.memory_space<vmem>>) dst(%dma_wait3A_577 : memref<1024x128xf32, #tpu.memory_space<vmem_shared>>)
        tpu.yield
      }) : () -> ()
      %run_scoped3A_558 = arith.constant 4 : i32
      "tpu.region"() ({
        %run_scoped3A_559 = tpu.sem_alloc : memref<!tpu.dma_semaphore, #tpu.memory_space<semaphore_mem>>
        %dma_start3A_560 = arith.constant 320 : i32
        %dma_start3A_561 = arith.constant 0 : i32
        %dma_start3A_562 = tpu.memref_slice %arg14[%dma_start3A_560, %dma_start3A_561] : memref<400x128xf32, #tpu.memory_space<vmem>> -> memref<80x128xf32, #tpu.memory_space<vmem>>
        %dma_start3A_563 = arith.constant 0 : i32
        %dma_start3A_564 = tpu.memref_slice %arg12[%run_scoped3A_558, %dma_start3A_563] : memref<5x80xi32, #tpu.memory_space<vmem>> -> memref<1x80xi32, #tpu.memory_space<vmem>>
        %dma_start3A_565 = tpu.memref_squeeze %dma_start3A_564 : memref<1x80xi32, #tpu.memory_space<vmem>> -> memref<80xi32, #tpu.memory_space<vmem>>
        %dma_start3A_566 = arith.constant 0 : i32
        %dma_start3A_567 = arith.constant 0 : i32
        %dma_start3A_568 = tpu.memref_slice %arg17[%dma_start3A_566, %dma_start3A_567] : memref<1024x128xf32, #tpu.memory_space<vmem_shared>> -> memref<1024x128xf32, #tpu.memory_space<vmem_shared>>
        tpu.enqueue_indirect_dma source(%dma_start3A_562 : memref<80x128xf32, #tpu.memory_space<vmem>>) target(%dma_start3A_568 : memref<1024x128xf32, #tpu.memory_space<vmem_shared>>) offsets(%dma_start3A_565 : memref<80xi32, #tpu.memory_space<vmem>>) semaphore(%run_scoped3A_559 : memref<!tpu.dma_semaphore, #tpu.memory_space<semaphore_mem>>) {add = true}
        %dma_wait3A_569 = arith.constant 320 : i32
        %dma_wait3A_570 = arith.constant 0 : i32
        %dma_wait3A_571 = tpu.memref_slice %arg14[%dma_wait3A_569, %dma_wait3A_570] : memref<400x128xf32, #tpu.memory_space<vmem>> -> memref<80x128xf32, #tpu.memory_space<vmem>>
        %dma_wait3A_572 = arith.constant 0 : i32
        %dma_wait3A_573 = tpu.memref_slice %arg12[%run_scoped3A_558, %dma_wait3A_572] : memref<5x80xi32, #tpu.memory_space<vmem>> -> memref<1x80xi32, #tpu.memory_space<vmem>>
        %dma_wait3A_574 = tpu.memref_squeeze %dma_wait3A_573 : memref<1x80xi32, #tpu.memory_space<vmem>> -> memref<80xi32, #tpu.memory_space<vmem>>
        %dma_wait3A_575 = arith.constant 0 : i32
        %dma_wait3A_576 = arith.constant 0 : i32
        %dma_wait3A_577 = tpu.memref_slice %arg17[%dma_wait3A_575, %dma_wait3A_576] : memref<1024x128xf32, #tpu.memory_space<vmem_shared>> -> memref<1024x128xf32, #tpu.memory_space<vmem_shared>>
        tpu.wait_indirect_dma semaphore(%run_scoped3A_559 : memref<!tpu.dma_semaphore, #tpu.memory_space<semaphore_mem>>) src(%dma_wait3A_571 : memref<80x128xf32, #tpu.memory_space<vmem>>) dst(%dma_wait3A_577 : memref<1024x128xf32, #tpu.memory_space<vmem_shared>>)
        tpu.yield
      }) : () -> ()
    }
    %scan3A_28 = arith.constant 12 : i32
    %dma_wait3A = arith.constant 0 : i32
    %dma_wait3A_29 = arith.constant 0 : i32
    %dma_wait3A_30 = tpu.memref_slice %arg4[%mul3A_2, %dma_wait3A, %dma_wait3A_29] : memref<800x5x80xi32, #tpu.memory_space<hbm>> -> memref<1x5x80xi32, #tpu.memory_space<hbm>>
    %dma_wait3A_31 = tpu.memref_squeeze %dma_wait3A_30 : memref<1x5x80xi32, #tpu.memory_space<hbm>> -> memref<5x80xi32, #tpu.memory_space<hbm>>
    %dma_wait3A_32 = arith.constant 0 : i32
    %dma_wait3A_33 = arith.constant 0 : i32
    %dma_wait3A_34 = tpu.memref_slice %arg4[%mul3A_2, %dma_wait3A_32, %dma_wait3A_33] : memref<800x5x80xi32, #tpu.memory_space<hbm>> -> memref<1x5x80xi32, #tpu.memory_space<hbm>>
    %dma_wait3A_35 = tpu.memref_squeeze %dma_wait3A_34 : memref<1x5x80xi32, #tpu.memory_space<hbm>> -> memref<5x80xi32, #tpu.memory_space<hbm>>
    tpu.wait_dma2 semaphore(%arg19 : memref<!tpu.dma_semaphore, #tpu.memory_space<semaphore_mem>>) src(%dma_wait3A_35 : memref<5x80xi32, #tpu.memory_space<hbm>>) dst(%arg11 : memref<5x80xi32, #tpu.memory_space<vmem>>)
    %broadcast_in_dim3A = arith.constant 1.000000e+00 : f32
    %broadcast_in_dim3A_36 = vector.broadcast %broadcast_in_dim3A : f32 to vector<16xf32>
    %get3A = arith.constant 0 : i32
    %get3A_37 = arith.index_cast %get3A : i32 to index
    %get3A_38 = arith.constant 0 : index
    %get3A_39 = tpu.vector_load %arg11[%get3A_37, %get3A_38] {strides = array<i32>} : memref<5x80xi32, #tpu.memory_space<vmem>>, vector<16xi32>,
    tpu.vector_store_idx %arg15[%get3A_39], %broadcast_in_dim3A_36 {add = true} : memref<1024xf32, #tpu.memory_space<vmem>>[vector<16xi32>], vector<16xf32>,
    %get3A_40 = arith.constant 0 : i32
    %get3A_41 = arith.index_cast %get3A_40 : i32 to index
    %get3A_42 = arith.constant 16 : index
    %get3A_43 = tpu.vector_load %arg11[%get3A_41, %get3A_42] {strides = array<i32>} : memref<5x80xi32, #tpu.memory_space<vmem>>, vector<16xi32>,
    tpu.vector_store_idx %arg15[%get3A_43], %broadcast_in_dim3A_36 {add = true} : memref<1024xf32, #tpu.memory_space<vmem>>[vector<16xi32>], vector<16xf32>,
    %get3A_44 = arith.constant 0 : i32
    %get3A_45 = arith.index_cast %get3A_44 : i32 to index
    %get3A_46 = arith.constant 32 : index
    %get3A_47 = tpu.vector_load %arg11[%get3A_45, %get3A_46] {strides = array<i32>} : memref<5x80xi32, #tpu.memory_space<vmem>>, vector<16xi32>,
    tpu.vector_store_idx %arg15[%get3A_47], %broadcast_in_dim3A_36 {add = true} : memref<1024xf32, #tpu.memory_space<vmem>>[vector<16xi32>], vector<16xf32>,
    %get3A_48 = arith.constant 0 : i32
    %get3A_49 = arith.index_cast %get3A_48 : i32 to index
    %get3A_50 = arith.constant 48 : index
    %get3A_51 = tpu.vector_load %arg11[%get3A_49, %get3A_50] {strides = array<i32>} : memref<5x80xi32, #tpu.memory_space<vmem>>, vector<16xi32>,
    tpu.vector_store_idx %arg15[%get3A_51], %broadcast_in_dim3A_36 {add = true} : memref<1024xf32, #tpu.memory_space<vmem>>[vector<16xi32>], vector<16xf32>,
    %get3A_52 = arith.constant 0 : i32
    %get3A_53 = arith.index_cast %get3A_52 : i32 to index
    %get3A_54 = arith.constant 64 : index
    %get3A_55 = tpu.vector_load %arg11[%get3A_53, %get3A_54] {strides = array<i32>} : memref<5x80xi32, #tpu.memory_space<vmem>>, vector<16xi32>,
    tpu.vector_store_idx %arg15[%get3A_55], %broadcast_in_dim3A_36 {add = true} : memref<1024xf32, #tpu.memory_space<vmem>>[vector<16xi32>], vector<16xf32>,
    %get3A_56 = arith.constant 1 : i32
    %get3A_57 = arith.index_cast %get3A_56 : i32 to index
    %get3A_58 = arith.constant 0 : index
    %get3A_59 = tpu.vector_load %arg11[%get3A_57, %get3A_58] {strides = array<i32>} : memref<5x80xi32, #tpu.memory_space<vmem>>, vector<16xi32>,
    tpu.vector_store_idx %arg15[%get3A_59], %broadcast_in_dim3A_36 {add = true} : memref<1024xf32, #tpu.memory_space<vmem>>[vector<16xi32>], vector<16xf32>,
    %get3A_60 = arith.constant 1 : i32
    %get3A_61 = arith.index_cast %get3A_60 : i32 to index
    %get3A_62 = arith.constant 16 : index
    %get3A_63 = tpu.vector_load %arg11[%get3A_61, %get3A_62] {strides = array<i32>} : memref<5x80xi32, #tpu.memory_space<vmem>>, vector<16xi32>,
    tpu.vector_store_idx %arg15[%get3A_63], %broadcast_in_dim3A_36 {add = true} : memref<1024xf32, #tpu.memory_space<vmem>>[vector<16xi32>], vector<16xf32>,
    %get3A_64 = arith.constant 1 : i32
    %get3A_65 = arith.index_cast %get3A_64 : i32 to index
    %get3A_66 = arith.constant 32 : index
    %get3A_67 = tpu.vector_load %arg11[%get3A_65, %get3A_66] {strides = array<i32>} : memref<5x80xi32, #tpu.memory_space<vmem>>, vector<16xi32>,
    tpu.vector_store_idx %arg15[%get3A_67], %broadcast_in_dim3A_36 {add = true} : memref<1024xf32, #tpu.memory_space<vmem>>[vector<16xi32>], vector<16xf32>,
    %get3A_68 = arith.constant 1 : i32
    %get3A_69 = arith.index_cast %get3A_68 : i32 to index
    %get3A_70 = arith.constant 48 : index
    %get3A_71 = tpu.vector_load %arg11[%get3A_69, %get3A_70] {strides = array<i32>} : memref<5x80xi32, #tpu.memory_space<vmem>>, vector<16xi32>,
    tpu.vector_store_idx %arg15[%get3A_71], %broadcast_in_dim3A_36 {add = true} : memref<1024xf32, #tpu.memory_space<vmem>>[vector<16xi32>], vector<16xf32>,
    %get3A_72 = arith.constant 1 : i32
    %get3A_73 = arith.index_cast %get3A_72 : i32 to index
    %get3A_74 = arith.constant 64 : index
    %get3A_75 = tpu.vector_load %arg11[%get3A_73, %get3A_74] {strides = array<i32>} : memref<5x80xi32, #tpu.memory_space<vmem>>, vector<16xi32>,
    tpu.vector_store_idx %arg15[%get3A_75], %broadcast_in_dim3A_36 {add = true} : memref<1024xf32, #tpu.memory_space<vmem>>[vector<16xi32>], vector<16xf32>,
    %get3A_76 = arith.constant 2 : i32
    %get3A_77 = arith.index_cast %get3A_76 : i32 to index
    %get3A_78 = arith.constant 0 : index
    %get3A_79 = tpu.vector_load %arg11[%get3A_77, %get3A_78] {strides = array<i32>} : memref<5x80xi32, #tpu.memory_space<vmem>>, vector<16xi32>,
    tpu.vector_store_idx %arg15[%get3A_79], %broadcast_in_dim3A_36 {add = true} : memref<1024xf32, #tpu.memory_space<vmem>>[vector<16xi32>], vector<16xf32>,
    %get3A_80 = arith.constant 2 : i32
    %get3A_81 = arith.index_cast %get3A_80 : i32 to index
    %get3A_82 = arith.constant 16 : index
    %get3A_83 = tpu.vector_load %arg11[%get3A_81, %get3A_82] {strides = array<i32>} : memref<5x80xi32, #tpu.memory_space<vmem>>, vector<16xi32>,
    tpu.vector_store_idx %arg15[%get3A_83], %broadcast_in_dim3A_36 {add = true} : memref<1024xf32, #tpu.memory_space<vmem>>[vector<16xi32>], vector<16xf32>,
    %get3A_84 = arith.constant 2 : i32
    %get3A_85 = arith.index_cast %get3A_84 : i32 to index
    %get3A_86 = arith.constant 32 : index
    %get3A_87 = tpu.vector_load %arg11[%get3A_85, %get3A_86] {strides = array<i32>} : memref<5x80xi32, #tpu.memory_space<vmem>>, vector<16xi32>,
    tpu.vector_store_idx %arg15[%get3A_87], %broadcast_in_dim3A_36 {add = true} : memref<1024xf32, #tpu.memory_space<vmem>>[vector<16xi32>], vector<16xf32>,
    %get3A_88 = arith.constant 2 : i32
    %get3A_89 = arith.index_cast %get3A_88 : i32 to index
    %get3A_90 = arith.constant 48 : index
    %get3A_91 = tpu.vector_load %arg11[%get3A_89, %get3A_90] {strides = array<i32>} : memref<5x80xi32, #tpu.memory_space<vmem>>, vector<16xi32>,
    tpu.vector_store_idx %arg15[%get3A_91], %broadcast_in_dim3A_36 {add = true} : memref<1024xf32, #tpu.memory_space<vmem>>[vector<16xi32>], vector<16xf32>,
    %get3A_92 = arith.constant 2 : i32
    %get3A_93 = arith.index_cast %get3A_92 : i32 to index
    %get3A_94 = arith.constant 64 : index
    %get3A_95 = tpu.vector_load %arg11[%get3A_93, %get3A_94] {strides = array<i32>} : memref<5x80xi32, #tpu.memory_space<vmem>>, vector<16xi32>,
    tpu.vector_store_idx %arg15[%get3A_95], %broadcast_in_dim3A_36 {add = true} : memref<1024xf32, #tpu.memory_space<vmem>>[vector<16xi32>], vector<16xf32>,
    %get3A_96 = arith.constant 3 : i32
    %get3A_97 = arith.index_cast %get3A_96 : i32 to index
    %get3A_98 = arith.constant 0 : index
    %get3A_99 = tpu.vector_load %arg11[%get3A_97, %get3A_98] {strides = array<i32>} : memref<5x80xi32, #tpu.memory_space<vmem>>, vector<16xi32>,
    tpu.vector_store_idx %arg15[%get3A_99], %broadcast_in_dim3A_36 {add = true} : memref<1024xf32, #tpu.memory_space<vmem>>[vector<16xi32>], vector<16xf32>,
    %get3A_100 = arith.constant 3 : i32
    %get3A_101 = arith.index_cast %get3A_100 : i32 to index
    %get3A_102 = arith.constant 16 : index
    %get3A_103 = tpu.vector_load %arg11[%get3A_101, %get3A_102] {strides = array<i32>} : memref<5x80xi32, #tpu.memory_space<vmem>>, vector<16xi32>,
    tpu.vector_store_idx %arg15[%get3A_103], %broadcast_in_dim3A_36 {add = true} : memref<1024xf32, #tpu.memory_space<vmem>>[vector<16xi32>], vector<16xf32>,
    %get3A_104 = arith.constant 3 : i32
    %get3A_105 = arith.index_cast %get3A_104 : i32 to index
    %get3A_106 = arith.constant 32 : index
    %get3A_107 = tpu.vector_load %arg11[%get3A_105, %get3A_106] {strides = array<i32>} : memref<5x80xi32, #tpu.memory_space<vmem>>, vector<16xi32>,
    tpu.vector_store_idx %arg15[%get3A_107], %broadcast_in_dim3A_36 {add = true} : memref<1024xf32, #tpu.memory_space<vmem>>[vector<16xi32>], vector<16xf32>,
    %get3A_108 = arith.constant 3 : i32
    %get3A_109 = arith.index_cast %get3A_108 : i32 to index
    %get3A_110 = arith.constant 48 : index
    %get3A_111 = tpu.vector_load %arg11[%get3A_109, %get3A_110] {strides = array<i32>} : memref<5x80xi32, #tpu.memory_space<vmem>>, vector<16xi32>,
    tpu.vector_store_idx %arg15[%get3A_111], %broadcast_in_dim3A_36 {add = true} : memref<1024xf32, #tpu.memory_space<vmem>>[vector<16xi32>], vector<16xf32>,
    %get3A_112 = arith.constant 3 : i32
    %get3A_113 = arith.index_cast %get3A_112 : i32 to index
    %get3A_114 = arith.constant 64 : index
    %get3A_115 = tpu.vector_load %arg11[%get3A_113, %get3A_114] {strides = array<i32>} : memref<5x80xi32, #tpu.memory_space<vmem>>, vector<16xi32>,
    tpu.vector_store_idx %arg15[%get3A_115], %broadcast_in_dim3A_36 {add = true} : memref<1024xf32, #tpu.memory_space<vmem>>[vector<16xi32>], vector<16xf32>,
    %get3A_116 = arith.constant 4 : i32
    %get3A_117 = arith.index_cast %get3A_116 : i32 to index
    %get3A_118 = arith.constant 0 : index
    %get3A_119 = tpu.vector_load %arg11[%get3A_117, %get3A_118] {strides = array<i32>} : memref<5x80xi32, #tpu.memory_space<vmem>>, vector<16xi32>,
    tpu.vector_store_idx %arg15[%get3A_119], %broadcast_in_dim3A_36 {add = true} : memref<1024xf32, #tpu.memory_space<vmem>>[vector<16xi32>], vector<16xf32>,
    %get3A_120 = arith.constant 4 : i32
    %get3A_121 = arith.index_cast %get3A_120 : i32 to index
    %get3A_122 = arith.constant 16 : index
    %get3A_123 = tpu.vector_load %arg11[%get3A_121, %get3A_122] {strides = array<i32>} : memref<5x80xi32, #tpu.memory_space<vmem>>, vector<16xi32>,
    tpu.vector_store_idx %arg15[%get3A_123], %broadcast_in_dim3A_36 {add = true} : memref<1024xf32, #tpu.memory_space<vmem>>[vector<16xi32>], vector<16xf32>,
    %get3A_124 = arith.constant 4 : i32
    %get3A_125 = arith.index_cast %get3A_124 : i32 to index
    %get3A_126 = arith.constant 32 : index
    %get3A_127 = tpu.vector_load %arg11[%get3A_125, %get3A_126] {strides = array<i32>} : memref<5x80xi32, #tpu.memory_space<vmem>>, vector<16xi32>,
    tpu.vector_store_idx %arg15[%get3A_127], %broadcast_in_dim3A_36 {add = true} : memref<1024xf32, #tpu.memory_space<vmem>>[vector<16xi32>], vector<16xf32>,
    %get3A_128 = arith.constant 4 : i32
    %get3A_129 = arith.index_cast %get3A_128 : i32 to index
    %get3A_130 = arith.constant 48 : index
    %get3A_131 = tpu.vector_load %arg11[%get3A_129, %get3A_130] {strides = array<i32>} : memref<5x80xi32, #tpu.memory_space<vmem>>, vector<16xi32>,
    tpu.vector_store_idx %arg15[%get3A_131], %broadcast_in_dim3A_36 {add = true} : memref<1024xf32, #tpu.memory_space<vmem>>[vector<16xi32>], vector<16xf32>,
    %get3A_132 = arith.constant 4 : i32
    %get3A_133 = arith.index_cast %get3A_132 : i32 to index
    %get3A_134 = arith.constant 64 : index
    %get3A_135 = tpu.vector_load %arg11[%get3A_133, %get3A_134] {strides = array<i32>} : memref<5x80xi32, #tpu.memory_space<vmem>>, vector<16xi32>,
    tpu.vector_store_idx %arg15[%get3A_135], %broadcast_in_dim3A_36 {add = true} : memref<1024xf32, #tpu.memory_space<vmem>>[vector<16xi32>], vector<16xf32>,
    %dma_wait3A_136 = arith.constant 0 : i32
    %dma_wait3A_137 = arith.constant 0 : i32
    %dma_wait3A_138 = tpu.memref_slice %arg2[%dma_wait3A_136, %dma_wait3A_137] : memref<320000x128xf32, #tpu.memory_space<hbm>> -> memref<400x128xf32, #tpu.memory_space<hbm>>
    %dma_wait3A_139 = arith.constant 0 : i32
    %dma_wait3A_140 = arith.constant 0 : i32
    %dma_wait3A_141 = tpu.memref_slice %arg2[%dma_wait3A_139, %dma_wait3A_140] : memref<320000x128xf32, #tpu.memory_space<hbm>> -> memref<400x128xf32, #tpu.memory_space<hbm>>
    tpu.wait_dma2 semaphore(%arg21 : memref<!tpu.dma_semaphore, #tpu.memory_space<semaphore_mem>>) src(%dma_wait3A_141 : memref<400x128xf32, #tpu.memory_space<hbm>>) dst(%arg13 : memref<400x128xf32, #tpu.memory_space<vmem>>)
    %run_scoped3A = arith.constant 0 : i32
    "tpu.region"() ({
      %run_scoped3A_297 = tpu.sem_alloc : memref<!tpu.dma_semaphore, #tpu.memory_space<semaphore_mem>>
      %dma_start3A_298 = arith.constant 0 : i32
      %dma_start3A_299 = arith.constant 0 : i32
      %dma_start3A_300 = tpu.memref_slice %arg13[%dma_start3A_298, %dma_start3A_299] : memref<400x128xf32, #tpu.memory_space<vmem>> -> memref<80x128xf32, #tpu.memory_space<vmem>>
      %dma_start3A_301 = arith.constant 0 : i32
      %dma_start3A_302 = tpu.memref_slice %arg11[%run_scoped3A, %dma_start3A_301] : memref<5x80xi32, #tpu.memory_space<vmem>> -> memref<1x80xi32, #tpu.memory_space<vmem>>
      %dma_start3A_303 = tpu.memref_squeeze %dma_start3A_302 : memref<1x80xi32, #tpu.memory_space<vmem>> -> memref<80xi32, #tpu.memory_space<vmem>>
      %dma_start3A_304 = arith.constant 0 : i32
      %dma_start3A_305 = arith.constant 0 : i32
      %dma_start3A_306 = tpu.memref_slice %arg17[%dma_start3A_304, %dma_start3A_305] : memref<1024x128xf32, #tpu.memory_space<vmem_shared>> -> memref<1024x128xf32, #tpu.memory_space<vmem_shared>>
      tpu.enqueue_indirect_dma source(%dma_start3A_300 : memref<80x128xf32, #tpu.memory_space<vmem>>) target(%dma_start3A_306 : memref<1024x128xf32, #tpu.memory_space<vmem_shared>>) offsets(%dma_start3A_303 : memref<80xi32, #tpu.memory_space<vmem>>) semaphore(%run_scoped3A_297 : memref<!tpu.dma_semaphore, #tpu.memory_space<semaphore_mem>>) {add = true}
      %dma_wait3A_307 = arith.constant 0 : i32
      %dma_wait3A_308 = arith.constant 0 : i32
      %dma_wait3A_309 = tpu.memref_slice %arg13[%dma_wait3A_307, %dma_wait3A_308] : memref<400x128xf32, #tpu.memory_space<vmem>> -> memref<80x128xf32, #tpu.memory_space<vmem>>
      %dma_wait3A_310 = arith.constant 0 : i32
      %dma_wait3A_311 = tpu.memref_slice %arg11[%run_scoped3A, %dma_wait3A_310] : memref<5x80xi32, #tpu.memory_space<vmem>> -> memref<1x80xi32, #tpu.memory_space<vmem>>
      %dma_wait3A_312 = tpu.memref_squeeze %dma_wait3A_311 : memref<1x80xi32, #tpu.memory_space<vmem>> -> memref<80xi32, #tpu.memory_space<vmem>>
      %dma_wait3A_313 = arith.constant 0 : i32
      %dma_wait3A_314 = arith.constant 0 : i32
      %dma_wait3A_315 = tpu.memref_slice %arg17[%dma_wait3A_313, %dma_wait3A_314] : memref<1024x128xf32, #tpu.memory_space<vmem_shared>> -> memref<1024x128xf32, #tpu.memory_space<vmem_shared>>
      tpu.wait_indirect_dma semaphore(%run_scoped3A_297 : memref<!tpu.dma_semaphore, #tpu.memory_space<semaphore_mem>>) src(%dma_wait3A_309 : memref<80x128xf32, #tpu.memory_space<vmem>>) dst(%dma_wait3A_315 : memref<1024x128xf32, #tpu.memory_space<vmem_shared>>)
      tpu.yield
    }) : () -> ()
    %run_scoped3A_142 = arith.constant 1 : i32
    "tpu.region"() ({
      %run_scoped3A_297 = tpu.sem_alloc : memref<!tpu.dma_semaphore, #tpu.memory_space<semaphore_mem>>
      %dma_start3A_298 = arith.constant 80 : i32
      %dma_start3A_299 = arith.constant 0 : i32
      %dma_start3A_300 = tpu.memref_slice %arg13[%dma_start3A_298, %dma_start3A_299] : memref<400x128xf32, #tpu.memory_space<vmem>> -> memref<80x128xf32, #tpu.memory_space<vmem>>
      %dma_start3A_301 = arith.constant 0 : i32
      %dma_start3A_302 = tpu.memref_slice %arg11[%run_scoped3A_142, %dma_start3A_301] : memref<5x80xi32, #tpu.memory_space<vmem>> -> memref<1x80xi32, #tpu.memory_space<vmem>>
      %dma_start3A_303 = tpu.memref_squeeze %dma_start3A_302 : memref<1x80xi32, #tpu.memory_space<vmem>> -> memref<80xi32, #tpu.memory_space<vmem>>
      %dma_start3A_304 = arith.constant 0 : i32
      %dma_start3A_305 = arith.constant 0 : i32
      %dma_start3A_306 = tpu.memref_slice %arg17[%dma_start3A_304, %dma_start3A_305] : memref<1024x128xf32, #tpu.memory_space<vmem_shared>> -> memref<1024x128xf32, #tpu.memory_space<vmem_shared>>
      tpu.enqueue_indirect_dma source(%dma_start3A_300 : memref<80x128xf32, #tpu.memory_space<vmem>>) target(%dma_start3A_306 : memref<1024x128xf32, #tpu.memory_space<vmem_shared>>) offsets(%dma_start3A_303 : memref<80xi32, #tpu.memory_space<vmem>>) semaphore(%run_scoped3A_297 : memref<!tpu.dma_semaphore, #tpu.memory_space<semaphore_mem>>) {add = true}
      %dma_wait3A_307 = arith.constant 80 : i32
      %dma_wait3A_308 = arith.constant 0 : i32
      %dma_wait3A_309 = tpu.memref_slice %arg13[%dma_wait3A_307, %dma_wait3A_308] : memref<400x128xf32, #tpu.memory_space<vmem>> -> memref<80x128xf32, #tpu.memory_space<vmem>>
      %dma_wait3A_310 = arith.constant 0 : i32
      %dma_wait3A_311 = tpu.memref_slice %arg11[%run_scoped3A_142, %dma_wait3A_310] : memref<5x80xi32, #tpu.memory_space<vmem>> -> memref<1x80xi32, #tpu.memory_space<vmem>>
      %dma_wait3A_312 = tpu.memref_squeeze %dma_wait3A_311 : memref<1x80xi32, #tpu.memory_space<vmem>> -> memref<80xi32, #tpu.memory_space<vmem>>
      %dma_wait3A_313 = arith.constant 0 : i32
      %dma_wait3A_314 = arith.constant 0 : i32
      %dma_wait3A_315 = tpu.memref_slice %arg17[%dma_wait3A_313, %dma_wait3A_314] : memref<1024x128xf32, #tpu.memory_space<vmem_shared>> -> memref<1024x128xf32, #tpu.memory_space<vmem_shared>>
      tpu.wait_indirect_dma semaphore(%run_scoped3A_297 : memref<!tpu.dma_semaphore, #tpu.memory_space<semaphore_mem>>) src(%dma_wait3A_309 : memref<80x128xf32, #tpu.memory_space<vmem>>) dst(%dma_wait3A_315 : memref<1024x128xf32, #tpu.memory_space<vmem_shared>>)
      tpu.yield
    }) : () -> ()
    %run_scoped3A_143 = arith.constant 2 : i32
    "tpu.region"() ({
      %run_scoped3A_297 = tpu.sem_alloc : memref<!tpu.dma_semaphore, #tpu.memory_space<semaphore_mem>>
      %dma_start3A_298 = arith.constant 160 : i32
      %dma_start3A_299 = arith.constant 0 : i32
      %dma_start3A_300 = tpu.memref_slice %arg13[%dma_start3A_298, %dma_start3A_299] : memref<400x128xf32, #tpu.memory_space<vmem>> -> memref<80x128xf32, #tpu.memory_space<vmem>>
      %dma_start3A_301 = arith.constant 0 : i32
      %dma_start3A_302 = tpu.memref_slice %arg11[%run_scoped3A_143, %dma_start3A_301] : memref<5x80xi32, #tpu.memory_space<vmem>> -> memref<1x80xi32, #tpu.memory_space<vmem>>
      %dma_start3A_303 = tpu.memref_squeeze %dma_start3A_302 : memref<1x80xi32, #tpu.memory_space<vmem>> -> memref<80xi32, #tpu.memory_space<vmem>>
      %dma_start3A_304 = arith.constant 0 : i32
      %dma_start3A_305 = arith.constant 0 : i32
      %dma_start3A_306 = tpu.memref_slice %arg17[%dma_start3A_304, %dma_start3A_305] : memref<1024x128xf32, #tpu.memory_space<vmem_shared>> -> memref<1024x128xf32, #tpu.memory_space<vmem_shared>>
      tpu.enqueue_indirect_dma source(%dma_start3A_300 : memref<80x128xf32, #tpu.memory_space<vmem>>) target(%dma_start3A_306 : memref<1024x128xf32, #tpu.memory_space<vmem_shared>>) offsets(%dma_start3A_303 : memref<80xi32, #tpu.memory_space<vmem>>) semaphore(%run_scoped3A_297 : memref<!tpu.dma_semaphore, #tpu.memory_space<semaphore_mem>>) {add = true}
      %dma_wait3A_307 = arith.constant 160 : i32
      %dma_wait3A_308 = arith.constant 0 : i32
      %dma_wait3A_309 = tpu.memref_slice %arg13[%dma_wait3A_307, %dma_wait3A_308] : memref<400x128xf32, #tpu.memory_space<vmem>> -> memref<80x128xf32, #tpu.memory_space<vmem>>
      %dma_wait3A_310 = arith.constant 0 : i32
      %dma_wait3A_311 = tpu.memref_slice %arg11[%run_scoped3A_143, %dma_wait3A_310] : memref<5x80xi32, #tpu.memory_space<vmem>> -> memref<1x80xi32, #tpu.memory_space<vmem>>
      %dma_wait3A_312 = tpu.memref_squeeze %dma_wait3A_311 : memref<1x80xi32, #tpu.memory_space<vmem>> -> memref<80xi32, #tpu.memory_space<vmem>>
      %dma_wait3A_313 = arith.constant 0 : i32
      %dma_wait3A_314 = arith.constant 0 : i32
      %dma_wait3A_315 = tpu.memref_slice %arg17[%dma_wait3A_313, %dma_wait3A_314] : memref<1024x128xf32, #tpu.memory_space<vmem_shared>> -> memref<1024x128xf32, #tpu.memory_space<vmem_shared>>
      tpu.wait_indirect_dma semaphore(%run_scoped3A_297 : memref<!tpu.dma_semaphore, #tpu.memory_space<semaphore_mem>>) src(%dma_wait3A_309 : memref<80x128xf32, #tpu.memory_space<vmem>>) dst(%dma_wait3A_315 : memref<1024x128xf32, #tpu.memory_space<vmem_shared>>)
      tpu.yield
    }) : () -> ()
    %run_scoped3A_144 = arith.constant 3 : i32
    "tpu.region"() ({
      %run_scoped3A_297 = tpu.sem_alloc : memref<!tpu.dma_semaphore, #tpu.memory_space<semaphore_mem>>
      %dma_start3A_298 = arith.constant 240 : i32
      %dma_start3A_299 = arith.constant 0 : i32
      %dma_start3A_300 = tpu.memref_slice %arg13[%dma_start3A_298, %dma_start3A_299] : memref<400x128xf32, #tpu.memory_space<vmem>> -> memref<80x128xf32, #tpu.memory_space<vmem>>
      %dma_start3A_301 = arith.constant 0 : i32
      %dma_start3A_302 = tpu.memref_slice %arg11[%run_scoped3A_144, %dma_start3A_301] : memref<5x80xi32, #tpu.memory_space<vmem>> -> memref<1x80xi32, #tpu.memory_space<vmem>>
      %dma_start3A_303 = tpu.memref_squeeze %dma_start3A_302 : memref<1x80xi32, #tpu.memory_space<vmem>> -> memref<80xi32, #tpu.memory_space<vmem>>
      %dma_start3A_304 = arith.constant 0 : i32
      %dma_start3A_305 = arith.constant 0 : i32
      %dma_start3A_306 = tpu.memref_slice %arg17[%dma_start3A_304, %dma_start3A_305] : memref<1024x128xf32, #tpu.memory_space<vmem_shared>> -> memref<1024x128xf32, #tpu.memory_space<vmem_shared>>
      tpu.enqueue_indirect_dma source(%dma_start3A_300 : memref<80x128xf32, #tpu.memory_space<vmem>>) target(%dma_start3A_306 : memref<1024x128xf32, #tpu.memory_space<vmem_shared>>) offsets(%dma_start3A_303 : memref<80xi32, #tpu.memory_space<vmem>>) semaphore(%run_scoped3A_297 : memref<!tpu.dma_semaphore, #tpu.memory_space<semaphore_mem>>) {add = true}
      %dma_wait3A_307 = arith.constant 240 : i32
      %dma_wait3A_308 = arith.constant 0 : i32
      %dma_wait3A_309 = tpu.memref_slice %arg13[%dma_wait3A_307, %dma_wait3A_308] : memref<400x128xf32, #tpu.memory_space<vmem>> -> memref<80x128xf32, #tpu.memory_space<vmem>>
      %dma_wait3A_310 = arith.constant 0 : i32
      %dma_wait3A_311 = tpu.memref_slice %arg11[%run_scoped3A_144, %dma_wait3A_310] : memref<5x80xi32, #tpu.memory_space<vmem>> -> memref<1x80xi32, #tpu.memory_space<vmem>>
      %dma_wait3A_312 = tpu.memref_squeeze %dma_wait3A_311 : memref<1x80xi32, #tpu.memory_space<vmem>> -> memref<80xi32, #tpu.memory_space<vmem>>
      %dma_wait3A_313 = arith.constant 0 : i32
      %dma_wait3A_314 = arith.constant 0 : i32
      %dma_wait3A_315 = tpu.memref_slice %arg17[%dma_wait3A_313, %dma_wait3A_314] : memref<1024x128xf32, #tpu.memory_space<vmem_shared>> -> memref<1024x128xf32, #tpu.memory_space<vmem_shared>>
      tpu.wait_indirect_dma semaphore(%run_scoped3A_297 : memref<!tpu.dma_semaphore, #tpu.memory_space<semaphore_mem>>) src(%dma_wait3A_309 : memref<80x128xf32, #tpu.memory_space<vmem>>) dst(%dma_wait3A_315 : memref<1024x128xf32, #tpu.memory_space<vmem_shared>>)
      tpu.yield
    }) : () -> ()
    %run_scoped3A_145 = arith.constant 4 : i32
    "tpu.region"() ({
      %run_scoped3A_297 = tpu.sem_alloc : memref<!tpu.dma_semaphore, #tpu.memory_space<semaphore_mem>>
      %dma_start3A_298 = arith.constant 320 : i32
      %dma_start3A_299 = arith.constant 0 : i32
      %dma_start3A_300 = tpu.memref_slice %arg13[%dma_start3A_298, %dma_start3A_299] : memref<400x128xf32, #tpu.memory_space<vmem>> -> memref<80x128xf32, #tpu.memory_space<vmem>>
      %dma_start3A_301 = arith.constant 0 : i32
      %dma_start3A_302 = tpu.memref_slice %arg11[%run_scoped3A_145, %dma_start3A_301] : memref<5x80xi32, #tpu.memory_space<vmem>> -> memref<1x80xi32, #tpu.memory_space<vmem>>
      %dma_start3A_303 = tpu.memref_squeeze %dma_start3A_302 : memref<1x80xi32, #tpu.memory_space<vmem>> -> memref<80xi32, #tpu.memory_space<vmem>>
      %dma_start3A_304 = arith.constant 0 : i32
      %dma_start3A_305 = arith.constant 0 : i32
      %dma_start3A_306 = tpu.memref_slice %arg17[%dma_start3A_304, %dma_start3A_305] : memref<1024x128xf32, #tpu.memory_space<vmem_shared>> -> memref<1024x128xf32, #tpu.memory_space<vmem_shared>>
      tpu.enqueue_indirect_dma source(%dma_start3A_300 : memref<80x128xf32, #tpu.memory_space<vmem>>) target(%dma_start3A_306 : memref<1024x128xf32, #tpu.memory_space<vmem_shared>>) offsets(%dma_start3A_303 : memref<80xi32, #tpu.memory_space<vmem>>) semaphore(%run_scoped3A_297 : memref<!tpu.dma_semaphore, #tpu.memory_space<semaphore_mem>>) {add = true}
      %dma_wait3A_307 = arith.constant 320 : i32
      %dma_wait3A_308 = arith.constant 0 : i32
      %dma_wait3A_309 = tpu.memref_slice %arg13[%dma_wait3A_307, %dma_wait3A_308] : memref<400x128xf32, #tpu.memory_space<vmem>> -> memref<80x128xf32, #tpu.memory_space<vmem>>
      %dma_wait3A_310 = arith.constant 0 : i32
      %dma_wait3A_311 = tpu.memref_slice %arg11[%run_scoped3A_145, %dma_wait3A_310] : memref<5x80xi32, #tpu.memory_space<vmem>> -> memref<1x80xi32, #tpu.memory_space<vmem>>
      %dma_wait3A_312 = tpu.memref_squeeze %dma_wait3A_311 : memref<1x80xi32, #tpu.memory_space<vmem>> -> memref<80xi32, #tpu.memory_space<vmem>>
      %dma_wait3A_313 = arith.constant 0 : i32
      %dma_wait3A_314 = arith.constant 0 : i32
      %dma_wait3A_315 = tpu.memref_slice %arg17[%dma_wait3A_313, %dma_wait3A_314] : memref<1024x128xf32, #tpu.memory_space<vmem_shared>> -> memref<1024x128xf32, #tpu.memory_space<vmem_shared>>
      tpu.wait_indirect_dma semaphore(%run_scoped3A_297 : memref<!tpu.dma_semaphore, #tpu.memory_space<semaphore_mem>>) src(%dma_wait3A_309 : memref<80x128xf32, #tpu.memory_space<vmem>>) dst(%dma_wait3A_315 : memref<1024x128xf32, #tpu.memory_space<vmem_shared>>)
      tpu.yield
    }) : () -> ()
    %add3A_146 = arith.constant 0 : i32
    %add3A_147 = arith.addi %mul3A_2, %add3A_146 : i32
    %dma_start3A_148 = arith.constant 0 : i32
    %dma_start3A_149 = arith.constant 0 : i32
    %dma_start3A_150 = tpu.memref_slice %arg5[%add3A_147, %dma_start3A_148, %dma_start3A_149] : memref<800x5x80xi32, #tpu.memory_space<hbm>> -> memref<1x5x80xi32, #tpu.memory_space<hbm>>
    %dma_start3A_151 = tpu.memref_squeeze %dma_start3A_150 : memref<1x5x80xi32, #tpu.memory_space<hbm>> -> memref<5x80xi32, #tpu.memory_space<hbm>>
    %dma_start3A_152 = arith.constant 0 : i32
    %dma_start3A_153 = arith.constant 0 : i32
    %dma_start3A_154 = tpu.memref_slice %arg5[%add3A_147, %dma_start3A_152, %dma_start3A_153] : memref<800x5x80xi32, #tpu.memory_space<hbm>> -> memref<1x5x80xi32, #tpu.memory_space<hbm>>
    %dma_start3A_155 = tpu.memref_squeeze %dma_start3A_154 : memref<1x5x80xi32, #tpu.memory_space<hbm>> -> memref<5x80xi32, #tpu.memory_space<hbm>>
    tpu.enqueue_dma source(%dma_start3A_155 : memref<5x80xi32, #tpu.memory_space<hbm>>) target(%arg11 : memref<5x80xi32, #tpu.memory_space<vmem>>) target_semaphore(%arg19 : memref<!tpu.dma_semaphore, #tpu.memory_space<semaphore_mem>>)
    %mul3A_156 = arith.constant 400 : i32
    %mul3A_157 = arith.muli %add3A_147, %mul3A_156 : i32
    %dma_start3A_158 = arith.constant 0 : i32
    %dma_start3A_159 = tpu.memref_slice %arg3[%mul3A_157, %dma_start3A_158] : memref<320000x128xf32, #tpu.memory_space<hbm>> -> memref<400x128xf32, #tpu.memory_space<hbm>>
    %dma_start3A_160 = arith.constant 0 : i32
    %dma_start3A_161 = tpu.memref_slice %arg3[%mul3A_157, %dma_start3A_160] : memref<320000x128xf32, #tpu.memory_space<hbm>> -> memref<400x128xf32, #tpu.memory_space<hbm>>
    tpu.enqueue_dma source(%dma_start3A_161 : memref<400x128xf32, #tpu.memory_space<hbm>>) target(%arg13 : memref<400x128xf32, #tpu.memory_space<vmem>>) target_semaphore(%arg21 : memref<!tpu.dma_semaphore, #tpu.memory_space<semaphore_mem>>)
    %scan3A_162 = arith.constant 0 : i32
    %scan3A_163 = arith.constant 12 : i32
    %scan3A_164 = arith.addi %scan3A_162, %scan3A_163 : i32
    %scan3A_165 = arith.constant 1 : i32
    scf.for %scan3A_297 = %scan3A_162 to %scan3A_164 step %scan3A_165  : i32 {
      %mul3A_298 = arith.constant 2 : i32
      %mul3A_299 = arith.muli %scan3A_297, %mul3A_298 : i32
      %add3A_300 = arith.constant 0 : i32
      %add3A_301 = arith.addi %add3A_300, %mul3A_299 : i32
      %add3A_302 = arith.constant 0 : i32
      %add3A_303 = arith.addi %add3A_301, %add3A_302 : i32
      %add3A_304 = arith.constant 1 : i32
      %add3A_305 = arith.addi %add3A_303, %add3A_304 : i32
      %lt3A = arith.constant 25 : i32
      %lt3A_306 = arith.cmpi slt, %add3A_305, %lt3A : i32
      %convert_element_type3A = arith.extui %lt3A_306 : i1 to i32
      %cond3A = arith.constant 0 : i32
      %cond3A_307 = arith.cmpi ne, %convert_element_type3A, %cond3A : i32
      scf.if %cond3A_307 {
        %add3A_559 = arith.constant 1 : i32
        %add3A_560 = arith.addi %add3A_303, %add3A_559 : i32
        %add3A_561 = arith.addi %mul3A_2, %add3A_560 : i32
        %dma_start3A_562 = arith.constant 0 : i32
        %dma_start3A_563 = arith.constant 0 : i32
        %dma_start3A_564 = tpu.memref_slice %arg5[%add3A_561, %dma_start3A_562, %dma_start3A_563] : memref<800x5x80xi32, #tpu.memory_space<hbm>> -> memref<1x5x80xi32, #tpu.memory_space<hbm>>
        %dma_start3A_565 = tpu.memref_squeeze %dma_start3A_564 : memref<1x5x80xi32, #tpu.memory_space<hbm>> -> memref<5x80xi32, #tpu.memory_space<hbm>>
        %dma_start3A_566 = arith.constant 0 : i32
        %dma_start3A_567 = arith.constant 0 : i32
        %dma_start3A_568 = tpu.memref_slice %arg5[%add3A_561, %dma_start3A_566, %dma_start3A_567] : memref<800x5x80xi32, #tpu.memory_space<hbm>> -> memref<1x5x80xi32, #tpu.memory_space<hbm>>
        %dma_start3A_569 = tpu.memref_squeeze %dma_start3A_568 : memref<1x5x80xi32, #tpu.memory_space<hbm>> -> memref<5x80xi32, #tpu.memory_space<hbm>>
        tpu.enqueue_dma source(%dma_start3A_569 : memref<5x80xi32, #tpu.memory_space<hbm>>) target(%arg12 : memref<5x80xi32, #tpu.memory_space<vmem>>) target_semaphore(%arg20 : memref<!tpu.dma_semaphore, #tpu.memory_space<semaphore_mem>>)
        %mul3A_570 = arith.constant 400 : i32
        %mul3A_571 = arith.muli %add3A_561, %mul3A_570 : i32
        %dma_start3A_572 = arith.constant 0 : i32
        %dma_start3A_573 = tpu.memref_slice %arg3[%mul3A_571, %dma_start3A_572] : memref<320000x128xf32, #tpu.memory_space<hbm>> -> memref<400x128xf32, #tpu.memory_space<hbm>>
        %dma_start3A_574 = arith.constant 0 : i32
        %dma_start3A_575 = tpu.memref_slice %arg3[%mul3A_571, %dma_start3A_574] : memref<320000x128xf32, #tpu.memory_space<hbm>> -> memref<400x128xf32, #tpu.memory_space<hbm>>
        tpu.enqueue_dma source(%dma_start3A_575 : memref<400x128xf32, #tpu.memory_space<hbm>>) target(%arg14 : memref<400x128xf32, #tpu.memory_space<vmem>>) target_semaphore(%arg22 : memref<!tpu.dma_semaphore, #tpu.memory_space<semaphore_mem>>)
      } else {
      }
      %dma_wait3A_308 = arith.constant 0 : i32
      %dma_wait3A_309 = arith.constant 0 : i32
      %dma_wait3A_310 = tpu.memref_slice %arg5[%mul3A_2, %dma_wait3A_308, %dma_wait3A_309] : memref<800x5x80xi32, #tpu.memory_space<hbm>> -> memref<1x5x80xi32, #tpu.memory_space<hbm>>
      %dma_wait3A_311 = tpu.memref_squeeze %dma_wait3A_310 : memref<1x5x80xi32, #tpu.memory_space<hbm>> -> memref<5x80xi32, #tpu.memory_space<hbm>>
      %dma_wait3A_312 = arith.constant 0 : i32
      %dma_wait3A_313 = arith.constant 0 : i32
      %dma_wait3A_314 = tpu.memref_slice %arg5[%mul3A_2, %dma_wait3A_312, %dma_wait3A_313] : memref<800x5x80xi32, #tpu.memory_space<hbm>> -> memref<1x5x80xi32, #tpu.memory_space<hbm>>
      %dma_wait3A_315 = tpu.memref_squeeze %dma_wait3A_314 : memref<1x5x80xi32, #tpu.memory_space<hbm>> -> memref<5x80xi32, #tpu.memory_space<hbm>>
      tpu.wait_dma2 semaphore(%arg19 : memref<!tpu.dma_semaphore, #tpu.memory_space<semaphore_mem>>) src(%dma_wait3A_315 : memref<5x80xi32, #tpu.memory_space<hbm>>) dst(%arg11 : memref<5x80xi32, #tpu.memory_space<vmem>>)
      %broadcast_in_dim3A_316 = arith.constant 1.000000e+00 : f32
      %broadcast_in_dim3A_317 = vector.broadcast %broadcast_in_dim3A_316 : f32 to vector<16xf32>
      %get3A_318 = arith.constant 0 : i32
      %get3A_319 = arith.index_cast %get3A_318 : i32 to index
      %get3A_320 = arith.constant 0 : index
      %get3A_321 = tpu.vector_load %arg11[%get3A_319, %get3A_320] {strides = array<i32>} : memref<5x80xi32, #tpu.memory_space<vmem>>, vector<16xi32>,
      tpu.vector_store_idx %arg16[%get3A_321], %broadcast_in_dim3A_317 {add = true} : memref<1024xf32, #tpu.memory_space<vmem>>[vector<16xi32>], vector<16xf32>,
      %get3A_322 = arith.constant 0 : i32
      %get3A_323 = arith.index_cast %get3A_322 : i32 to index
      %get3A_324 = arith.constant 16 : index
      %get3A_325 = tpu.vector_load %arg11[%get3A_323, %get3A_324] {strides = array<i32>} : memref<5x80xi32, #tpu.memory_space<vmem>>, vector<16xi32>,
      tpu.vector_store_idx %arg16[%get3A_325], %broadcast_in_dim3A_317 {add = true} : memref<1024xf32, #tpu.memory_space<vmem>>[vector<16xi32>], vector<16xf32>,
      %get3A_326 = arith.constant 0 : i32
      %get3A_327 = arith.index_cast %get3A_326 : i32 to index
      %get3A_328 = arith.constant 32 : index
      %get3A_329 = tpu.vector_load %arg11[%get3A_327, %get3A_328] {strides = array<i32>} : memref<5x80xi32, #tpu.memory_space<vmem>>, vector<16xi32>,
      tpu.vector_store_idx %arg16[%get3A_329], %broadcast_in_dim3A_317 {add = true} : memref<1024xf32, #tpu.memory_space<vmem>>[vector<16xi32>], vector<16xf32>,
      %get3A_330 = arith.constant 0 : i32
      %get3A_331 = arith.index_cast %get3A_330 : i32 to index
      %get3A_332 = arith.constant 48 : index
      %get3A_333 = tpu.vector_load %arg11[%get3A_331, %get3A_332] {strides = array<i32>} : memref<5x80xi32, #tpu.memory_space<vmem>>, vector<16xi32>,
      tpu.vector_store_idx %arg16[%get3A_333], %broadcast_in_dim3A_317 {add = true} : memref<1024xf32, #tpu.memory_space<vmem>>[vector<16xi32>], vector<16xf32>,
      %get3A_334 = arith.constant 0 : i32
      %get3A_335 = arith.index_cast %get3A_334 : i32 to index
      %get3A_336 = arith.constant 64 : index
      %get3A_337 = tpu.vector_load %arg11[%get3A_335, %get3A_336] {strides = array<i32>} : memref<5x80xi32, #tpu.memory_space<vmem>>, vector<16xi32>,
      tpu.vector_store_idx %arg16[%get3A_337], %broadcast_in_dim3A_317 {add = true} : memref<1024xf32, #tpu.memory_space<vmem>>[vector<16xi32>], vector<16xf32>,
      %get3A_338 = arith.constant 1 : i32
      %get3A_339 = arith.index_cast %get3A_338 : i32 to index
      %get3A_340 = arith.constant 0 : index
      %get3A_341 = tpu.vector_load %arg11[%get3A_339, %get3A_340] {strides = array<i32>} : memref<5x80xi32, #tpu.memory_space<vmem>>, vector<16xi32>,
      tpu.vector_store_idx %arg16[%get3A_341], %broadcast_in_dim3A_317 {add = true} : memref<1024xf32, #tpu.memory_space<vmem>>[vector<16xi32>], vector<16xf32>,
      %get3A_342 = arith.constant 1 : i32
      %get3A_343 = arith.index_cast %get3A_342 : i32 to index
      %get3A_344 = arith.constant 16 : index
      %get3A_345 = tpu.vector_load %arg11[%get3A_343, %get3A_344] {strides = array<i32>} : memref<5x80xi32, #tpu.memory_space<vmem>>, vector<16xi32>,
      tpu.vector_store_idx %arg16[%get3A_345], %broadcast_in_dim3A_317 {add = true} : memref<1024xf32, #tpu.memory_space<vmem>>[vector<16xi32>], vector<16xf32>,
      %get3A_346 = arith.constant 1 : i32
      %get3A_347 = arith.index_cast %get3A_346 : i32 to index
      %get3A_348 = arith.constant 32 : index
      %get3A_349 = tpu.vector_load %arg11[%get3A_347, %get3A_348] {strides = array<i32>} : memref<5x80xi32, #tpu.memory_space<vmem>>, vector<16xi32>,
      tpu.vector_store_idx %arg16[%get3A_349], %broadcast_in_dim3A_317 {add = true} : memref<1024xf32, #tpu.memory_space<vmem>>[vector<16xi32>], vector<16xf32>,
      %get3A_350 = arith.constant 1 : i32
      %get3A_351 = arith.index_cast %get3A_350 : i32 to index
      %get3A_352 = arith.constant 48 : index
      %get3A_353 = tpu.vector_load %arg11[%get3A_351, %get3A_352] {strides = array<i32>} : memref<5x80xi32, #tpu.memory_space<vmem>>, vector<16xi32>,
      tpu.vector_store_idx %arg16[%get3A_353], %broadcast_in_dim3A_317 {add = true} : memref<1024xf32, #tpu.memory_space<vmem>>[vector<16xi32>], vector<16xf32>,
      %get3A_354 = arith.constant 1 : i32
      %get3A_355 = arith.index_cast %get3A_354 : i32 to index
      %get3A_356 = arith.constant 64 : index
      %get3A_357 = tpu.vector_load %arg11[%get3A_355, %get3A_356] {strides = array<i32>} : memref<5x80xi32, #tpu.memory_space<vmem>>, vector<16xi32>,
      tpu.vector_store_idx %arg16[%get3A_357], %broadcast_in_dim3A_317 {add = true} : memref<1024xf32, #tpu.memory_space<vmem>>[vector<16xi32>], vector<16xf32>,
      %get3A_358 = arith.constant 2 : i32
      %get3A_359 = arith.index_cast %get3A_358 : i32 to index
      %get3A_360 = arith.constant 0 : index
      %get3A_361 = tpu.vector_load %arg11[%get3A_359, %get3A_360] {strides = array<i32>} : memref<5x80xi32, #tpu.memory_space<vmem>>, vector<16xi32>,
      tpu.vector_store_idx %arg16[%get3A_361], %broadcast_in_dim3A_317 {add = true} : memref<1024xf32, #tpu.memory_space<vmem>>[vector<16xi32>], vector<16xf32>,
      %get3A_362 = arith.constant 2 : i32
      %get3A_363 = arith.index_cast %get3A_362 : i32 to index
      %get3A_364 = arith.constant 16 : index
      %get3A_365 = tpu.vector_load %arg11[%get3A_363, %get3A_364] {strides = array<i32>} : memref<5x80xi32, #tpu.memory_space<vmem>>, vector<16xi32>,
      tpu.vector_store_idx %arg16[%get3A_365], %broadcast_in_dim3A_317 {add = true} : memref<1024xf32, #tpu.memory_space<vmem>>[vector<16xi32>], vector<16xf32>,
      %get3A_366 = arith.constant 2 : i32
      %get3A_367 = arith.index_cast %get3A_366 : i32 to index
      %get3A_368 = arith.constant 32 : index
      %get3A_369 = tpu.vector_load %arg11[%get3A_367, %get3A_368] {strides = array<i32>} : memref<5x80xi32, #tpu.memory_space<vmem>>, vector<16xi32>,
      tpu.vector_store_idx %arg16[%get3A_369], %broadcast_in_dim3A_317 {add = true} : memref<1024xf32, #tpu.memory_space<vmem>>[vector<16xi32>], vector<16xf32>,
      %get3A_370 = arith.constant 2 : i32
      %get3A_371 = arith.index_cast %get3A_370 : i32 to index
      %get3A_372 = arith.constant 48 : index
      %get3A_373 = tpu.vector_load %arg11[%get3A_371, %get3A_372] {strides = array<i32>} : memref<5x80xi32, #tpu.memory_space<vmem>>, vector<16xi32>,
      tpu.vector_store_idx %arg16[%get3A_373], %broadcast_in_dim3A_317 {add = true} : memref<1024xf32, #tpu.memory_space<vmem>>[vector<16xi32>], vector<16xf32>,
      %get3A_374 = arith.constant 2 : i32
      %get3A_375 = arith.index_cast %get3A_374 : i32 to index
      %get3A_376 = arith.constant 64 : index
      %get3A_377 = tpu.vector_load %arg11[%get3A_375, %get3A_376] {strides = array<i32>} : memref<5x80xi32, #tpu.memory_space<vmem>>, vector<16xi32>,
      tpu.vector_store_idx %arg16[%get3A_377], %broadcast_in_dim3A_317 {add = true} : memref<1024xf32, #tpu.memory_space<vmem>>[vector<16xi32>], vector<16xf32>,
      %get3A_378 = arith.constant 3 : i32
      %get3A_379 = arith.index_cast %get3A_378 : i32 to index
      %get3A_380 = arith.constant 0 : index
      %get3A_381 = tpu.vector_load %arg11[%get3A_379, %get3A_380] {strides = array<i32>} : memref<5x80xi32, #tpu.memory_space<vmem>>, vector<16xi32>,
      tpu.vector_store_idx %arg16[%get3A_381], %broadcast_in_dim3A_317 {add = true} : memref<1024xf32, #tpu.memory_space<vmem>>[vector<16xi32>], vector<16xf32>,
      %get3A_382 = arith.constant 3 : i32
      %get3A_383 = arith.index_cast %get3A_382 : i32 to index
      %get3A_384 = arith.constant 16 : index
      %get3A_385 = tpu.vector_load %arg11[%get3A_383, %get3A_384] {strides = array<i32>} : memref<5x80xi32, #tpu.memory_space<vmem>>, vector<16xi32>,
      tpu.vector_store_idx %arg16[%get3A_385], %broadcast_in_dim3A_317 {add = true} : memref<1024xf32, #tpu.memory_space<vmem>>[vector<16xi32>], vector<16xf32>,
      %get3A_386 = arith.constant 3 : i32
      %get3A_387 = arith.index_cast %get3A_386 : i32 to index
      %get3A_388 = arith.constant 32 : index
      %get3A_389 = tpu.vector_load %arg11[%get3A_387, %get3A_388] {strides = array<i32>} : memref<5x80xi32, #tpu.memory_space<vmem>>, vector<16xi32>,
      tpu.vector_store_idx %arg16[%get3A_389], %broadcast_in_dim3A_317 {add = true} : memref<1024xf32, #tpu.memory_space<vmem>>[vector<16xi32>], vector<16xf32>,
      %get3A_390 = arith.constant 3 : i32
      %get3A_391 = arith.index_cast %get3A_390 : i32 to index
      %get3A_392 = arith.constant 48 : index
      %get3A_393 = tpu.vector_load %arg11[%get3A_391, %get3A_392] {strides = array<i32>} : memref<5x80xi32, #tpu.memory_space<vmem>>, vector<16xi32>,
      tpu.vector_store_idx %arg16[%get3A_393], %broadcast_in_dim3A_317 {add = true} : memref<1024xf32, #tpu.memory_space<vmem>>[vector<16xi32>], vector<16xf32>,
      %get3A_394 = arith.constant 3 : i32
      %get3A_395 = arith.index_cast %get3A_394 : i32 to index
      %get3A_396 = arith.constant 64 : index
      %get3A_397 = tpu.vector_load %arg11[%get3A_395, %get3A_396] {strides = array<i32>} : memref<5x80xi32, #tpu.memory_space<vmem>>, vector<16xi32>,
      tpu.vector_store_idx %arg16[%get3A_397], %broadcast_in_dim3A_317 {add = true} : memref<1024xf32, #tpu.memory_space<vmem>>[vector<16xi32>], vector<16xf32>,
      %get3A_398 = arith.constant 4 : i32
      %get3A_399 = arith.index_cast %get3A_398 : i32 to index
      %get3A_400 = arith.constant 0 : index
      %get3A_401 = tpu.vector_load %arg11[%get3A_399, %get3A_400] {strides = array<i32>} : memref<5x80xi32, #tpu.memory_space<vmem>>, vector<16xi32>,
      tpu.vector_store_idx %arg16[%get3A_401], %broadcast_in_dim3A_317 {add = true} : memref<1024xf32, #tpu.memory_space<vmem>>[vector<16xi32>], vector<16xf32>,
      %get3A_402 = arith.constant 4 : i32
      %get3A_403 = arith.index_cast %get3A_402 : i32 to index
      %get3A_404 = arith.constant 16 : index
      %get3A_405 = tpu.vector_load %arg11[%get3A_403, %get3A_404] {strides = array<i32>} : memref<5x80xi32, #tpu.memory_space<vmem>>, vector<16xi32>,
      tpu.vector_store_idx %arg16[%get3A_405], %broadcast_in_dim3A_317 {add = true} : memref<1024xf32, #tpu.memory_space<vmem>>[vector<16xi32>], vector<16xf32>,
      %get3A_406 = arith.constant 4 : i32
      %get3A_407 = arith.index_cast %get3A_406 : i32 to index
      %get3A_408 = arith.constant 32 : index
      %get3A_409 = tpu.vector_load %arg11[%get3A_407, %get3A_408] {strides = array<i32>} : memref<5x80xi32, #tpu.memory_space<vmem>>, vector<16xi32>,
      tpu.vector_store_idx %arg16[%get3A_409], %broadcast_in_dim3A_317 {add = true} : memref<1024xf32, #tpu.memory_space<vmem>>[vector<16xi32>], vector<16xf32>,
      %get3A_410 = arith.constant 4 : i32
      %get3A_411 = arith.index_cast %get3A_410 : i32 to index
      %get3A_412 = arith.constant 48 : index
      %get3A_413 = tpu.vector_load %arg11[%get3A_411, %get3A_412] {strides = array<i32>} : memref<5x80xi32, #tpu.memory_space<vmem>>, vector<16xi32>,
      tpu.vector_store_idx %arg16[%get3A_413], %broadcast_in_dim3A_317 {add = true} : memref<1024xf32, #tpu.memory_space<vmem>>[vector<16xi32>], vector<16xf32>,
      %get3A_414 = arith.constant 4 : i32
      %get3A_415 = arith.index_cast %get3A_414 : i32 to index
      %get3A_416 = arith.constant 64 : index
      %get3A_417 = tpu.vector_load %arg11[%get3A_415, %get3A_416] {strides = array<i32>} : memref<5x80xi32, #tpu.memory_space<vmem>>, vector<16xi32>,
      tpu.vector_store_idx %arg16[%get3A_417], %broadcast_in_dim3A_317 {add = true} : memref<1024xf32, #tpu.memory_space<vmem>>[vector<16xi32>], vector<16xf32>,
      %dma_wait3A_418 = arith.constant 0 : i32
      %dma_wait3A_419 = arith.constant 0 : i32
      %dma_wait3A_420 = tpu.memref_slice %arg3[%dma_wait3A_418, %dma_wait3A_419] : memref<320000x128xf32, #tpu.memory_space<hbm>> -> memref<400x128xf32, #tpu.memory_space<hbm>>
      %dma_wait3A_421 = arith.constant 0 : i32
      %dma_wait3A_422 = arith.constant 0 : i32
      %dma_wait3A_423 = tpu.memref_slice %arg3[%dma_wait3A_421, %dma_wait3A_422] : memref<320000x128xf32, #tpu.memory_space<hbm>> -> memref<400x128xf32, #tpu.memory_space<hbm>>
      tpu.wait_dma2 semaphore(%arg21 : memref<!tpu.dma_semaphore, #tpu.memory_space<semaphore_mem>>) src(%dma_wait3A_423 : memref<400x128xf32, #tpu.memory_space<hbm>>) dst(%arg13 : memref<400x128xf32, #tpu.memory_space<vmem>>)
      %run_scoped3A_424 = arith.constant 0 : i32
      "tpu.region"() ({
        %run_scoped3A_559 = tpu.sem_alloc : memref<!tpu.dma_semaphore, #tpu.memory_space<semaphore_mem>>
        %dma_start3A_560 = arith.constant 0 : i32
        %dma_start3A_561 = arith.constant 0 : i32
        %dma_start3A_562 = tpu.memref_slice %arg13[%dma_start3A_560, %dma_start3A_561] : memref<400x128xf32, #tpu.memory_space<vmem>> -> memref<80x128xf32, #tpu.memory_space<vmem>>
        %dma_start3A_563 = arith.constant 0 : i32
        %dma_start3A_564 = tpu.memref_slice %arg11[%run_scoped3A_424, %dma_start3A_563] : memref<5x80xi32, #tpu.memory_space<vmem>> -> memref<1x80xi32, #tpu.memory_space<vmem>>
        %dma_start3A_565 = tpu.memref_squeeze %dma_start3A_564 : memref<1x80xi32, #tpu.memory_space<vmem>> -> memref<80xi32, #tpu.memory_space<vmem>>
        %dma_start3A_566 = arith.constant 0 : i32
        %dma_start3A_567 = arith.constant 0 : i32
        %dma_start3A_568 = tpu.memref_slice %arg18[%dma_start3A_566, %dma_start3A_567] : memref<1024x128xf32, #tpu.memory_space<vmem_shared>> -> memref<1024x128xf32, #tpu.memory_space<vmem_shared>>
        tpu.enqueue_indirect_dma source(%dma_start3A_562 : memref<80x128xf32, #tpu.memory_space<vmem>>) target(%dma_start3A_568 : memref<1024x128xf32, #tpu.memory_space<vmem_shared>>) offsets(%dma_start3A_565 : memref<80xi32, #tpu.memory_space<vmem>>) semaphore(%run_scoped3A_559 : memref<!tpu.dma_semaphore, #tpu.memory_space<semaphore_mem>>) {add = true}
        %dma_wait3A_569 = arith.constant 0 : i32
        %dma_wait3A_570 = arith.constant 0 : i32
        %dma_wait3A_571 = tpu.memref_slice %arg13[%dma_wait3A_569, %dma_wait3A_570] : memref<400x128xf32, #tpu.memory_space<vmem>> -> memref<80x128xf32, #tpu.memory_space<vmem>>
        %dma_wait3A_572 = arith.constant 0 : i32
        %dma_wait3A_573 = tpu.memref_slice %arg11[%run_scoped3A_424, %dma_wait3A_572] : memref<5x80xi32, #tpu.memory_space<vmem>> -> memref<1x80xi32, #tpu.memory_space<vmem>>
        %dma_wait3A_574 = tpu.memref_squeeze %dma_wait3A_573 : memref<1x80xi32, #tpu.memory_space<vmem>> -> memref<80xi32, #tpu.memory_space<vmem>>
        %dma_wait3A_575 = arith.constant 0 : i32
        %dma_wait3A_576 = arith.constant 0 : i32
        %dma_wait3A_577 = tpu.memref_slice %arg18[%dma_wait3A_575, %dma_wait3A_576] : memref<1024x128xf32, #tpu.memory_space<vmem_shared>> -> memref<1024x128xf32, #tpu.memory_space<vmem_shared>>
        tpu.wait_indirect_dma semaphore(%run_scoped3A_559 : memref<!tpu.dma_semaphore, #tpu.memory_space<semaphore_mem>>) src(%dma_wait3A_571 : memref<80x128xf32, #tpu.memory_space<vmem>>) dst(%dma_wait3A_577 : memref<1024x128xf32, #tpu.memory_space<vmem_shared>>)
        tpu.yield
      }) : () -> ()
      %run_scoped3A_425 = arith.constant 1 : i32
      "tpu.region"() ({
        %run_scoped3A_559 = tpu.sem_alloc : memref<!tpu.dma_semaphore, #tpu.memory_space<semaphore_mem>>
        %dma_start3A_560 = arith.constant 80 : i32
        %dma_start3A_561 = arith.constant 0 : i32
        %dma_start3A_562 = tpu.memref_slice %arg13[%dma_start3A_560, %dma_start3A_561] : memref<400x128xf32, #tpu.memory_space<vmem>> -> memref<80x128xf32, #tpu.memory_space<vmem>>
        %dma_start3A_563 = arith.constant 0 : i32
        %dma_start3A_564 = tpu.memref_slice %arg11[%run_scoped3A_425, %dma_start3A_563] : memref<5x80xi32, #tpu.memory_space<vmem>> -> memref<1x80xi32, #tpu.memory_space<vmem>>
        %dma_start3A_565 = tpu.memref_squeeze %dma_start3A_564 : memref<1x80xi32, #tpu.memory_space<vmem>> -> memref<80xi32, #tpu.memory_space<vmem>>
        %dma_start3A_566 = arith.constant 0 : i32
        %dma_start3A_567 = arith.constant 0 : i32
        %dma_start3A_568 = tpu.memref_slice %arg18[%dma_start3A_566, %dma_start3A_567] : memref<1024x128xf32, #tpu.memory_space<vmem_shared>> -> memref<1024x128xf32, #tpu.memory_space<vmem_shared>>
        tpu.enqueue_indirect_dma source(%dma_start3A_562 : memref<80x128xf32, #tpu.memory_space<vmem>>) target(%dma_start3A_568 : memref<1024x128xf32, #tpu.memory_space<vmem_shared>>) offsets(%dma_start3A_565 : memref<80xi32, #tpu.memory_space<vmem>>) semaphore(%run_scoped3A_559 : memref<!tpu.dma_semaphore, #tpu.memory_space<semaphore_mem>>) {add = true}
        %dma_wait3A_569 = arith.constant 80 : i32
        %dma_wait3A_570 = arith.constant 0 : i32
        %dma_wait3A_571 = tpu.memref_slice %arg13[%dma_wait3A_569, %dma_wait3A_570] : memref<400x128xf32, #tpu.memory_space<vmem>> -> memref<80x128xf32, #tpu.memory_space<vmem>>
        %dma_wait3A_572 = arith.constant 0 : i32
        %dma_wait3A_573 = tpu.memref_slice %arg11[%run_scoped3A_425, %dma_wait3A_572] : memref<5x80xi32, #tpu.memory_space<vmem>> -> memref<1x80xi32, #tpu.memory_space<vmem>>
        %dma_wait3A_574 = tpu.memref_squeeze %dma_wait3A_573 : memref<1x80xi32, #tpu.memory_space<vmem>> -> memref<80xi32, #tpu.memory_space<vmem>>
        %dma_wait3A_575 = arith.constant 0 : i32
        %dma_wait3A_576 = arith.constant 0 : i32
        %dma_wait3A_577 = tpu.memref_slice %arg18[%dma_wait3A_575, %dma_wait3A_576] : memref<1024x128xf32, #tpu.memory_space<vmem_shared>> -> memref<1024x128xf32, #tpu.memory_space<vmem_shared>>
        tpu.wait_indirect_dma semaphore(%run_scoped3A_559 : memref<!tpu.dma_semaphore, #tpu.memory_space<semaphore_mem>>) src(%dma_wait3A_571 : memref<80x128xf32, #tpu.memory_space<vmem>>) dst(%dma_wait3A_577 : memref<1024x128xf32, #tpu.memory_space<vmem_shared>>)
        tpu.yield
      }) : () -> ()
      %run_scoped3A_426 = arith.constant 2 : i32
      "tpu.region"() ({
        %run_scoped3A_559 = tpu.sem_alloc : memref<!tpu.dma_semaphore, #tpu.memory_space<semaphore_mem>>
        %dma_start3A_560 = arith.constant 160 : i32
        %dma_start3A_561 = arith.constant 0 : i32
        %dma_start3A_562 = tpu.memref_slice %arg13[%dma_start3A_560, %dma_start3A_561] : memref<400x128xf32, #tpu.memory_space<vmem>> -> memref<80x128xf32, #tpu.memory_space<vmem>>
        %dma_start3A_563 = arith.constant 0 : i32
        %dma_start3A_564 = tpu.memref_slice %arg11[%run_scoped3A_426, %dma_start3A_563] : memref<5x80xi32, #tpu.memory_space<vmem>> -> memref<1x80xi32, #tpu.memory_space<vmem>>
        %dma_start3A_565 = tpu.memref_squeeze %dma_start3A_564 : memref<1x80xi32, #tpu.memory_space<vmem>> -> memref<80xi32, #tpu.memory_space<vmem>>
        %dma_start3A_566 = arith.constant 0 : i32
        %dma_start3A_567 = arith.constant 0 : i32
        %dma_start3A_568 = tpu.memref_slice %arg18[%dma_start3A_566, %dma_start3A_567] : memref<1024x128xf32, #tpu.memory_space<vmem_shared>> -> memref<1024x128xf32, #tpu.memory_space<vmem_shared>>
        tpu.enqueue_indirect_dma source(%dma_start3A_562 : memref<80x128xf32, #tpu.memory_space<vmem>>) target(%dma_start3A_568 : memref<1024x128xf32, #tpu.memory_space<vmem_shared>>) offsets(%dma_start3A_565 : memref<80xi32, #tpu.memory_space<vmem>>) semaphore(%run_scoped3A_559 : memref<!tpu.dma_semaphore, #tpu.memory_space<semaphore_mem>>) {add = true}
        %dma_wait3A_569 = arith.constant 160 : i32
        %dma_wait3A_570 = arith.constant 0 : i32
        %dma_wait3A_571 = tpu.memref_slice %arg13[%dma_wait3A_569, %dma_wait3A_570] : memref<400x128xf32, #tpu.memory_space<vmem>> -> memref<80x128xf32, #tpu.memory_space<vmem>>
        %dma_wait3A_572 = arith.constant 0 : i32
        %dma_wait3A_573 = tpu.memref_slice %arg11[%run_scoped3A_426, %dma_wait3A_572] : memref<5x80xi32, #tpu.memory_space<vmem>> -> memref<1x80xi32, #tpu.memory_space<vmem>>
        %dma_wait3A_574 = tpu.memref_squeeze %dma_wait3A_573 : memref<1x80xi32, #tpu.memory_space<vmem>> -> memref<80xi32, #tpu.memory_space<vmem>>
        %dma_wait3A_575 = arith.constant 0 : i32
        %dma_wait3A_576 = arith.constant 0 : i32
        %dma_wait3A_577 = tpu.memref_slice %arg18[%dma_wait3A_575, %dma_wait3A_576] : memref<1024x128xf32, #tpu.memory_space<vmem_shared>> -> memref<1024x128xf32, #tpu.memory_space<vmem_shared>>
        tpu.wait_indirect_dma semaphore(%run_scoped3A_559 : memref<!tpu.dma_semaphore, #tpu.memory_space<semaphore_mem>>) src(%dma_wait3A_571 : memref<80x128xf32, #tpu.memory_space<vmem>>) dst(%dma_wait3A_577 : memref<1024x128xf32, #tpu.memory_space<vmem_shared>>)
        tpu.yield
      }) : () -> ()
      %run_scoped3A_427 = arith.constant 3 : i32
      "tpu.region"() ({
        %run_scoped3A_559 = tpu.sem_alloc : memref<!tpu.dma_semaphore, #tpu.memory_space<semaphore_mem>>
        %dma_start3A_560 = arith.constant 240 : i32
        %dma_start3A_561 = arith.constant 0 : i32
        %dma_start3A_562 = tpu.memref_slice %arg13[%dma_start3A_560, %dma_start3A_561] : memref<400x128xf32, #tpu.memory_space<vmem>> -> memref<80x128xf32, #tpu.memory_space<vmem>>
        %dma_start3A_563 = arith.constant 0 : i32
        %dma_start3A_564 = tpu.memref_slice %arg11[%run_scoped3A_427, %dma_start3A_563] : memref<5x80xi32, #tpu.memory_space<vmem>> -> memref<1x80xi32, #tpu.memory_space<vmem>>
        %dma_start3A_565 = tpu.memref_squeeze %dma_start3A_564 : memref<1x80xi32, #tpu.memory_space<vmem>> -> memref<80xi32, #tpu.memory_space<vmem>>
        %dma_start3A_566 = arith.constant 0 : i32
        %dma_start3A_567 = arith.constant 0 : i32
        %dma_start3A_568 = tpu.memref_slice %arg18[%dma_start3A_566, %dma_start3A_567] : memref<1024x128xf32, #tpu.memory_space<vmem_shared>> -> memref<1024x128xf32, #tpu.memory_space<vmem_shared>>
        tpu.enqueue_indirect_dma source(%dma_start3A_562 : memref<80x128xf32, #tpu.memory_space<vmem>>) target(%dma_start3A_568 : memref<1024x128xf32, #tpu.memory_space<vmem_shared>>) offsets(%dma_start3A_565 : memref<80xi32, #tpu.memory_space<vmem>>) semaphore(%run_scoped3A_559 : memref<!tpu.dma_semaphore, #tpu.memory_space<semaphore_mem>>) {add = true}
        %dma_wait3A_569 = arith.constant 240 : i32
        %dma_wait3A_570 = arith.constant 0 : i32
        %dma_wait3A_571 = tpu.memref_slice %arg13[%dma_wait3A_569, %dma_wait3A_570] : memref<400x128xf32, #tpu.memory_space<vmem>> -> memref<80x128xf32, #tpu.memory_space<vmem>>
        %dma_wait3A_572 = arith.constant 0 : i32
        %dma_wait3A_573 = tpu.memref_slice %arg11[%run_scoped3A_427, %dma_wait3A_572] : memref<5x80xi32, #tpu.memory_space<vmem>> -> memref<1x80xi32, #tpu.memory_space<vmem>>
        %dma_wait3A_574 = tpu.memref_squeeze %dma_wait3A_573 : memref<1x80xi32, #tpu.memory_space<vmem>> -> memref<80xi32, #tpu.memory_space<vmem>>
        %dma_wait3A_575 = arith.constant 0 : i32
        %dma_wait3A_576 = arith.constant 0 : i32
        %dma_wait3A_577 = tpu.memref_slice %arg18[%dma_wait3A_575, %dma_wait3A_576] : memref<1024x128xf32, #tpu.memory_space<vmem_shared>> -> memref<1024x128xf32, #tpu.memory_space<vmem_shared>>
        tpu.wait_indirect_dma semaphore(%run_scoped3A_559 : memref<!tpu.dma_semaphore, #tpu.memory_space<semaphore_mem>>) src(%dma_wait3A_571 : memref<80x128xf32, #tpu.memory_space<vmem>>) dst(%dma_wait3A_577 : memref<1024x128xf32, #tpu.memory_space<vmem_shared>>)
        tpu.yield
      }) : () -> ()
      %run_scoped3A_428 = arith.constant 4 : i32
      "tpu.region"() ({
        %run_scoped3A_559 = tpu.sem_alloc : memref<!tpu.dma_semaphore, #tpu.memory_space<semaphore_mem>>
        %dma_start3A_560 = arith.constant 320 : i32
        %dma_start3A_561 = arith.constant 0 : i32
        %dma_start3A_562 = tpu.memref_slice %arg13[%dma_start3A_560, %dma_start3A_561] : memref<400x128xf32, #tpu.memory_space<vmem>> -> memref<80x128xf32, #tpu.memory_space<vmem>>
        %dma_start3A_563 = arith.constant 0 : i32
        %dma_start3A_564 = tpu.memref_slice %arg11[%run_scoped3A_428, %dma_start3A_563] : memref<5x80xi32, #tpu.memory_space<vmem>> -> memref<1x80xi32, #tpu.memory_space<vmem>>
        %dma_start3A_565 = tpu.memref_squeeze %dma_start3A_564 : memref<1x80xi32, #tpu.memory_space<vmem>> -> memref<80xi32, #tpu.memory_space<vmem>>
        %dma_start3A_566 = arith.constant 0 : i32
        %dma_start3A_567 = arith.constant 0 : i32
        %dma_start3A_568 = tpu.memref_slice %arg18[%dma_start3A_566, %dma_start3A_567] : memref<1024x128xf32, #tpu.memory_space<vmem_shared>> -> memref<1024x128xf32, #tpu.memory_space<vmem_shared>>
        tpu.enqueue_indirect_dma source(%dma_start3A_562 : memref<80x128xf32, #tpu.memory_space<vmem>>) target(%dma_start3A_568 : memref<1024x128xf32, #tpu.memory_space<vmem_shared>>) offsets(%dma_start3A_565 : memref<80xi32, #tpu.memory_space<vmem>>) semaphore(%run_scoped3A_559 : memref<!tpu.dma_semaphore, #tpu.memory_space<semaphore_mem>>) {add = true}
        %dma_wait3A_569 = arith.constant 320 : i32
        %dma_wait3A_570 = arith.constant 0 : i32
        %dma_wait3A_571 = tpu.memref_slice %arg13[%dma_wait3A_569, %dma_wait3A_570] : memref<400x128xf32, #tpu.memory_space<vmem>> -> memref<80x128xf32, #tpu.memory_space<vmem>>
        %dma_wait3A_572 = arith.constant 0 : i32
        %dma_wait3A_573 = tpu.memref_slice %arg11[%run_scoped3A_428, %dma_wait3A_572] : memref<5x80xi32, #tpu.memory_space<vmem>> -> memref<1x80xi32, #tpu.memory_space<vmem>>
        %dma_wait3A_574 = tpu.memref_squeeze %dma_wait3A_573 : memref<1x80xi32, #tpu.memory_space<vmem>> -> memref<80xi32, #tpu.memory_space<vmem>>
        %dma_wait3A_575 = arith.constant 0 : i32
        %dma_wait3A_576 = arith.constant 0 : i32
        %dma_wait3A_577 = tpu.memref_slice %arg18[%dma_wait3A_575, %dma_wait3A_576] : memref<1024x128xf32, #tpu.memory_space<vmem_shared>> -> memref<1024x128xf32, #tpu.memory_space<vmem_shared>>
        tpu.wait_indirect_dma semaphore(%run_scoped3A_559 : memref<!tpu.dma_semaphore, #tpu.memory_space<semaphore_mem>>) src(%dma_wait3A_571 : memref<80x128xf32, #tpu.memory_space<vmem>>) dst(%dma_wait3A_577 : memref<1024x128xf32, #tpu.memory_space<vmem_shared>>)
        tpu.yield
      }) : () -> ()
      %add3A_429 = arith.constant 1 : i32
      %add3A_430 = arith.addi %add3A_301, %add3A_429 : i32
      %add3A_431 = arith.constant 1 : i32
      %add3A_432 = arith.addi %add3A_430, %add3A_431 : i32
      %lt3A_433 = arith.constant 25 : i32
      %lt3A_434 = arith.cmpi slt, %add3A_432, %lt3A_433 : i32
      %convert_element_type3A_435 = arith.extui %lt3A_434 : i1 to i32
      %cond3A_436 = arith.constant 0 : i32
      %cond3A_437 = arith.cmpi ne, %convert_element_type3A_435, %cond3A_436 : i32
      scf.if %cond3A_437 {
        %add3A_559 = arith.constant 1 : i32
        %add3A_560 = arith.addi %add3A_430, %add3A_559 : i32
        %add3A_561 = arith.addi %mul3A_2, %add3A_560 : i32
        %dma_start3A_562 = arith.constant 0 : i32
        %dma_start3A_563 = arith.constant 0 : i32
        %dma_start3A_564 = tpu.memref_slice %arg5[%add3A_561, %dma_start3A_562, %dma_start3A_563] : memref<800x5x80xi32, #tpu.memory_space<hbm>> -> memref<1x5x80xi32, #tpu.memory_space<hbm>>
        %dma_start3A_565 = tpu.memref_squeeze %dma_start3A_564 : memref<1x5x80xi32, #tpu.memory_space<hbm>> -> memref<5x80xi32, #tpu.memory_space<hbm>>
        %dma_start3A_566 = arith.constant 0 : i32
        %dma_start3A_567 = arith.constant 0 : i32
        %dma_start3A_568 = tpu.memref_slice %arg5[%add3A_561, %dma_start3A_566, %dma_start3A_567] : memref<800x5x80xi32, #tpu.memory_space<hbm>> -> memref<1x5x80xi32, #tpu.memory_space<hbm>>
        %dma_start3A_569 = tpu.memref_squeeze %dma_start3A_568 : memref<1x5x80xi32, #tpu.memory_space<hbm>> -> memref<5x80xi32, #tpu.memory_space<hbm>>
        tpu.enqueue_dma source(%dma_start3A_569 : memref<5x80xi32, #tpu.memory_space<hbm>>) target(%arg11 : memref<5x80xi32, #tpu.memory_space<vmem>>) target_semaphore(%arg19 : memref<!tpu.dma_semaphore, #tpu.memory_space<semaphore_mem>>)
        %mul3A_570 = arith.constant 400 : i32
        %mul3A_571 = arith.muli %add3A_561, %mul3A_570 : i32
        %dma_start3A_572 = arith.constant 0 : i32
        %dma_start3A_573 = tpu.memref_slice %arg3[%mul3A_571, %dma_start3A_572] : memref<320000x128xf32, #tpu.memory_space<hbm>> -> memref<400x128xf32, #tpu.memory_space<hbm>>
        %dma_start3A_574 = arith.constant 0 : i32
        %dma_start3A_575 = tpu.memref_slice %arg3[%mul3A_571, %dma_start3A_574] : memref<320000x128xf32, #tpu.memory_space<hbm>> -> memref<400x128xf32, #tpu.memory_space<hbm>>
        tpu.enqueue_dma source(%dma_start3A_575 : memref<400x128xf32, #tpu.memory_space<hbm>>) target(%arg13 : memref<400x128xf32, #tpu.memory_space<vmem>>) target_semaphore(%arg21 : memref<!tpu.dma_semaphore, #tpu.memory_space<semaphore_mem>>)
      } else {
      }
      %dma_wait3A_438 = arith.constant 0 : i32
      %dma_wait3A_439 = arith.constant 0 : i32
      %dma_wait3A_440 = tpu.memref_slice %arg5[%mul3A_2, %dma_wait3A_438, %dma_wait3A_439] : memref<800x5x80xi32, #tpu.memory_space<hbm>> -> memref<1x5x80xi32, #tpu.memory_space<hbm>>
      %dma_wait3A_441 = tpu.memref_squeeze %dma_wait3A_440 : memref<1x5x80xi32, #tpu.memory_space<hbm>> -> memref<5x80xi32, #tpu.memory_space<hbm>>
      %dma_wait3A_442 = arith.constant 0 : i32
      %dma_wait3A_443 = arith.constant 0 : i32
      %dma_wait3A_444 = tpu.memref_slice %arg5[%mul3A_2, %dma_wait3A_442, %dma_wait3A_443] : memref<800x5x80xi32, #tpu.memory_space<hbm>> -> memref<1x5x80xi32, #tpu.memory_space<hbm>>
      %dma_wait3A_445 = tpu.memref_squeeze %dma_wait3A_444 : memref<1x5x80xi32, #tpu.memory_space<hbm>> -> memref<5x80xi32, #tpu.memory_space<hbm>>
      tpu.wait_dma2 semaphore(%arg20 : memref<!tpu.dma_semaphore, #tpu.memory_space<semaphore_mem>>) src(%dma_wait3A_445 : memref<5x80xi32, #tpu.memory_space<hbm>>) dst(%arg12 : memref<5x80xi32, #tpu.memory_space<vmem>>)
      %broadcast_in_dim3A_446 = arith.constant 1.000000e+00 : f32
      %broadcast_in_dim3A_447 = vector.broadcast %broadcast_in_dim3A_446 : f32 to vector<16xf32>
      %get3A_448 = arith.constant 0 : i32
      %get3A_449 = arith.index_cast %get3A_448 : i32 to index
      %get3A_450 = arith.constant 0 : index
      %get3A_451 = tpu.vector_load %arg12[%get3A_449, %get3A_450] {strides = array<i32>} : memref<5x80xi32, #tpu.memory_space<vmem>>, vector<16xi32>,
      tpu.vector_store_idx %arg16[%get3A_451], %broadcast_in_dim3A_447 {add = true} : memref<1024xf32, #tpu.memory_space<vmem>>[vector<16xi32>], vector<16xf32>,
      %get3A_452 = arith.constant 0 : i32
      %get3A_453 = arith.index_cast %get3A_452 : i32 to index
      %get3A_454 = arith.constant 16 : index
      %get3A_455 = tpu.vector_load %arg12[%get3A_453, %get3A_454] {strides = array<i32>} : memref<5x80xi32, #tpu.memory_space<vmem>>, vector<16xi32>,
      tpu.vector_store_idx %arg16[%get3A_455], %broadcast_in_dim3A_447 {add = true} : memref<1024xf32, #tpu.memory_space<vmem>>[vector<16xi32>], vector<16xf32>,
      %get3A_456 = arith.constant 0 : i32
      %get3A_457 = arith.index_cast %get3A_456 : i32 to index
      %get3A_458 = arith.constant 32 : index
      %get3A_459 = tpu.vector_load %arg12[%get3A_457, %get3A_458] {strides = array<i32>} : memref<5x80xi32, #tpu.memory_space<vmem>>, vector<16xi32>,
      tpu.vector_store_idx %arg16[%get3A_459], %broadcast_in_dim3A_447 {add = true} : memref<1024xf32, #tpu.memory_space<vmem>>[vector<16xi32>], vector<16xf32>,
      %get3A_460 = arith.constant 0 : i32
      %get3A_461 = arith.index_cast %get3A_460 : i32 to index
      %get3A_462 = arith.constant 48 : index
      %get3A_463 = tpu.vector_load %arg12[%get3A_461, %get3A_462] {strides = array<i32>} : memref<5x80xi32, #tpu.memory_space<vmem>>, vector<16xi32>,
      tpu.vector_store_idx %arg16[%get3A_463], %broadcast_in_dim3A_447 {add = true} : memref<1024xf32, #tpu.memory_space<vmem>>[vector<16xi32>], vector<16xf32>,
      %get3A_464 = arith.constant 0 : i32
      %get3A_465 = arith.index_cast %get3A_464 : i32 to index
      %get3A_466 = arith.constant 64 : index
      %get3A_467 = tpu.vector_load %arg12[%get3A_465, %get3A_466] {strides = array<i32>} : memref<5x80xi32, #tpu.memory_space<vmem>>, vector<16xi32>,
      tpu.vector_store_idx %arg16[%get3A_467], %broadcast_in_dim3A_447 {add = true} : memref<1024xf32, #tpu.memory_space<vmem>>[vector<16xi32>], vector<16xf32>,
      %get3A_468 = arith.constant 1 : i32
      %get3A_469 = arith.index_cast %get3A_468 : i32 to index
      %get3A_470 = arith.constant 0 : index
      %get3A_471 = tpu.vector_load %arg12[%get3A_469, %get3A_470] {strides = array<i32>} : memref<5x80xi32, #tpu.memory_space<vmem>>, vector<16xi32>,
      tpu.vector_store_idx %arg16[%get3A_471], %broadcast_in_dim3A_447 {add = true} : memref<1024xf32, #tpu.memory_space<vmem>>[vector<16xi32>], vector<16xf32>,
      %get3A_472 = arith.constant 1 : i32
      %get3A_473 = arith.index_cast %get3A_472 : i32 to index
      %get3A_474 = arith.constant 16 : index
      %get3A_475 = tpu.vector_load %arg12[%get3A_473, %get3A_474] {strides = array<i32>} : memref<5x80xi32, #tpu.memory_space<vmem>>, vector<16xi32>,
      tpu.vector_store_idx %arg16[%get3A_475], %broadcast_in_dim3A_447 {add = true} : memref<1024xf32, #tpu.memory_space<vmem>>[vector<16xi32>], vector<16xf32>,
      %get3A_476 = arith.constant 1 : i32
      %get3A_477 = arith.index_cast %get3A_476 : i32 to index
      %get3A_478 = arith.constant 32 : index
      %get3A_479 = tpu.vector_load %arg12[%get3A_477, %get3A_478] {strides = array<i32>} : memref<5x80xi32, #tpu.memory_space<vmem>>, vector<16xi32>,
      tpu.vector_store_idx %arg16[%get3A_479], %broadcast_in_dim3A_447 {add = true} : memref<1024xf32, #tpu.memory_space<vmem>>[vector<16xi32>], vector<16xf32>,
      %get3A_480 = arith.constant 1 : i32
      %get3A_481 = arith.index_cast %get3A_480 : i32 to index
      %get3A_482 = arith.constant 48 : index
      %get3A_483 = tpu.vector_load %arg12[%get3A_481, %get3A_482] {strides = array<i32>} : memref<5x80xi32, #tpu.memory_space<vmem>>, vector<16xi32>,
      tpu.vector_store_idx %arg16[%get3A_483], %broadcast_in_dim3A_447 {add = true} : memref<1024xf32, #tpu.memory_space<vmem>>[vector<16xi32>], vector<16xf32>,
      %get3A_484 = arith.constant 1 : i32
      %get3A_485 = arith.index_cast %get3A_484 : i32 to index
      %get3A_486 = arith.constant 64 : index
      %get3A_487 = tpu.vector_load %arg12[%get3A_485, %get3A_486] {strides = array<i32>} : memref<5x80xi32, #tpu.memory_space<vmem>>, vector<16xi32>,
      tpu.vector_store_idx %arg16[%get3A_487], %broadcast_in_dim3A_447 {add = true} : memref<1024xf32, #tpu.memory_space<vmem>>[vector<16xi32>], vector<16xf32>,
      %get3A_488 = arith.constant 2 : i32
      %get3A_489 = arith.index_cast %get3A_488 : i32 to index
      %get3A_490 = arith.constant 0 : index
      %get3A_491 = tpu.vector_load %arg12[%get3A_489, %get3A_490] {strides = array<i32>} : memref<5x80xi32, #tpu.memory_space<vmem>>, vector<16xi32>,
      tpu.vector_store_idx %arg16[%get3A_491], %broadcast_in_dim3A_447 {add = true} : memref<1024xf32, #tpu.memory_space<vmem>>[vector<16xi32>], vector<16xf32>,
      %get3A_492 = arith.constant 2 : i32
      %get3A_493 = arith.index_cast %get3A_492 : i32 to index
      %get3A_494 = arith.constant 16 : index
      %get3A_495 = tpu.vector_load %arg12[%get3A_493, %get3A_494] {strides = array<i32>} : memref<5x80xi32, #tpu.memory_space<vmem>>, vector<16xi32>,
      tpu.vector_store_idx %arg16[%get3A_495], %broadcast_in_dim3A_447 {add = true} : memref<1024xf32, #tpu.memory_space<vmem>>[vector<16xi32>], vector<16xf32>,
      %get3A_496 = arith.constant 2 : i32
      %get3A_497 = arith.index_cast %get3A_496 : i32 to index
      %get3A_498 = arith.constant 32 : index
      %get3A_499 = tpu.vector_load %arg12[%get3A_497, %get3A_498] {strides = array<i32>} : memref<5x80xi32, #tpu.memory_space<vmem>>, vector<16xi32>,
      tpu.vector_store_idx %arg16[%get3A_499], %broadcast_in_dim3A_447 {add = true} : memref<1024xf32, #tpu.memory_space<vmem>>[vector<16xi32>], vector<16xf32>,
      %get3A_500 = arith.constant 2 : i32
      %get3A_501 = arith.index_cast %get3A_500 : i32 to index
      %get3A_502 = arith.constant 48 : index
      %get3A_503 = tpu.vector_load %arg12[%get3A_501, %get3A_502] {strides = array<i32>} : memref<5x80xi32, #tpu.memory_space<vmem>>, vector<16xi32>,
      tpu.vector_store_idx %arg16[%get3A_503], %broadcast_in_dim3A_447 {add = true} : memref<1024xf32, #tpu.memory_space<vmem>>[vector<16xi32>], vector<16xf32>,
      %get3A_504 = arith.constant 2 : i32
      %get3A_505 = arith.index_cast %get3A_504 : i32 to index
      %get3A_506 = arith.constant 64 : index
      %get3A_507 = tpu.vector_load %arg12[%get3A_505, %get3A_506] {strides = array<i32>} : memref<5x80xi32, #tpu.memory_space<vmem>>, vector<16xi32>,
      tpu.vector_store_idx %arg16[%get3A_507], %broadcast_in_dim3A_447 {add = true} : memref<1024xf32, #tpu.memory_space<vmem>>[vector<16xi32>], vector<16xf32>,
      %get3A_508 = arith.constant 3 : i32
      %get3A_509 = arith.index_cast %get3A_508 : i32 to index
      %get3A_510 = arith.constant 0 : index
      %get3A_511 = tpu.vector_load %arg12[%get3A_509, %get3A_510] {strides = array<i32>} : memref<5x80xi32, #tpu.memory_space<vmem>>, vector<16xi32>,
      tpu.vector_store_idx %arg16[%get3A_511], %broadcast_in_dim3A_447 {add = true} : memref<1024xf32, #tpu.memory_space<vmem>>[vector<16xi32>], vector<16xf32>,
      %get3A_512 = arith.constant 3 : i32
      %get3A_513 = arith.index_cast %get3A_512 : i32 to index
      %get3A_514 = arith.constant 16 : index
      %get3A_515 = tpu.vector_load %arg12[%get3A_513, %get3A_514] {strides = array<i32>} : memref<5x80xi32, #tpu.memory_space<vmem>>, vector<16xi32>,
      tpu.vector_store_idx %arg16[%get3A_515], %broadcast_in_dim3A_447 {add = true} : memref<1024xf32, #tpu.memory_space<vmem>>[vector<16xi32>], vector<16xf32>,
      %get3A_516 = arith.constant 3 : i32
      %get3A_517 = arith.index_cast %get3A_516 : i32 to index
      %get3A_518 = arith.constant 32 : index
      %get3A_519 = tpu.vector_load %arg12[%get3A_517, %get3A_518] {strides = array<i32>} : memref<5x80xi32, #tpu.memory_space<vmem>>, vector<16xi32>,
      tpu.vector_store_idx %arg16[%get3A_519], %broadcast_in_dim3A_447 {add = true} : memref<1024xf32, #tpu.memory_space<vmem>>[vector<16xi32>], vector<16xf32>,
      %get3A_520 = arith.constant 3 : i32
      %get3A_521 = arith.index_cast %get3A_520 : i32 to index
      %get3A_522 = arith.constant 48 : index
      %get3A_523 = tpu.vector_load %arg12[%get3A_521, %get3A_522] {strides = array<i32>} : memref<5x80xi32, #tpu.memory_space<vmem>>, vector<16xi32>,
      tpu.vector_store_idx %arg16[%get3A_523], %broadcast_in_dim3A_447 {add = true} : memref<1024xf32, #tpu.memory_space<vmem>>[vector<16xi32>], vector<16xf32>,
      %get3A_524 = arith.constant 3 : i32
      %get3A_525 = arith.index_cast %get3A_524 : i32 to index
      %get3A_526 = arith.constant 64 : index
      %get3A_527 = tpu.vector_load %arg12[%get3A_525, %get3A_526] {strides = array<i32>} : memref<5x80xi32, #tpu.memory_space<vmem>>, vector<16xi32>,
      tpu.vector_store_idx %arg16[%get3A_527], %broadcast_in_dim3A_447 {add = true} : memref<1024xf32, #tpu.memory_space<vmem>>[vector<16xi32>], vector<16xf32>,
      %get3A_528 = arith.constant 4 : i32
      %get3A_529 = arith.index_cast %get3A_528 : i32 to index
      %get3A_530 = arith.constant 0 : index
      %get3A_531 = tpu.vector_load %arg12[%get3A_529, %get3A_530] {strides = array<i32>} : memref<5x80xi32, #tpu.memory_space<vmem>>, vector<16xi32>,
      tpu.vector_store_idx %arg16[%get3A_531], %broadcast_in_dim3A_447 {add = true} : memref<1024xf32, #tpu.memory_space<vmem>>[vector<16xi32>], vector<16xf32>,
      %get3A_532 = arith.constant 4 : i32
      %get3A_533 = arith.index_cast %get3A_532 : i32 to index
      %get3A_534 = arith.constant 16 : index
      %get3A_535 = tpu.vector_load %arg12[%get3A_533, %get3A_534] {strides = array<i32>} : memref<5x80xi32, #tpu.memory_space<vmem>>, vector<16xi32>,
      tpu.vector_store_idx %arg16[%get3A_535], %broadcast_in_dim3A_447 {add = true} : memref<1024xf32, #tpu.memory_space<vmem>>[vector<16xi32>], vector<16xf32>,
      %get3A_536 = arith.constant 4 : i32
      %get3A_537 = arith.index_cast %get3A_536 : i32 to index
      %get3A_538 = arith.constant 32 : index
      %get3A_539 = tpu.vector_load %arg12[%get3A_537, %get3A_538] {strides = array<i32>} : memref<5x80xi32, #tpu.memory_space<vmem>>, vector<16xi32>,
      tpu.vector_store_idx %arg16[%get3A_539], %broadcast_in_dim3A_447 {add = true} : memref<1024xf32, #tpu.memory_space<vmem>>[vector<16xi32>], vector<16xf32>,
      %get3A_540 = arith.constant 4 : i32
      %get3A_541 = arith.index_cast %get3A_540 : i32 to index
      %get3A_542 = arith.constant 48 : index
      %get3A_543 = tpu.vector_load %arg12[%get3A_541, %get3A_542] {strides = array<i32>} : memref<5x80xi32, #tpu.memory_space<vmem>>, vector<16xi32>,
      tpu.vector_store_idx %arg16[%get3A_543], %broadcast_in_dim3A_447 {add = true} : memref<1024xf32, #tpu.memory_space<vmem>>[vector<16xi32>], vector<16xf32>,
      %get3A_544 = arith.constant 4 : i32
      %get3A_545 = arith.index_cast %get3A_544 : i32 to index
      %get3A_546 = arith.constant 64 : index
      %get3A_547 = tpu.vector_load %arg12[%get3A_545, %get3A_546] {strides = array<i32>} : memref<5x80xi32, #tpu.memory_space<vmem>>, vector<16xi32>,
      tpu.vector_store_idx %arg16[%get3A_547], %broadcast_in_dim3A_447 {add = true} : memref<1024xf32, #tpu.memory_space<vmem>>[vector<16xi32>], vector<16xf32>,
      %dma_wait3A_548 = arith.constant 0 : i32
      %dma_wait3A_549 = arith.constant 0 : i32
      %dma_wait3A_550 = tpu.memref_slice %arg3[%dma_wait3A_548, %dma_wait3A_549] : memref<320000x128xf32, #tpu.memory_space<hbm>> -> memref<400x128xf32, #tpu.memory_space<hbm>>
      %dma_wait3A_551 = arith.constant 0 : i32
      %dma_wait3A_552 = arith.constant 0 : i32
      %dma_wait3A_553 = tpu.memref_slice %arg3[%dma_wait3A_551, %dma_wait3A_552] : memref<320000x128xf32, #tpu.memory_space<hbm>> -> memref<400x128xf32, #tpu.memory_space<hbm>>
      tpu.wait_dma2 semaphore(%arg22 : memref<!tpu.dma_semaphore, #tpu.memory_space<semaphore_mem>>) src(%dma_wait3A_553 : memref<400x128xf32, #tpu.memory_space<hbm>>) dst(%arg14 : memref<400x128xf32, #tpu.memory_space<vmem>>)
      %run_scoped3A_554 = arith.constant 0 : i32
      "tpu.region"() ({
        %run_scoped3A_559 = tpu.sem_alloc : memref<!tpu.dma_semaphore, #tpu.memory_space<semaphore_mem>>
        %dma_start3A_560 = arith.constant 0 : i32
        %dma_start3A_561 = arith.constant 0 : i32
        %dma_start3A_562 = tpu.memref_slice %arg14[%dma_start3A_560, %dma_start3A_561] : memref<400x128xf32, #tpu.memory_space<vmem>> -> memref<80x128xf32, #tpu.memory_space<vmem>>
        %dma_start3A_563 = arith.constant 0 : i32
        %dma_start3A_564 = tpu.memref_slice %arg12[%run_scoped3A_554, %dma_start3A_563] : memref<5x80xi32, #tpu.memory_space<vmem>> -> memref<1x80xi32, #tpu.memory_space<vmem>>
        %dma_start3A_565 = tpu.memref_squeeze %dma_start3A_564 : memref<1x80xi32, #tpu.memory_space<vmem>> -> memref<80xi32, #tpu.memory_space<vmem>>
        %dma_start3A_566 = arith.constant 0 : i32
        %dma_start3A_567 = arith.constant 0 : i32
        %dma_start3A_568 = tpu.memref_slice %arg18[%dma_start3A_566, %dma_start3A_567] : memref<1024x128xf32, #tpu.memory_space<vmem_shared>> -> memref<1024x128xf32, #tpu.memory_space<vmem_shared>>
        tpu.enqueue_indirect_dma source(%dma_start3A_562 : memref<80x128xf32, #tpu.memory_space<vmem>>) target(%dma_start3A_568 : memref<1024x128xf32, #tpu.memory_space<vmem_shared>>) offsets(%dma_start3A_565 : memref<80xi32, #tpu.memory_space<vmem>>) semaphore(%run_scoped3A_559 : memref<!tpu.dma_semaphore, #tpu.memory_space<semaphore_mem>>) {add = true}
        %dma_wait3A_569 = arith.constant 0 : i32
        %dma_wait3A_570 = arith.constant 0 : i32
        %dma_wait3A_571 = tpu.memref_slice %arg14[%dma_wait3A_569, %dma_wait3A_570] : memref<400x128xf32, #tpu.memory_space<vmem>> -> memref<80x128xf32, #tpu.memory_space<vmem>>
        %dma_wait3A_572 = arith.constant 0 : i32
        %dma_wait3A_573 = tpu.memref_slice %arg12[%run_scoped3A_554, %dma_wait3A_572] : memref<5x80xi32, #tpu.memory_space<vmem>> -> memref<1x80xi32, #tpu.memory_space<vmem>>
        %dma_wait3A_574 = tpu.memref_squeeze %dma_wait3A_573 : memref<1x80xi32, #tpu.memory_space<vmem>> -> memref<80xi32, #tpu.memory_space<vmem>>
        %dma_wait3A_575 = arith.constant 0 : i32
        %dma_wait3A_576 = arith.constant 0 : i32
        %dma_wait3A_577 = tpu.memref_slice %arg18[%dma_wait3A_575, %dma_wait3A_576] : memref<1024x128xf32, #tpu.memory_space<vmem_shared>> -> memref<1024x128xf32, #tpu.memory_space<vmem_shared>>
        tpu.wait_indirect_dma semaphore(%run_scoped3A_559 : memref<!tpu.dma_semaphore, #tpu.memory_space<semaphore_mem>>) src(%dma_wait3A_571 : memref<80x128xf32, #tpu.memory_space<vmem>>) dst(%dma_wait3A_577 : memref<1024x128xf32, #tpu.memory_space<vmem_shared>>)
        tpu.yield
      }) : () -> ()
      %run_scoped3A_555 = arith.constant 1 : i32
      "tpu.region"() ({
        %run_scoped3A_559 = tpu.sem_alloc : memref<!tpu.dma_semaphore, #tpu.memory_space<semaphore_mem>>
        %dma_start3A_560 = arith.constant 80 : i32
        %dma_start3A_561 = arith.constant 0 : i32
        %dma_start3A_562 = tpu.memref_slice %arg14[%dma_start3A_560, %dma_start3A_561] : memref<400x128xf32, #tpu.memory_space<vmem>> -> memref<80x128xf32, #tpu.memory_space<vmem>>
        %dma_start3A_563 = arith.constant 0 : i32
        %dma_start3A_564 = tpu.memref_slice %arg12[%run_scoped3A_555, %dma_start3A_563] : memref<5x80xi32, #tpu.memory_space<vmem>> -> memref<1x80xi32, #tpu.memory_space<vmem>>
        %dma_start3A_565 = tpu.memref_squeeze %dma_start3A_564 : memref<1x80xi32, #tpu.memory_space<vmem>> -> memref<80xi32, #tpu.memory_space<vmem>>
        %dma_start3A_566 = arith.constant 0 : i32
        %dma_start3A_567 = arith.constant 0 : i32
        %dma_start3A_568 = tpu.memref_slice %arg18[%dma_start3A_566, %dma_start3A_567] : memref<1024x128xf32, #tpu.memory_space<vmem_shared>> -> memref<1024x128xf32, #tpu.memory_space<vmem_shared>>
        tpu.enqueue_indirect_dma source(%dma_start3A_562 : memref<80x128xf32, #tpu.memory_space<vmem>>) target(%dma_start3A_568 : memref<1024x128xf32, #tpu.memory_space<vmem_shared>>) offsets(%dma_start3A_565 : memref<80xi32, #tpu.memory_space<vmem>>) semaphore(%run_scoped3A_559 : memref<!tpu.dma_semaphore, #tpu.memory_space<semaphore_mem>>) {add = true}
        %dma_wait3A_569 = arith.constant 80 : i32
        %dma_wait3A_570 = arith.constant 0 : i32
        %dma_wait3A_571 = tpu.memref_slice %arg14[%dma_wait3A_569, %dma_wait3A_570] : memref<400x128xf32, #tpu.memory_space<vmem>> -> memref<80x128xf32, #tpu.memory_space<vmem>>
        %dma_wait3A_572 = arith.constant 0 : i32
        %dma_wait3A_573 = tpu.memref_slice %arg12[%run_scoped3A_555, %dma_wait3A_572] : memref<5x80xi32, #tpu.memory_space<vmem>> -> memref<1x80xi32, #tpu.memory_space<vmem>>
        %dma_wait3A_574 = tpu.memref_squeeze %dma_wait3A_573 : memref<1x80xi32, #tpu.memory_space<vmem>> -> memref<80xi32, #tpu.memory_space<vmem>>
        %dma_wait3A_575 = arith.constant 0 : i32
        %dma_wait3A_576 = arith.constant 0 : i32
        %dma_wait3A_577 = tpu.memref_slice %arg18[%dma_wait3A_575, %dma_wait3A_576] : memref<1024x128xf32, #tpu.memory_space<vmem_shared>> -> memref<1024x128xf32, #tpu.memory_space<vmem_shared>>
        tpu.wait_indirect_dma semaphore(%run_scoped3A_559 : memref<!tpu.dma_semaphore, #tpu.memory_space<semaphore_mem>>) src(%dma_wait3A_571 : memref<80x128xf32, #tpu.memory_space<vmem>>) dst(%dma_wait3A_577 : memref<1024x128xf32, #tpu.memory_space<vmem_shared>>)
        tpu.yield
      }) : () -> ()
      %run_scoped3A_556 = arith.constant 2 : i32
      "tpu.region"() ({
        %run_scoped3A_559 = tpu.sem_alloc : memref<!tpu.dma_semaphore, #tpu.memory_space<semaphore_mem>>
        %dma_start3A_560 = arith.constant 160 : i32
        %dma_start3A_561 = arith.constant 0 : i32
        %dma_start3A_562 = tpu.memref_slice %arg14[%dma_start3A_560, %dma_start3A_561] : memref<400x128xf32, #tpu.memory_space<vmem>> -> memref<80x128xf32, #tpu.memory_space<vmem>>
        %dma_start3A_563 = arith.constant 0 : i32
        %dma_start3A_564 = tpu.memref_slice %arg12[%run_scoped3A_556, %dma_start3A_563] : memref<5x80xi32, #tpu.memory_space<vmem>> -> memref<1x80xi32, #tpu.memory_space<vmem>>
        %dma_start3A_565 = tpu.memref_squeeze %dma_start3A_564 : memref<1x80xi32, #tpu.memory_space<vmem>> -> memref<80xi32, #tpu.memory_space<vmem>>
        %dma_start3A_566 = arith.constant 0 : i32
        %dma_start3A_567 = arith.constant 0 : i32
        %dma_start3A_568 = tpu.memref_slice %arg18[%dma_start3A_566, %dma_start3A_567] : memref<1024x128xf32, #tpu.memory_space<vmem_shared>> -> memref<1024x128xf32, #tpu.memory_space<vmem_shared>>
        tpu.enqueue_indirect_dma source(%dma_start3A_562 : memref<80x128xf32, #tpu.memory_space<vmem>>) target(%dma_start3A_568 : memref<1024x128xf32, #tpu.memory_space<vmem_shared>>) offsets(%dma_start3A_565 : memref<80xi32, #tpu.memory_space<vmem>>) semaphore(%run_scoped3A_559 : memref<!tpu.dma_semaphore, #tpu.memory_space<semaphore_mem>>) {add = true}
        %dma_wait3A_569 = arith.constant 160 : i32
        %dma_wait3A_570 = arith.constant 0 : i32
        %dma_wait3A_571 = tpu.memref_slice %arg14[%dma_wait3A_569, %dma_wait3A_570] : memref<400x128xf32, #tpu.memory_space<vmem>> -> memref<80x128xf32, #tpu.memory_space<vmem>>
        %dma_wait3A_572 = arith.constant 0 : i32
        %dma_wait3A_573 = tpu.memref_slice %arg12[%run_scoped3A_556, %dma_wait3A_572] : memref<5x80xi32, #tpu.memory_space<vmem>> -> memref<1x80xi32, #tpu.memory_space<vmem>>
        %dma_wait3A_574 = tpu.memref_squeeze %dma_wait3A_573 : memref<1x80xi32, #tpu.memory_space<vmem>> -> memref<80xi32, #tpu.memory_space<vmem>>
        %dma_wait3A_575 = arith.constant 0 : i32
        %dma_wait3A_576 = arith.constant 0 : i32
        %dma_wait3A_577 = tpu.memref_slice %arg18[%dma_wait3A_575, %dma_wait3A_576] : memref<1024x128xf32, #tpu.memory_space<vmem_shared>> -> memref<1024x128xf32, #tpu.memory_space<vmem_shared>>
        tpu.wait_indirect_dma semaphore(%run_scoped3A_559 : memref<!tpu.dma_semaphore, #tpu.memory_space<semaphore_mem>>) src(%dma_wait3A_571 : memref<80x128xf32, #tpu.memory_space<vmem>>) dst(%dma_wait3A_577 : memref<1024x128xf32, #tpu.memory_space<vmem_shared>>)
        tpu.yield
      }) : () -> ()
      %run_scoped3A_557 = arith.constant 3 : i32
      "tpu.region"() ({
        %run_scoped3A_559 = tpu.sem_alloc : memref<!tpu.dma_semaphore, #tpu.memory_space<semaphore_mem>>
        %dma_start3A_560 = arith.constant 240 : i32
        %dma_start3A_561 = arith.constant 0 : i32
        %dma_start3A_562 = tpu.memref_slice %arg14[%dma_start3A_560, %dma_start3A_561] : memref<400x128xf32, #tpu.memory_space<vmem>> -> memref<80x128xf32, #tpu.memory_space<vmem>>
        %dma_start3A_563 = arith.constant 0 : i32
        %dma_start3A_564 = tpu.memref_slice %arg12[%run_scoped3A_557, %dma_start3A_563] : memref<5x80xi32, #tpu.memory_space<vmem>> -> memref<1x80xi32, #tpu.memory_space<vmem>>
        %dma_start3A_565 = tpu.memref_squeeze %dma_start3A_564 : memref<1x80xi32, #tpu.memory_space<vmem>> -> memref<80xi32, #tpu.memory_space<vmem>>
        %dma_start3A_566 = arith.constant 0 : i32
        %dma_start3A_567 = arith.constant 0 : i32
        %dma_start3A_568 = tpu.memref_slice %arg18[%dma_start3A_566, %dma_start3A_567] : memref<1024x128xf32, #tpu.memory_space<vmem_shared>> -> memref<1024x128xf32, #tpu.memory_space<vmem_shared>>
        tpu.enqueue_indirect_dma source(%dma_start3A_562 : memref<80x128xf32, #tpu.memory_space<vmem>>) target(%dma_start3A_568 : memref<1024x128xf32, #tpu.memory_space<vmem_shared>>) offsets(%dma_start3A_565 : memref<80xi32, #tpu.memory_space<vmem>>) semaphore(%run_scoped3A_559 : memref<!tpu.dma_semaphore, #tpu.memory_space<semaphore_mem>>) {add = true}
        %dma_wait3A_569 = arith.constant 240 : i32
        %dma_wait3A_570 = arith.constant 0 : i32
        %dma_wait3A_571 = tpu.memref_slice %arg14[%dma_wait3A_569, %dma_wait3A_570] : memref<400x128xf32, #tpu.memory_space<vmem>> -> memref<80x128xf32, #tpu.memory_space<vmem>>
        %dma_wait3A_572 = arith.constant 0 : i32
        %dma_wait3A_573 = tpu.memref_slice %arg12[%run_scoped3A_557, %dma_wait3A_572] : memref<5x80xi32, #tpu.memory_space<vmem>> -> memref<1x80xi32, #tpu.memory_space<vmem>>
        %dma_wait3A_574 = tpu.memref_squeeze %dma_wait3A_573 : memref<1x80xi32, #tpu.memory_space<vmem>> -> memref<80xi32, #tpu.memory_space<vmem>>
        %dma_wait3A_575 = arith.constant 0 : i32
        %dma_wait3A_576 = arith.constant 0 : i32
        %dma_wait3A_577 = tpu.memref_slice %arg18[%dma_wait3A_575, %dma_wait3A_576] : memref<1024x128xf32, #tpu.memory_space<vmem_shared>> -> memref<1024x128xf32, #tpu.memory_space<vmem_shared>>
        tpu.wait_indirect_dma semaphore(%run_scoped3A_559 : memref<!tpu.dma_semaphore, #tpu.memory_space<semaphore_mem>>) src(%dma_wait3A_571 : memref<80x128xf32, #tpu.memory_space<vmem>>) dst(%dma_wait3A_577 : memref<1024x128xf32, #tpu.memory_space<vmem_shared>>)
        tpu.yield
      }) : () -> ()
      %run_scoped3A_558 = arith.constant 4 : i32
      "tpu.region"() ({
        %run_scoped3A_559 = tpu.sem_alloc : memref<!tpu.dma_semaphore, #tpu.memory_space<semaphore_mem>>
        %dma_start3A_560 = arith.constant 320 : i32
        %dma_start3A_561 = arith.constant 0 : i32
        %dma_start3A_562 = tpu.memref_slice %arg14[%dma_start3A_560, %dma_start3A_561] : memref<400x128xf32, #tpu.memory_space<vmem>> -> memref<80x128xf32, #tpu.memory_space<vmem>>
        %dma_start3A_563 = arith.constant 0 : i32
        %dma_start3A_564 = tpu.memref_slice %arg12[%run_scoped3A_558, %dma_start3A_563] : memref<5x80xi32, #tpu.memory_space<vmem>> -> memref<1x80xi32, #tpu.memory_space<vmem>>
        %dma_start3A_565 = tpu.memref_squeeze %dma_start3A_564 : memref<1x80xi32, #tpu.memory_space<vmem>> -> memref<80xi32, #tpu.memory_space<vmem>>
        %dma_start3A_566 = arith.constant 0 : i32
        %dma_start3A_567 = arith.constant 0 : i32
        %dma_start3A_568 = tpu.memref_slice %arg18[%dma_start3A_566, %dma_start3A_567] : memref<1024x128xf32, #tpu.memory_space<vmem_shared>> -> memref<1024x128xf32, #tpu.memory_space<vmem_shared>>
        tpu.enqueue_indirect_dma source(%dma_start3A_562 : memref<80x128xf32, #tpu.memory_space<vmem>>) target(%dma_start3A_568 : memref<1024x128xf32, #tpu.memory_space<vmem_shared>>) offsets(%dma_start3A_565 : memref<80xi32, #tpu.memory_space<vmem>>) semaphore(%run_scoped3A_559 : memref<!tpu.dma_semaphore, #tpu.memory_space<semaphore_mem>>) {add = true}
        %dma_wait3A_569 = arith.constant 320 : i32
        %dma_wait3A_570 = arith.constant 0 : i32
        %dma_wait3A_571 = tpu.memref_slice %arg14[%dma_wait3A_569, %dma_wait3A_570] : memref<400x128xf32, #tpu.memory_space<vmem>> -> memref<80x128xf32, #tpu.memory_space<vmem>>
        %dma_wait3A_572 = arith.constant 0 : i32
        %dma_wait3A_573 = tpu.memref_slice %arg12[%run_scoped3A_558, %dma_wait3A_572] : memref<5x80xi32, #tpu.memory_space<vmem>> -> memref<1x80xi32, #tpu.memory_space<vmem>>
        %dma_wait3A_574 = tpu.memref_squeeze %dma_wait3A_573 : memref<1x80xi32, #tpu.memory_space<vmem>> -> memref<80xi32, #tpu.memory_space<vmem>>
        %dma_wait3A_575 = arith.constant 0 : i32
        %dma_wait3A_576 = arith.constant 0 : i32
        %dma_wait3A_577 = tpu.memref_slice %arg18[%dma_wait3A_575, %dma_wait3A_576] : memref<1024x128xf32, #tpu.memory_space<vmem_shared>> -> memref<1024x128xf32, #tpu.memory_space<vmem_shared>>
        tpu.wait_indirect_dma semaphore(%run_scoped3A_559 : memref<!tpu.dma_semaphore, #tpu.memory_space<semaphore_mem>>) src(%dma_wait3A_571 : memref<80x128xf32, #tpu.memory_space<vmem>>) dst(%dma_wait3A_577 : memref<1024x128xf32, #tpu.memory_space<vmem_shared>>)
        tpu.yield
      }) : () -> ()
    }
    %scan3A_166 = arith.constant 12 : i32
    %dma_wait3A_167 = arith.constant 0 : i32
    %dma_wait3A_168 = arith.constant 0 : i32
    %dma_wait3A_169 = tpu.memref_slice %arg5[%mul3A_2, %dma_wait3A_167, %dma_wait3A_168] : memref<800x5x80xi32, #tpu.memory_space<hbm>> -> memref<1x5x80xi32, #tpu.memory_space<hbm>>
    %dma_wait3A_170 = tpu.memref_squeeze %dma_wait3A_169 : memref<1x5x80xi32, #tpu.memory_space<hbm>> -> memref<5x80xi32, #tpu.memory_space<hbm>>
    %dma_wait3A_171 = arith.constant 0 : i32
    %dma_wait3A_172 = arith.constant 0 : i32
    %dma_wait3A_173 = tpu.memref_slice %arg5[%mul3A_2, %dma_wait3A_171, %dma_wait3A_172] : memref<800x5x80xi32, #tpu.memory_space<hbm>> -> memref<1x5x80xi32, #tpu.memory_space<hbm>>
    %dma_wait3A_174 = tpu.memref_squeeze %dma_wait3A_173 : memref<1x5x80xi32, #tpu.memory_space<hbm>> -> memref<5x80xi32, #tpu.memory_space<hbm>>
    tpu.wait_dma2 semaphore(%arg19 : memref<!tpu.dma_semaphore, #tpu.memory_space<semaphore_mem>>) src(%dma_wait3A_174 : memref<5x80xi32, #tpu.memory_space<hbm>>) dst(%arg11 : memref<5x80xi32, #tpu.memory_space<vmem>>)
    %broadcast_in_dim3A_175 = arith.constant 1.000000e+00 : f32
    %broadcast_in_dim3A_176 = vector.broadcast %broadcast_in_dim3A_175 : f32 to vector<16xf32>
    %get3A_177 = arith.constant 0 : i32
    %get3A_178 = arith.index_cast %get3A_177 : i32 to index
    %get3A_179 = arith.constant 0 : index
    %get3A_180 = tpu.vector_load %arg11[%get3A_178, %get3A_179] {strides = array<i32>} : memref<5x80xi32, #tpu.memory_space<vmem>>, vector<16xi32>,
    tpu.vector_store_idx %arg16[%get3A_180], %broadcast_in_dim3A_176 {add = true} : memref<1024xf32, #tpu.memory_space<vmem>>[vector<16xi32>], vector<16xf32>,
    %get3A_181 = arith.constant 0 : i32
    %get3A_182 = arith.index_cast %get3A_181 : i32 to index
    %get3A_183 = arith.constant 16 : index
    %get3A_184 = tpu.vector_load %arg11[%get3A_182, %get3A_183] {strides = array<i32>} : memref<5x80xi32, #tpu.memory_space<vmem>>, vector<16xi32>,
    tpu.vector_store_idx %arg16[%get3A_184], %broadcast_in_dim3A_176 {add = true} : memref<1024xf32, #tpu.memory_space<vmem>>[vector<16xi32>], vector<16xf32>,
    %get3A_185 = arith.constant 0 : i32
    %get3A_186 = arith.index_cast %get3A_185 : i32 to index
    %get3A_187 = arith.constant 32 : index
    %get3A_188 = tpu.vector_load %arg11[%get3A_186, %get3A_187] {strides = array<i32>} : memref<5x80xi32, #tpu.memory_space<vmem>>, vector<16xi32>,
    tpu.vector_store_idx %arg16[%get3A_188], %broadcast_in_dim3A_176 {add = true} : memref<1024xf32, #tpu.memory_space<vmem>>[vector<16xi32>], vector<16xf32>,
    %get3A_189 = arith.constant 0 : i32
    %get3A_190 = arith.index_cast %get3A_189 : i32 to index
    %get3A_191 = arith.constant 48 : index
    %get3A_192 = tpu.vector_load %arg11[%get3A_190, %get3A_191] {strides = array<i32>} : memref<5x80xi32, #tpu.memory_space<vmem>>, vector<16xi32>,
    tpu.vector_store_idx %arg16[%get3A_192], %broadcast_in_dim3A_176 {add = true} : memref<1024xf32, #tpu.memory_space<vmem>>[vector<16xi32>], vector<16xf32>,
    %get3A_193 = arith.constant 0 : i32
    %get3A_194 = arith.index_cast %get3A_193 : i32 to index
    %get3A_195 = arith.constant 64 : index
    %get3A_196 = tpu.vector_load %arg11[%get3A_194, %get3A_195] {strides = array<i32>} : memref<5x80xi32, #tpu.memory_space<vmem>>, vector<16xi32>,
    tpu.vector_store_idx %arg16[%get3A_196], %broadcast_in_dim3A_176 {add = true} : memref<1024xf32, #tpu.memory_space<vmem>>[vector<16xi32>], vector<16xf32>,
    %get3A_197 = arith.constant 1 : i32
    %get3A_198 = arith.index_cast %get3A_197 : i32 to index
    %get3A_199 = arith.constant 0 : index
    %get3A_200 = tpu.vector_load %arg11[%get3A_198, %get3A_199] {strides = array<i32>} : memref<5x80xi32, #tpu.memory_space<vmem>>, vector<16xi32>,
    tpu.vector_store_idx %arg16[%get3A_200], %broadcast_in_dim3A_176 {add = true} : memref<1024xf32, #tpu.memory_space<vmem>>[vector<16xi32>], vector<16xf32>,
    %get3A_201 = arith.constant 1 : i32
    %get3A_202 = arith.index_cast %get3A_201 : i32 to index
    %get3A_203 = arith.constant 16 : index
    %get3A_204 = tpu.vector_load %arg11[%get3A_202, %get3A_203] {strides = array<i32>} : memref<5x80xi32, #tpu.memory_space<vmem>>, vector<16xi32>,
    tpu.vector_store_idx %arg16[%get3A_204], %broadcast_in_dim3A_176 {add = true} : memref<1024xf32, #tpu.memory_space<vmem>>[vector<16xi32>], vector<16xf32>,
    %get3A_205 = arith.constant 1 : i32
    %get3A_206 = arith.index_cast %get3A_205 : i32 to index
    %get3A_207 = arith.constant 32 : index
    %get3A_208 = tpu.vector_load %arg11[%get3A_206, %get3A_207] {strides = array<i32>} : memref<5x80xi32, #tpu.memory_space<vmem>>, vector<16xi32>,
    tpu.vector_store_idx %arg16[%get3A_208], %broadcast_in_dim3A_176 {add = true} : memref<1024xf32, #tpu.memory_space<vmem>>[vector<16xi32>], vector<16xf32>,
    %get3A_209 = arith.constant 1 : i32
    %get3A_210 = arith.index_cast %get3A_209 : i32 to index
    %get3A_211 = arith.constant 48 : index
    %get3A_212 = tpu.vector_load %arg11[%get3A_210, %get3A_211] {strides = array<i32>} : memref<5x80xi32, #tpu.memory_space<vmem>>, vector<16xi32>,
    tpu.vector_store_idx %arg16[%get3A_212], %broadcast_in_dim3A_176 {add = true} : memref<1024xf32, #tpu.memory_space<vmem>>[vector<16xi32>], vector<16xf32>,
    %get3A_213 = arith.constant 1 : i32
    %get3A_214 = arith.index_cast %get3A_213 : i32 to index
    %get3A_215 = arith.constant 64 : index
    %get3A_216 = tpu.vector_load %arg11[%get3A_214, %get3A_215] {strides = array<i32>} : memref<5x80xi32, #tpu.memory_space<vmem>>, vector<16xi32>,
    tpu.vector_store_idx %arg16[%get3A_216], %broadcast_in_dim3A_176 {add = true} : memref<1024xf32, #tpu.memory_space<vmem>>[vector<16xi32>], vector<16xf32>,
    %get3A_217 = arith.constant 2 : i32
    %get3A_218 = arith.index_cast %get3A_217 : i32 to index
    %get3A_219 = arith.constant 0 : index
    %get3A_220 = tpu.vector_load %arg11[%get3A_218, %get3A_219] {strides = array<i32>} : memref<5x80xi32, #tpu.memory_space<vmem>>, vector<16xi32>,
    tpu.vector_store_idx %arg16[%get3A_220], %broadcast_in_dim3A_176 {add = true} : memref<1024xf32, #tpu.memory_space<vmem>>[vector<16xi32>], vector<16xf32>,
    %get3A_221 = arith.constant 2 : i32
    %get3A_222 = arith.index_cast %get3A_221 : i32 to index
    %get3A_223 = arith.constant 16 : index
    %get3A_224 = tpu.vector_load %arg11[%get3A_222, %get3A_223] {strides = array<i32>} : memref<5x80xi32, #tpu.memory_space<vmem>>, vector<16xi32>,
    tpu.vector_store_idx %arg16[%get3A_224], %broadcast_in_dim3A_176 {add = true} : memref<1024xf32, #tpu.memory_space<vmem>>[vector<16xi32>], vector<16xf32>,
    %get3A_225 = arith.constant 2 : i32
    %get3A_226 = arith.index_cast %get3A_225 : i32 to index
    %get3A_227 = arith.constant 32 : index
    %get3A_228 = tpu.vector_load %arg11[%get3A_226, %get3A_227] {strides = array<i32>} : memref<5x80xi32, #tpu.memory_space<vmem>>, vector<16xi32>,
    tpu.vector_store_idx %arg16[%get3A_228], %broadcast_in_dim3A_176 {add = true} : memref<1024xf32, #tpu.memory_space<vmem>>[vector<16xi32>], vector<16xf32>,
    %get3A_229 = arith.constant 2 : i32
    %get3A_230 = arith.index_cast %get3A_229 : i32 to index
    %get3A_231 = arith.constant 48 : index
    %get3A_232 = tpu.vector_load %arg11[%get3A_230, %get3A_231] {strides = array<i32>} : memref<5x80xi32, #tpu.memory_space<vmem>>, vector<16xi32>,
    tpu.vector_store_idx %arg16[%get3A_232], %broadcast_in_dim3A_176 {add = true} : memref<1024xf32, #tpu.memory_space<vmem>>[vector<16xi32>], vector<16xf32>,
    %get3A_233 = arith.constant 2 : i32
    %get3A_234 = arith.index_cast %get3A_233 : i32 to index
    %get3A_235 = arith.constant 64 : index
    %get3A_236 = tpu.vector_load %arg11[%get3A_234, %get3A_235] {strides = array<i32>} : memref<5x80xi32, #tpu.memory_space<vmem>>, vector<16xi32>,
    tpu.vector_store_idx %arg16[%get3A_236], %broadcast_in_dim3A_176 {add = true} : memref<1024xf32, #tpu.memory_space<vmem>>[vector<16xi32>], vector<16xf32>,
    %get3A_237 = arith.constant 3 : i32
    %get3A_238 = arith.index_cast %get3A_237 : i32 to index
    %get3A_239 = arith.constant 0 : index
    %get3A_240 = tpu.vector_load %arg11[%get3A_238, %get3A_239] {strides = array<i32>} : memref<5x80xi32, #tpu.memory_space<vmem>>, vector<16xi32>,
    tpu.vector_store_idx %arg16[%get3A_240], %broadcast_in_dim3A_176 {add = true} : memref<1024xf32, #tpu.memory_space<vmem>>[vector<16xi32>], vector<16xf32>,
    %get3A_241 = arith.constant 3 : i32
    %get3A_242 = arith.index_cast %get3A_241 : i32 to index
    %get3A_243 = arith.constant 16 : index
    %get3A_244 = tpu.vector_load %arg11[%get3A_242, %get3A_243] {strides = array<i32>} : memref<5x80xi32, #tpu.memory_space<vmem>>, vector<16xi32>,
    tpu.vector_store_idx %arg16[%get3A_244], %broadcast_in_dim3A_176 {add = true} : memref<1024xf32, #tpu.memory_space<vmem>>[vector<16xi32>], vector<16xf32>,
    %get3A_245 = arith.constant 3 : i32
    %get3A_246 = arith.index_cast %get3A_245 : i32 to index
    %get3A_247 = arith.constant 32 : index
    %get3A_248 = tpu.vector_load %arg11[%get3A_246, %get3A_247] {strides = array<i32>} : memref<5x80xi32, #tpu.memory_space<vmem>>, vector<16xi32>,
    tpu.vector_store_idx %arg16[%get3A_248], %broadcast_in_dim3A_176 {add = true} : memref<1024xf32, #tpu.memory_space<vmem>>[vector<16xi32>], vector<16xf32>,
    %get3A_249 = arith.constant 3 : i32
    %get3A_250 = arith.index_cast %get3A_249 : i32 to index
    %get3A_251 = arith.constant 48 : index
    %get3A_252 = tpu.vector_load %arg11[%get3A_250, %get3A_251] {strides = array<i32>} : memref<5x80xi32, #tpu.memory_space<vmem>>, vector<16xi32>,
    tpu.vector_store_idx %arg16[%get3A_252], %broadcast_in_dim3A_176 {add = true} : memref<1024xf32, #tpu.memory_space<vmem>>[vector<16xi32>], vector<16xf32>,
    %get3A_253 = arith.constant 3 : i32
    %get3A_254 = arith.index_cast %get3A_253 : i32 to index
    %get3A_255 = arith.constant 64 : index
    %get3A_256 = tpu.vector_load %arg11[%get3A_254, %get3A_255] {strides = array<i32>} : memref<5x80xi32, #tpu.memory_space<vmem>>, vector<16xi32>,
    tpu.vector_store_idx %arg16[%get3A_256], %broadcast_in_dim3A_176 {add = true} : memref<1024xf32, #tpu.memory_space<vmem>>[vector<16xi32>], vector<16xf32>,
    %get3A_257 = arith.constant 4 : i32
    %get3A_258 = arith.index_cast %get3A_257 : i32 to index
    %get3A_259 = arith.constant 0 : index
    %get3A_260 = tpu.vector_load %arg11[%get3A_258, %get3A_259] {strides = array<i32>} : memref<5x80xi32, #tpu.memory_space<vmem>>, vector<16xi32>,
    tpu.vector_store_idx %arg16[%get3A_260], %broadcast_in_dim3A_176 {add = true} : memref<1024xf32, #tpu.memory_space<vmem>>[vector<16xi32>], vector<16xf32>,
    %get3A_261 = arith.constant 4 : i32
    %get3A_262 = arith.index_cast %get3A_261 : i32 to index
    %get3A_263 = arith.constant 16 : index
    %get3A_264 = tpu.vector_load %arg11[%get3A_262, %get3A_263] {strides = array<i32>} : memref<5x80xi32, #tpu.memory_space<vmem>>, vector<16xi32>,
    tpu.vector_store_idx %arg16[%get3A_264], %broadcast_in_dim3A_176 {add = true} : memref<1024xf32, #tpu.memory_space<vmem>>[vector<16xi32>], vector<16xf32>,
    %get3A_265 = arith.constant 4 : i32
    %get3A_266 = arith.index_cast %get3A_265 : i32 to index
    %get3A_267 = arith.constant 32 : index
    %get3A_268 = tpu.vector_load %arg11[%get3A_266, %get3A_267] {strides = array<i32>} : memref<5x80xi32, #tpu.memory_space<vmem>>, vector<16xi32>,
    tpu.vector_store_idx %arg16[%get3A_268], %broadcast_in_dim3A_176 {add = true} : memref<1024xf32, #tpu.memory_space<vmem>>[vector<16xi32>], vector<16xf32>,
    %get3A_269 = arith.constant 4 : i32
    %get3A_270 = arith.index_cast %get3A_269 : i32 to index
    %get3A_271 = arith.constant 48 : index
    %get3A_272 = tpu.vector_load %arg11[%get3A_270, %get3A_271] {strides = array<i32>} : memref<5x80xi32, #tpu.memory_space<vmem>>, vector<16xi32>,
    tpu.vector_store_idx %arg16[%get3A_272], %broadcast_in_dim3A_176 {add = true} : memref<1024xf32, #tpu.memory_space<vmem>>[vector<16xi32>], vector<16xf32>,
    %get3A_273 = arith.constant 4 : i32
    %get3A_274 = arith.index_cast %get3A_273 : i32 to index
    %get3A_275 = arith.constant 64 : index
    %get3A_276 = tpu.vector_load %arg11[%get3A_274, %get3A_275] {strides = array<i32>} : memref<5x80xi32, #tpu.memory_space<vmem>>, vector<16xi32>,
    tpu.vector_store_idx %arg16[%get3A_276], %broadcast_in_dim3A_176 {add = true} : memref<1024xf32, #tpu.memory_space<vmem>>[vector<16xi32>], vector<16xf32>,
    %dma_wait3A_277 = arith.constant 0 : i32
    %dma_wait3A_278 = arith.constant 0 : i32
    %dma_wait3A_279 = tpu.memref_slice %arg3[%dma_wait3A_277, %dma_wait3A_278] : memref<320000x128xf32, #tpu.memory_space<hbm>> -> memref<400x128xf32, #tpu.memory_space<hbm>>
    %dma_wait3A_280 = arith.constant 0 : i32
    %dma_wait3A_281 = arith.constant 0 : i32
    %dma_wait3A_282 = tpu.memref_slice %arg3[%dma_wait3A_280, %dma_wait3A_281] : memref<320000x128xf32, #tpu.memory_space<hbm>> -> memref<400x128xf32, #tpu.memory_space<hbm>>
    tpu.wait_dma2 semaphore(%arg21 : memref<!tpu.dma_semaphore, #tpu.memory_space<semaphore_mem>>) src(%dma_wait3A_282 : memref<400x128xf32, #tpu.memory_space<hbm>>) dst(%arg13 : memref<400x128xf32, #tpu.memory_space<vmem>>)
    %run_scoped3A_283 = arith.constant 0 : i32
    "tpu.region"() ({
      %run_scoped3A_297 = tpu.sem_alloc : memref<!tpu.dma_semaphore, #tpu.memory_space<semaphore_mem>>
      %dma_start3A_298 = arith.constant 0 : i32
      %dma_start3A_299 = arith.constant 0 : i32
      %dma_start3A_300 = tpu.memref_slice %arg13[%dma_start3A_298, %dma_start3A_299] : memref<400x128xf32, #tpu.memory_space<vmem>> -> memref<80x128xf32, #tpu.memory_space<vmem>>
      %dma_start3A_301 = arith.constant 0 : i32
      %dma_start3A_302 = tpu.memref_slice %arg11[%run_scoped3A_283, %dma_start3A_301] : memref<5x80xi32, #tpu.memory_space<vmem>> -> memref<1x80xi32, #tpu.memory_space<vmem>>
      %dma_start3A_303 = tpu.memref_squeeze %dma_start3A_302 : memref<1x80xi32, #tpu.memory_space<vmem>> -> memref<80xi32, #tpu.memory_space<vmem>>
      %dma_start3A_304 = arith.constant 0 : i32
      %dma_start3A_305 = arith.constant 0 : i32
      %dma_start3A_306 = tpu.memref_slice %arg18[%dma_start3A_304, %dma_start3A_305] : memref<1024x128xf32, #tpu.memory_space<vmem_shared>> -> memref<1024x128xf32, #tpu.memory_space<vmem_shared>>
      tpu.enqueue_indirect_dma source(%dma_start3A_300 : memref<80x128xf32, #tpu.memory_space<vmem>>) target(%dma_start3A_306 : memref<1024x128xf32, #tpu.memory_space<vmem_shared>>) offsets(%dma_start3A_303 : memref<80xi32, #tpu.memory_space<vmem>>) semaphore(%run_scoped3A_297 : memref<!tpu.dma_semaphore, #tpu.memory_space<semaphore_mem>>) {add = true}
      %dma_wait3A_307 = arith.constant 0 : i32
      %dma_wait3A_308 = arith.constant 0 : i32
      %dma_wait3A_309 = tpu.memref_slice %arg13[%dma_wait3A_307, %dma_wait3A_308] : memref<400x128xf32, #tpu.memory_space<vmem>> -> memref<80x128xf32, #tpu.memory_space<vmem>>
      %dma_wait3A_310 = arith.constant 0 : i32
      %dma_wait3A_311 = tpu.memref_slice %arg11[%run_scoped3A_283, %dma_wait3A_310] : memref<5x80xi32, #tpu.memory_space<vmem>> -> memref<1x80xi32, #tpu.memory_space<vmem>>
      %dma_wait3A_312 = tpu.memref_squeeze %dma_wait3A_311 : memref<1x80xi32, #tpu.memory_space<vmem>> -> memref<80xi32, #tpu.memory_space<vmem>>
      %dma_wait3A_313 = arith.constant 0 : i32
      %dma_wait3A_314 = arith.constant 0 : i32
      %dma_wait3A_315 = tpu.memref_slice %arg18[%dma_wait3A_313, %dma_wait3A_314] : memref<1024x128xf32, #tpu.memory_space<vmem_shared>> -> memref<1024x128xf32, #tpu.memory_space<vmem_shared>>
      tpu.wait_indirect_dma semaphore(%run_scoped3A_297 : memref<!tpu.dma_semaphore, #tpu.memory_space<semaphore_mem>>) src(%dma_wait3A_309 : memref<80x128xf32, #tpu.memory_space<vmem>>) dst(%dma_wait3A_315 : memref<1024x128xf32, #tpu.memory_space<vmem_shared>>)
      tpu.yield
    }) : () -> ()
    %run_scoped3A_284 = arith.constant 1 : i32
    "tpu.region"() ({
      %run_scoped3A_297 = tpu.sem_alloc : memref<!tpu.dma_semaphore, #tpu.memory_space<semaphore_mem>>
      %dma_start3A_298 = arith.constant 80 : i32
      %dma_start3A_299 = arith.constant 0 : i32
      %dma_start3A_300 = tpu.memref_slice %arg13[%dma_start3A_298, %dma_start3A_299] : memref<400x128xf32, #tpu.memory_space<vmem>> -> memref<80x128xf32, #tpu.memory_space<vmem>>
      %dma_start3A_301 = arith.constant 0 : i32
      %dma_start3A_302 = tpu.memref_slice %arg11[%run_scoped3A_284, %dma_start3A_301] : memref<5x80xi32, #tpu.memory_space<vmem>> -> memref<1x80xi32, #tpu.memory_space<vmem>>
      %dma_start3A_303 = tpu.memref_squeeze %dma_start3A_302 : memref<1x80xi32, #tpu.memory_space<vmem>> -> memref<80xi32, #tpu.memory_space<vmem>>
      %dma_start3A_304 = arith.constant 0 : i32
      %dma_start3A_305 = arith.constant 0 : i32
      %dma_start3A_306 = tpu.memref_slice %arg18[%dma_start3A_304, %dma_start3A_305] : memref<1024x128xf32, #tpu.memory_space<vmem_shared>> -> memref<1024x128xf32, #tpu.memory_space<vmem_shared>>
      tpu.enqueue_indirect_dma source(%dma_start3A_300 : memref<80x128xf32, #tpu.memory_space<vmem>>) target(%dma_start3A_306 : memref<1024x128xf32, #tpu.memory_space<vmem_shared>>) offsets(%dma_start3A_303 : memref<80xi32, #tpu.memory_space<vmem>>) semaphore(%run_scoped3A_297 : memref<!tpu.dma_semaphore, #tpu.memory_space<semaphore_mem>>) {add = true}
      %dma_wait3A_307 = arith.constant 80 : i32
      %dma_wait3A_308 = arith.constant 0 : i32
      %dma_wait3A_309 = tpu.memref_slice %arg13[%dma_wait3A_307, %dma_wait3A_308] : memref<400x128xf32, #tpu.memory_space<vmem>> -> memref<80x128xf32, #tpu.memory_space<vmem>>
      %dma_wait3A_310 = arith.constant 0 : i32
      %dma_wait3A_311 = tpu.memref_slice %arg11[%run_scoped3A_284, %dma_wait3A_310] : memref<5x80xi32, #tpu.memory_space<vmem>> -> memref<1x80xi32, #tpu.memory_space<vmem>>
      %dma_wait3A_312 = tpu.memref_squeeze %dma_wait3A_311 : memref<1x80xi32, #tpu.memory_space<vmem>> -> memref<80xi32, #tpu.memory_space<vmem>>
      %dma_wait3A_313 = arith.constant 0 : i32
      %dma_wait3A_314 = arith.constant 0 : i32
      %dma_wait3A_315 = tpu.memref_slice %arg18[%dma_wait3A_313, %dma_wait3A_314] : memref<1024x128xf32, #tpu.memory_space<vmem_shared>> -> memref<1024x128xf32, #tpu.memory_space<vmem_shared>>
      tpu.wait_indirect_dma semaphore(%run_scoped3A_297 : memref<!tpu.dma_semaphore, #tpu.memory_space<semaphore_mem>>) src(%dma_wait3A_309 : memref<80x128xf32, #tpu.memory_space<vmem>>) dst(%dma_wait3A_315 : memref<1024x128xf32, #tpu.memory_space<vmem_shared>>)
      tpu.yield
    }) : () -> ()
    %run_scoped3A_285 = arith.constant 2 : i32
    "tpu.region"() ({
      %run_scoped3A_297 = tpu.sem_alloc : memref<!tpu.dma_semaphore, #tpu.memory_space<semaphore_mem>>
      %dma_start3A_298 = arith.constant 160 : i32
      %dma_start3A_299 = arith.constant 0 : i32
      %dma_start3A_300 = tpu.memref_slice %arg13[%dma_start3A_298, %dma_start3A_299] : memref<400x128xf32, #tpu.memory_space<vmem>> -> memref<80x128xf32, #tpu.memory_space<vmem>>
      %dma_start3A_301 = arith.constant 0 : i32
      %dma_start3A_302 = tpu.memref_slice %arg11[%run_scoped3A_285, %dma_start3A_301] : memref<5x80xi32, #tpu.memory_space<vmem>> -> memref<1x80xi32, #tpu.memory_space<vmem>>
      %dma_start3A_303 = tpu.memref_squeeze %dma_start3A_302 : memref<1x80xi32, #tpu.memory_space<vmem>> -> memref<80xi32, #tpu.memory_space<vmem>>
      %dma_start3A_304 = arith.constant 0 : i32
      %dma_start3A_305 = arith.constant 0 : i32
      %dma_start3A_306 = tpu.memref_slice %arg18[%dma_start3A_304, %dma_start3A_305] : memref<1024x128xf32, #tpu.memory_space<vmem_shared>> -> memref<1024x128xf32, #tpu.memory_space<vmem_shared>>
      tpu.enqueue_indirect_dma source(%dma_start3A_300 : memref<80x128xf32, #tpu.memory_space<vmem>>) target(%dma_start3A_306 : memref<1024x128xf32, #tpu.memory_space<vmem_shared>>) offsets(%dma_start3A_303 : memref<80xi32, #tpu.memory_space<vmem>>) semaphore(%run_scoped3A_297 : memref<!tpu.dma_semaphore, #tpu.memory_space<semaphore_mem>>) {add = true}
      %dma_wait3A_307 = arith.constant 160 : i32
      %dma_wait3A_308 = arith.constant 0 : i32
      %dma_wait3A_309 = tpu.memref_slice %arg13[%dma_wait3A_307, %dma_wait3A_308] : memref<400x128xf32, #tpu.memory_space<vmem>> -> memref<80x128xf32, #tpu.memory_space<vmem>>
      %dma_wait3A_310 = arith.constant 0 : i32
      %dma_wait3A_311 = tpu.memref_slice %arg11[%run_scoped3A_285, %dma_wait3A_310] : memref<5x80xi32, #tpu.memory_space<vmem>> -> memref<1x80xi32, #tpu.memory_space<vmem>>
      %dma_wait3A_312 = tpu.memref_squeeze %dma_wait3A_311 : memref<1x80xi32, #tpu.memory_space<vmem>> -> memref<80xi32, #tpu.memory_space<vmem>>
      %dma_wait3A_313 = arith.constant 0 : i32
      %dma_wait3A_314 = arith.constant 0 : i32
      %dma_wait3A_315 = tpu.memref_slice %arg18[%dma_wait3A_313, %dma_wait3A_314] : memref<1024x128xf32, #tpu.memory_space<vmem_shared>> -> memref<1024x128xf32, #tpu.memory_space<vmem_shared>>
      tpu.wait_indirect_dma semaphore(%run_scoped3A_297 : memref<!tpu.dma_semaphore, #tpu.memory_space<semaphore_mem>>) src(%dma_wait3A_309 : memref<80x128xf32, #tpu.memory_space<vmem>>) dst(%dma_wait3A_315 : memref<1024x128xf32, #tpu.memory_space<vmem_shared>>)
      tpu.yield
    }) : () -> ()
    %run_scoped3A_286 = arith.constant 3 : i32
    "tpu.region"() ({
      %run_scoped3A_297 = tpu.sem_alloc : memref<!tpu.dma_semaphore, #tpu.memory_space<semaphore_mem>>
      %dma_start3A_298 = arith.constant 240 : i32
      %dma_start3A_299 = arith.constant 0 : i32
      %dma_start3A_300 = tpu.memref_slice %arg13[%dma_start3A_298, %dma_start3A_299] : memref<400x128xf32, #tpu.memory_space<vmem>> -> memref<80x128xf32, #tpu.memory_space<vmem>>
      %dma_start3A_301 = arith.constant 0 : i32
      %dma_start3A_302 = tpu.memref_slice %arg11[%run_scoped3A_286, %dma_start3A_301] : memref<5x80xi32, #tpu.memory_space<vmem>> -> memref<1x80xi32, #tpu.memory_space<vmem>>
      %dma_start3A_303 = tpu.memref_squeeze %dma_start3A_302 : memref<1x80xi32, #tpu.memory_space<vmem>> -> memref<80xi32, #tpu.memory_space<vmem>>
      %dma_start3A_304 = arith.constant 0 : i32
      %dma_start3A_305 = arith.constant 0 : i32
      %dma_start3A_306 = tpu.memref_slice %arg18[%dma_start3A_304, %dma_start3A_305] : memref<1024x128xf32, #tpu.memory_space<vmem_shared>> -> memref<1024x128xf32, #tpu.memory_space<vmem_shared>>
      tpu.enqueue_indirect_dma source(%dma_start3A_300 : memref<80x128xf32, #tpu.memory_space<vmem>>) target(%dma_start3A_306 : memref<1024x128xf32, #tpu.memory_space<vmem_shared>>) offsets(%dma_start3A_303 : memref<80xi32, #tpu.memory_space<vmem>>) semaphore(%run_scoped3A_297 : memref<!tpu.dma_semaphore, #tpu.memory_space<semaphore_mem>>) {add = true}
      %dma_wait3A_307 = arith.constant 240 : i32
      %dma_wait3A_308 = arith.constant 0 : i32
      %dma_wait3A_309 = tpu.memref_slice %arg13[%dma_wait3A_307, %dma_wait3A_308] : memref<400x128xf32, #tpu.memory_space<vmem>> -> memref<80x128xf32, #tpu.memory_space<vmem>>
      %dma_wait3A_310 = arith.constant 0 : i32
      %dma_wait3A_311 = tpu.memref_slice %arg11[%run_scoped3A_286, %dma_wait3A_310] : memref<5x80xi32, #tpu.memory_space<vmem>> -> memref<1x80xi32, #tpu.memory_space<vmem>>
      %dma_wait3A_312 = tpu.memref_squeeze %dma_wait3A_311 : memref<1x80xi32, #tpu.memory_space<vmem>> -> memref<80xi32, #tpu.memory_space<vmem>>
      %dma_wait3A_313 = arith.constant 0 : i32
      %dma_wait3A_314 = arith.constant 0 : i32
      %dma_wait3A_315 = tpu.memref_slice %arg18[%dma_wait3A_313, %dma_wait3A_314] : memref<1024x128xf32, #tpu.memory_space<vmem_shared>> -> memref<1024x128xf32, #tpu.memory_space<vmem_shared>>
      tpu.wait_indirect_dma semaphore(%run_scoped3A_297 : memref<!tpu.dma_semaphore, #tpu.memory_space<semaphore_mem>>) src(%dma_wait3A_309 : memref<80x128xf32, #tpu.memory_space<vmem>>) dst(%dma_wait3A_315 : memref<1024x128xf32, #tpu.memory_space<vmem_shared>>)
      tpu.yield
    }) : () -> ()
    %run_scoped3A_287 = arith.constant 4 : i32
    "tpu.region"() ({
      %run_scoped3A_297 = tpu.sem_alloc : memref<!tpu.dma_semaphore, #tpu.memory_space<semaphore_mem>>
      %dma_start3A_298 = arith.constant 320 : i32
      %dma_start3A_299 = arith.constant 0 : i32
      %dma_start3A_300 = tpu.memref_slice %arg13[%dma_start3A_298, %dma_start3A_299] : memref<400x128xf32, #tpu.memory_space<vmem>> -> memref<80x128xf32, #tpu.memory_space<vmem>>
      %dma_start3A_301 = arith.constant 0 : i32
      %dma_start3A_302 = tpu.memref_slice %arg11[%run_scoped3A_287, %dma_start3A_301] : memref<5x80xi32, #tpu.memory_space<vmem>> -> memref<1x80xi32, #tpu.memory_space<vmem>>
      %dma_start3A_303 = tpu.memref_squeeze %dma_start3A_302 : memref<1x80xi32, #tpu.memory_space<vmem>> -> memref<80xi32, #tpu.memory_space<vmem>>
      %dma_start3A_304 = arith.constant 0 : i32
      %dma_start3A_305 = arith.constant 0 : i32
      %dma_start3A_306 = tpu.memref_slice %arg18[%dma_start3A_304, %dma_start3A_305] : memref<1024x128xf32, #tpu.memory_space<vmem_shared>> -> memref<1024x128xf32, #tpu.memory_space<vmem_shared>>
      tpu.enqueue_indirect_dma source(%dma_start3A_300 : memref<80x128xf32, #tpu.memory_space<vmem>>) target(%dma_start3A_306 : memref<1024x128xf32, #tpu.memory_space<vmem_shared>>) offsets(%dma_start3A_303 : memref<80xi32, #tpu.memory_space<vmem>>) semaphore(%run_scoped3A_297 : memref<!tpu.dma_semaphore, #tpu.memory_space<semaphore_mem>>) {add = true}
      %dma_wait3A_307 = arith.constant 320 : i32
      %dma_wait3A_308 = arith.constant 0 : i32
      %dma_wait3A_309 = tpu.memref_slice %arg13[%dma_wait3A_307, %dma_wait3A_308] : memref<400x128xf32, #tpu.memory_space<vmem>> -> memref<80x128xf32, #tpu.memory_space<vmem>>
      %dma_wait3A_310 = arith.constant 0 : i32
      %dma_wait3A_311 = tpu.memref_slice %arg11[%run_scoped3A_287, %dma_wait3A_310] : memref<5x80xi32, #tpu.memory_space<vmem>> -> memref<1x80xi32, #tpu.memory_space<vmem>>
      %dma_wait3A_312 = tpu.memref_squeeze %dma_wait3A_311 : memref<1x80xi32, #tpu.memory_space<vmem>> -> memref<80xi32, #tpu.memory_space<vmem>>
      %dma_wait3A_313 = arith.constant 0 : i32
      %dma_wait3A_314 = arith.constant 0 : i32
      %dma_wait3A_315 = tpu.memref_slice %arg18[%dma_wait3A_313, %dma_wait3A_314] : memref<1024x128xf32, #tpu.memory_space<vmem_shared>> -> memref<1024x128xf32, #tpu.memory_space<vmem_shared>>
      tpu.wait_indirect_dma semaphore(%run_scoped3A_297 : memref<!tpu.dma_semaphore, #tpu.memory_space<semaphore_mem>>) src(%dma_wait3A_309 : memref<80x128xf32, #tpu.memory_space<vmem>>) dst(%dma_wait3A_315 : memref<1024x128xf32, #tpu.memory_space<vmem_shared>>)
      tpu.yield
    }) : () -> ()
    "tpu.region"() ({
      %run_scoped3A_297 = tpu.sem_alloc : memref<!tpu.dma_semaphore, #tpu.memory_space<semaphore_mem>>
      %dma_start3A_298 = arith.constant 0 : i32
      %dma_start3A_299 = arith.constant 0 : i32
      %dma_start3A_300 = tpu.memref_slice %arg8[%arg0, %dma_start3A_298, %dma_start3A_299] : memref<2x16x1024xf32, #tpu.memory_space<hbm>> -> memref<1x16x1024xf32, #tpu.memory_space<hbm>>
      %dma_start3A_301 = tpu.memref_squeeze %dma_start3A_300 : memref<1x16x1024xf32, #tpu.memory_space<hbm>> -> memref<16x1024xf32, #tpu.memory_space<hbm>>
      %dma_start3A_302 = arith.constant 0 : i32
      %dma_start3A_303 = tpu.memref_slice %dma_start3A_301[%arg1, %dma_start3A_302] : memref<16x1024xf32, #tpu.memory_space<hbm>> -> memref<1x1024xf32, #tpu.memory_space<hbm>>
      %dma_start3A_304 = tpu.memref_squeeze %dma_start3A_303 : memref<1x1024xf32, #tpu.memory_space<hbm>> -> memref<1024xf32, #tpu.memory_space<hbm>>
      %dma_start3A_305 = arith.constant 0 : i32
      %dma_start3A_306 = arith.constant 0 : i32
      %dma_start3A_307 = tpu.memref_slice %arg8[%arg0, %dma_start3A_305, %dma_start3A_306] : memref<2x16x1024xf32, #tpu.memory_space<hbm>> -> memref<1x16x1024xf32, #tpu.memory_space<hbm>>
      %dma_start3A_308 = tpu.memref_squeeze %dma_start3A_307 : memref<1x16x1024xf32, #tpu.memory_space<hbm>> -> memref<16x1024xf32, #tpu.memory_space<hbm>>
      %dma_start3A_309 = arith.constant 0 : i32
      %dma_start3A_310 = tpu.memref_slice %dma_start3A_308[%arg1, %dma_start3A_309] : memref<16x1024xf32, #tpu.memory_space<hbm>> -> memref<1x1024xf32, #tpu.memory_space<hbm>>
      %dma_start3A_311 = tpu.memref_squeeze %dma_start3A_310 : memref<1x1024xf32, #tpu.memory_space<hbm>> -> memref<1024xf32, #tpu.memory_space<hbm>>
      tpu.enqueue_dma source(%arg15 : memref<1024xf32, #tpu.memory_space<vmem>>) target(%dma_start3A_311 : memref<1024xf32, #tpu.memory_space<hbm>>) target_semaphore(%run_scoped3A_297 : memref<!tpu.dma_semaphore, #tpu.memory_space<semaphore_mem>>)
      %dma_wait3A_312 = arith.constant 0 : i32
      %dma_wait3A_313 = arith.constant 0 : i32
      %dma_wait3A_314 = tpu.memref_slice %arg8[%arg0, %dma_wait3A_312, %dma_wait3A_313] : memref<2x16x1024xf32, #tpu.memory_space<hbm>> -> memref<1x16x1024xf32, #tpu.memory_space<hbm>>
      %dma_wait3A_315 = tpu.memref_squeeze %dma_wait3A_314 : memref<1x16x1024xf32, #tpu.memory_space<hbm>> -> memref<16x1024xf32, #tpu.memory_space<hbm>>
      %dma_wait3A_316 = arith.constant 0 : i32
      %dma_wait3A_317 = tpu.memref_slice %dma_wait3A_315[%arg1, %dma_wait3A_316] : memref<16x1024xf32, #tpu.memory_space<hbm>> -> memref<1x1024xf32, #tpu.memory_space<hbm>>
      %dma_wait3A_318 = tpu.memref_squeeze %dma_wait3A_317 : memref<1x1024xf32, #tpu.memory_space<hbm>> -> memref<1024xf32, #tpu.memory_space<hbm>>
      %dma_wait3A_319 = arith.constant 0 : i32
      %dma_wait3A_320 = arith.constant 0 : i32
      %dma_wait3A_321 = tpu.memref_slice %arg8[%arg0, %dma_wait3A_319, %dma_wait3A_320] : memref<2x16x1024xf32, #tpu.memory_space<hbm>> -> memref<1x16x1024xf32, #tpu.memory_space<hbm>>
      %dma_wait3A_322 = tpu.memref_squeeze %dma_wait3A_321 : memref<1x16x1024xf32, #tpu.memory_space<hbm>> -> memref<16x1024xf32, #tpu.memory_space<hbm>>
      %dma_wait3A_323 = arith.constant 0 : i32
      %dma_wait3A_324 = tpu.memref_slice %dma_wait3A_322[%arg1, %dma_wait3A_323] : memref<16x1024xf32, #tpu.memory_space<hbm>> -> memref<1x1024xf32, #tpu.memory_space<hbm>>
      %dma_wait3A_325 = tpu.memref_squeeze %dma_wait3A_324 : memref<1x1024xf32, #tpu.memory_space<hbm>> -> memref<1024xf32, #tpu.memory_space<hbm>>
      tpu.wait_dma2 semaphore(%run_scoped3A_297 : memref<!tpu.dma_semaphore, #tpu.memory_space<semaphore_mem>>) src(%arg15 : memref<1024xf32, #tpu.memory_space<vmem>>) dst(%dma_wait3A_325 : memref<1024xf32, #tpu.memory_space<hbm>>)
      tpu.yield
    }) : () -> ()
    "tpu.region"() ({
      %run_scoped3A_297 = tpu.sem_alloc : memref<!tpu.dma_semaphore, #tpu.memory_space<semaphore_mem>>
      %dma_start3A_298 = arith.constant 0 : i32
      %dma_start3A_299 = arith.constant 0 : i32
      %dma_start3A_300 = tpu.memref_slice %arg10[%arg0, %dma_start3A_298, %dma_start3A_299] : memref<2x16x1024xf32, #tpu.memory_space<hbm>> -> memref<1x16x1024xf32, #tpu.memory_space<hbm>>
      %dma_start3A_301 = tpu.memref_squeeze %dma_start3A_300 : memref<1x16x1024xf32, #tpu.memory_space<hbm>> -> memref<16x1024xf32, #tpu.memory_space<hbm>>
      %dma_start3A_302 = arith.constant 0 : i32
      %dma_start3A_303 = tpu.memref_slice %dma_start3A_301[%arg1, %dma_start3A_302] : memref<16x1024xf32, #tpu.memory_space<hbm>> -> memref<1x1024xf32, #tpu.memory_space<hbm>>
      %dma_start3A_304 = tpu.memref_squeeze %dma_start3A_303 : memref<1x1024xf32, #tpu.memory_space<hbm>> -> memref<1024xf32, #tpu.memory_space<hbm>>
      %dma_start3A_305 = arith.constant 0 : i32
      %dma_start3A_306 = arith.constant 0 : i32
      %dma_start3A_307 = tpu.memref_slice %arg10[%arg0, %dma_start3A_305, %dma_start3A_306] : memref<2x16x1024xf32, #tpu.memory_space<hbm>> -> memref<1x16x1024xf32, #tpu.memory_space<hbm>>
      %dma_start3A_308 = tpu.memref_squeeze %dma_start3A_307 : memref<1x16x1024xf32, #tpu.memory_space<hbm>> -> memref<16x1024xf32, #tpu.memory_space<hbm>>
      %dma_start3A_309 = arith.constant 0 : i32
      %dma_start3A_310 = tpu.memref_slice %dma_start3A_308[%arg1, %dma_start3A_309] : memref<16x1024xf32, #tpu.memory_space<hbm>> -> memref<1x1024xf32, #tpu.memory_space<hbm>>
      %dma_start3A_311 = tpu.memref_squeeze %dma_start3A_310 : memref<1x1024xf32, #tpu.memory_space<hbm>> -> memref<1024xf32, #tpu.memory_space<hbm>>
      tpu.enqueue_dma source(%arg16 : memref<1024xf32, #tpu.memory_space<vmem>>) target(%dma_start3A_311 : memref<1024xf32, #tpu.memory_space<hbm>>) target_semaphore(%run_scoped3A_297 : memref<!tpu.dma_semaphore, #tpu.memory_space<semaphore_mem>>)
      %dma_wait3A_312 = arith.constant 0 : i32
      %dma_wait3A_313 = arith.constant 0 : i32
      %dma_wait3A_314 = tpu.memref_slice %arg10[%arg0, %dma_wait3A_312, %dma_wait3A_313] : memref<2x16x1024xf32, #tpu.memory_space<hbm>> -> memref<1x16x1024xf32, #tpu.memory_space<hbm>>
      %dma_wait3A_315 = tpu.memref_squeeze %dma_wait3A_314 : memref<1x16x1024xf32, #tpu.memory_space<hbm>> -> memref<16x1024xf32, #tpu.memory_space<hbm>>
      %dma_wait3A_316 = arith.constant 0 : i32
      %dma_wait3A_317 = tpu.memref_slice %dma_wait3A_315[%arg1, %dma_wait3A_316] : memref<16x1024xf32, #tpu.memory_space<hbm>> -> memref<1x1024xf32, #tpu.memory_space<hbm>>
      %dma_wait3A_318 = tpu.memref_squeeze %dma_wait3A_317 : memref<1x1024xf32, #tpu.memory_space<hbm>> -> memref<1024xf32, #tpu.memory_space<hbm>>
      %dma_wait3A_319 = arith.constant 0 : i32
      %dma_wait3A_320 = arith.constant 0 : i32
      %dma_wait3A_321 = tpu.memref_slice %arg10[%arg0, %dma_wait3A_319, %dma_wait3A_320] : memref<2x16x1024xf32, #tpu.memory_space<hbm>> -> memref<1x16x1024xf32, #tpu.memory_space<hbm>>
      %dma_wait3A_322 = tpu.memref_squeeze %dma_wait3A_321 : memref<1x16x1024xf32, #tpu.memory_space<hbm>> -> memref<16x1024xf32, #tpu.memory_space<hbm>>
      %dma_wait3A_323 = arith.constant 0 : i32
      %dma_wait3A_324 = tpu.memref_slice %dma_wait3A_322[%arg1, %dma_wait3A_323] : memref<16x1024xf32, #tpu.memory_space<hbm>> -> memref<1x1024xf32, #tpu.memory_space<hbm>>
      %dma_wait3A_325 = tpu.memref_squeeze %dma_wait3A_324 : memref<1x1024xf32, #tpu.memory_space<hbm>> -> memref<1024xf32, #tpu.memory_space<hbm>>
      tpu.wait_dma2 semaphore(%run_scoped3A_297 : memref<!tpu.dma_semaphore, #tpu.memory_space<semaphore_mem>>) src(%arg16 : memref<1024xf32, #tpu.memory_space<vmem>>) dst(%dma_wait3A_325 : memref<1024xf32, #tpu.memory_space<hbm>>)
      tpu.yield
    }) : () -> ()
    %barrier3A_288 = arith.constant 0 : index
    tpu.barrier barrier_id(%barrier3A_288)
    %mul3A_289 = arith.constant 64 : i32
    %mul3A_290 = arith.muli %arg1, %mul3A_289 : i32
    %mul3A_291 = arith.constant 64 : i32
    %mul3A_292 = arith.muli %arg1, %mul3A_291 : i32
    "tpu.region"() ({
      %run_scoped3A_297 = tpu.sem_alloc : memref<!tpu.dma_semaphore, #tpu.memory_space<semaphore_mem>>
      %dma_start3A_298 = arith.constant 0 : i32
      %dma_start3A_299 = arith.constant 0 : i32
      %dma_start3A_300 = tpu.memref_slice %arg7[%arg0, %dma_start3A_298, %dma_start3A_299] : memref<2x1024x128xf32, #tpu.memory_space<hbm>> -> memref<1x1024x128xf32, #tpu.memory_space<hbm>>
      %dma_start3A_301 = tpu.memref_squeeze %dma_start3A_300 : memref<1x1024x128xf32, #tpu.memory_space<hbm>> -> memref<1024x128xf32, #tpu.memory_space<hbm>>
      %dma_start3A_302 = arith.constant 0 : i32
      %dma_start3A_303 = tpu.memref_slice %dma_start3A_301[%mul3A_292, %dma_start3A_302] : memref<1024x128xf32, #tpu.memory_space<hbm>> -> memref<64x128xf32, #tpu.memory_space<hbm>>
      %dma_start3A_304 = arith.constant 0 : i32
      %dma_start3A_305 = tpu.memref_slice %arg17[%mul3A_290, %dma_start3A_304] : memref<1024x128xf32, #tpu.memory_space<vmem_shared>> -> memref<64x128xf32, #tpu.memory_space<vmem_shared>>
      tpu.enqueue_dma source(%dma_start3A_305 : memref<64x128xf32, #tpu.memory_space<vmem_shared>>) target(%dma_start3A_303 : memref<64x128xf32, #tpu.memory_space<hbm>>) target_semaphore(%run_scoped3A_297 : memref<!tpu.dma_semaphore, #tpu.memory_space<semaphore_mem>>)
      %dma_wait3A_306 = arith.constant 0 : i32
      %dma_wait3A_307 = arith.constant 0 : i32
      %dma_wait3A_308 = tpu.memref_slice %arg7[%arg0, %dma_wait3A_306, %dma_wait3A_307] : memref<2x1024x128xf32, #tpu.memory_space<hbm>> -> memref<1x1024x128xf32, #tpu.memory_space<hbm>>
      %dma_wait3A_309 = tpu.memref_squeeze %dma_wait3A_308 : memref<1x1024x128xf32, #tpu.memory_space<hbm>> -> memref<1024x128xf32, #tpu.memory_space<hbm>>
      %dma_wait3A_310 = arith.constant 0 : i32
      %dma_wait3A_311 = tpu.memref_slice %dma_wait3A_309[%mul3A_292, %dma_wait3A_310] : memref<1024x128xf32, #tpu.memory_space<hbm>> -> memref<64x128xf32, #tpu.memory_space<hbm>>
      %dma_wait3A_312 = arith.constant 0 : i32
      %dma_wait3A_313 = tpu.memref_slice %arg17[%mul3A_290, %dma_wait3A_312] : memref<1024x128xf32, #tpu.memory_space<vmem_shared>> -> memref<64x128xf32, #tpu.memory_space<vmem_shared>>
      tpu.wait_dma2 semaphore(%run_scoped3A_297 : memref<!tpu.dma_semaphore, #tpu.memory_space<semaphore_mem>>) src(%dma_wait3A_313 : memref<64x128xf32, #tpu.memory_space<vmem_shared>>) dst(%dma_wait3A_311 : memref<64x128xf32, #tpu.memory_space<hbm>>)
      tpu.yield
    }) : () -> ()
    %mul3A_293 = arith.constant 64 : i32
    %mul3A_294 = arith.muli %arg1, %mul3A_293 : i32
    %mul3A_295 = arith.constant 64 : i32
    %mul3A_296 = arith.muli %arg1, %mul3A_295 : i32
    "tpu.region"() ({
      %run_scoped3A_297 = tpu.sem_alloc : memref<!tpu.dma_semaphore, #tpu.memory_space<semaphore_mem>>
      %dma_start3A_298 = arith.constant 0 : i32
      %dma_start3A_299 = arith.constant 0 : i32
      %dma_start3A_300 = tpu.memref_slice %arg9[%arg0, %dma_start3A_298, %dma_start3A_299] : memref<2x1024x128xf32, #tpu.memory_space<hbm>> -> memref<1x1024x128xf32, #tpu.memory_space<hbm>>
      %dma_start3A_301 = tpu.memref_squeeze %dma_start3A_300 : memref<1x1024x128xf32, #tpu.memory_space<hbm>> -> memref<1024x128xf32, #tpu.memory_space<hbm>>
      %dma_start3A_302 = arith.constant 0 : i32
      %dma_start3A_303 = tpu.memref_slice %dma_start3A_301[%mul3A_296, %dma_start3A_302] : memref<1024x128xf32, #tpu.memory_space<hbm>> -> memref<64x128xf32, #tpu.memory_space<hbm>>
      %dma_start3A_304 = arith.constant 0 : i32
      %dma_start3A_305 = tpu.memref_slice %arg18[%mul3A_294, %dma_start3A_304] : memref<1024x128xf32, #tpu.memory_space<vmem_shared>> -> memref<64x128xf32, #tpu.memory_space<vmem_shared>>
      tpu.enqueue_dma source(%dma_start3A_305 : memref<64x128xf32, #tpu.memory_space<vmem_shared>>) target(%dma_start3A_303 : memref<64x128xf32, #tpu.memory_space<hbm>>) target_semaphore(%run_scoped3A_297 : memref<!tpu.dma_semaphore, #tpu.memory_space<semaphore_mem>>)
      %dma_wait3A_306 = arith.constant 0 : i32
      %dma_wait3A_307 = arith.constant 0 : i32
      %dma_wait3A_308 = tpu.memref_slice %arg9[%arg0, %dma_wait3A_306, %dma_wait3A_307] : memref<2x1024x128xf32, #tpu.memory_space<hbm>> -> memref<1x1024x128xf32, #tpu.memory_space<hbm>>
      %dma_wait3A_309 = tpu.memref_squeeze %dma_wait3A_308 : memref<1x1024x128xf32, #tpu.memory_space<hbm>> -> memref<1024x128xf32, #tpu.memory_space<hbm>>
      %dma_wait3A_310 = arith.constant 0 : i32
      %dma_wait3A_311 = tpu.memref_slice %dma_wait3A_309[%mul3A_296, %dma_wait3A_310] : memref<1024x128xf32, #tpu.memory_space<hbm>> -> memref<64x128xf32, #tpu.memory_space<hbm>>
      %dma_wait3A_312 = arith.constant 0 : i32
      %dma_wait3A_313 = tpu.memref_slice %arg18[%mul3A_294, %dma_wait3A_312] : memref<1024x128xf32, #tpu.memory_space<vmem_shared>> -> memref<64x128xf32, #tpu.memory_space<vmem_shared>>
      tpu.wait_dma2 semaphore(%run_scoped3A_297 : memref<!tpu.dma_semaphore, #tpu.memory_space<semaphore_mem>>) src(%dma_wait3A_313 : memref<64x128xf32, #tpu.memory_space<vmem_shared>>) dst(%dma_wait3A_311 : memref<64x128xf32, #tpu.memory_space<hbm>>)
      tpu.yield
    }) : () -> ()
    return
  }
}

module attributes {stable_mosaic.version = 14 : i64} {
  func.func @_mlp_kernel(%arg0: memref<2x1024x128xf32, #tpu.memory_space<vmem>>, %arg1: memref<2x16x1024xf32, #tpu.memory_space<vmem>>, %arg2: memref<2x1024x128xf32, #tpu.memory_space<vmem>>, %arg3: memref<2x16x1024xf32, #tpu.memory_space<vmem>>, %arg4: memref<1024x128xf32, #tpu.memory_space<vmem>>, %arg5: memref<384x128xf32, #tpu.memory_space<vmem>>, %arg6: memref<128xf32, #tpu.memory_space<vmem>>, %arg7: memref<128x128xf32, #tpu.memory_space<vmem>>, %arg8: memref<128xf32, #tpu.memory_space<vmem>>, %arg9: memref<1024x128xf32, #tpu.memory_space<vmem>>) attributes {dimension_semantics = [], scalar_prefetch = 0 : i64, scratch_operands = 0 : i64, tpu.core_type = #tpu.core_type<tc>} {
    %get3A = arith.constant 0 : index
    %get3A_0 = arith.constant 0 : index
    %get3A_1 = arith.constant 0 : index
    %get3A_2 = vector.load %arg0[%get3A, %get3A_0, %get3A_1] : memref<2x1024x128xf32, #tpu.memory_space<vmem>>, vector<1x1024x128xf32>
    %get3A_3 = vector.shape_cast %get3A_2 : vector<1x1024x128xf32> to vector<1024x128xf32>
    %get3A_4 = arith.constant 1 : index
    %get3A_5 = arith.constant 0 : index
    %get3A_6 = arith.constant 0 : index
    %get3A_7 = vector.load %arg0[%get3A_4, %get3A_5, %get3A_6] : memref<2x1024x128xf32, #tpu.memory_space<vmem>>, vector<1x1024x128xf32>
    %get3A_8 = vector.shape_cast %get3A_7 : vector<1x1024x128xf32> to vector<1024x128xf32>
    %add3A = arith.addf %get3A_3, %get3A_8 : vector<1024x128xf32>
    %get3A_9 = arith.constant 0 : index
    %get3A_10 = arith.constant 0 : index
    %get3A_11 = arith.constant 0 : index
    %get3A_12 = vector.load %arg1[%get3A_9, %get3A_10, %get3A_11] : memref<2x16x1024xf32, #tpu.memory_space<vmem>>, vector<2x16x1024xf32>
    %reduce_sum3A = arith.constant dense<0.000000e+00> : vector<1024xf32>
    %reduce_sum3A_13 = vector.multi_reduction <add>, %get3A_12, %reduce_sum3A [0, 1] : vector<2x16x1024xf32> to vector<1024xf32>
    %get3A_14 = arith.constant 0 : index
    %get3A_15 = arith.constant 0 : index
    %get3A_16 = arith.constant 0 : index
    %get3A_17 = vector.load %arg2[%get3A_14, %get3A_15, %get3A_16] : memref<2x1024x128xf32, #tpu.memory_space<vmem>>, vector<1x1024x128xf32>
    %get3A_18 = vector.shape_cast %get3A_17 : vector<1x1024x128xf32> to vector<1024x128xf32>
    %get3A_19 = arith.constant 1 : index
    %get3A_20 = arith.constant 0 : index
    %get3A_21 = arith.constant 0 : index
    %get3A_22 = vector.load %arg2[%get3A_19, %get3A_20, %get3A_21] : memref<2x1024x128xf32, #tpu.memory_space<vmem>>, vector<1x1024x128xf32>
    %get3A_23 = vector.shape_cast %get3A_22 : vector<1x1024x128xf32> to vector<1024x128xf32>
    %add3A_24 = arith.addf %get3A_18, %get3A_23 : vector<1024x128xf32>
    %get3A_25 = arith.constant 0 : index
    %get3A_26 = arith.constant 0 : index
    %get3A_27 = arith.constant 0 : index
    %get3A_28 = vector.load %arg3[%get3A_25, %get3A_26, %get3A_27] : memref<2x16x1024xf32, #tpu.memory_space<vmem>>, vector<2x16x1024xf32>
    %reduce_sum3A_29 = arith.constant dense<0.000000e+00> : vector<1024xf32>
    %reduce_sum3A_30 = vector.multi_reduction <add>, %get3A_28, %reduce_sum3A_29 [0, 1] : vector<2x16x1024xf32> to vector<1024xf32>
    %max3A = arith.constant 1.000000e+00 : f32
    %max3A_31 = vector.broadcast %max3A : f32 to vector<1024xf32>
    %max3A_32 = arith.maximumf %reduce_sum3A_13, %max3A_31 : vector<1024xf32>
    %broadcast_in_dim3A = vector.shape_cast %max3A_32 : vector<1024xf32> to vector<1024x1xf32>
    %div3A = vector.broadcast %broadcast_in_dim3A : vector<1024x1xf32> to vector<1024x128xf32>
    %div3A_33 = arith.divf %add3A, %div3A : vector<1024x128xf32>
    %max3A_34 = arith.constant 1.000000e+00 : f32
    %max3A_35 = vector.broadcast %max3A_34 : f32 to vector<1024xf32>
    %max3A_36 = arith.maximumf %reduce_sum3A_30, %max3A_35 : vector<1024xf32>
    %broadcast_in_dim3A_37 = vector.shape_cast %max3A_36 : vector<1024xf32> to vector<1024x1xf32>
    %div3A_38 = vector.broadcast %broadcast_in_dim3A_37 : vector<1024x1xf32> to vector<1024x128xf32>
    %div3A_39 = arith.divf %add3A_24, %div3A_38 : vector<1024x128xf32>
    %get3A_40 = arith.constant 0 : index
    %get3A_41 = arith.constant 0 : index
    %get3A_42 = vector.load %arg5[%get3A_40, %get3A_41] : memref<384x128xf32, #tpu.memory_space<vmem>>, vector<384x128xf32>
    %get3A_43 = arith.constant 0 : index
    %get3A_44 = arith.constant 0 : index
    %get3A_45 = vector.load %arg4[%get3A_43, %get3A_44] : memref<1024x128xf32, #tpu.memory_space<vmem>>, vector<1024x128xf32>
    %slice3A = vector.extract_strided_slice %get3A_42 {offsets = [0, 0], sizes = [128, 128], strides = [1, 1]} : vector<384x128xf32> to vector<128x128xf32>
    %dot_general3A = arith.constant dense<0.000000e+00> : vector<1024x128xf32>
    %dot_general3A_46 = tpu.matmul %get3A_45, %slice3A, %dot_general3A {dimension_numbers = #tpu.dot_dimension_numbers<[1], [0], [0], [1], [0, 0, 1, 1], [], []>, transpose_lhs_hint = false} : vector<1024x128xf32>, vector<128x128xf32>, vector<1024x128xf32> -> vector<1024x128xf32>
    %slice3A_47 = vector.extract_strided_slice %get3A_42 {offsets = [128, 0], sizes = [128, 128], strides = [1, 1]} : vector<384x128xf32> to vector<128x128xf32>
    %dot_general3A_48 = arith.constant dense<0.000000e+00> : vector<1024x128xf32>
    %dot_general3A_49 = tpu.matmul %div3A_33, %slice3A_47, %dot_general3A_48 {dimension_numbers = #tpu.dot_dimension_numbers<[1], [0], [0], [1], [0, 0, 1, 1], [], []>, transpose_lhs_hint = false} : vector<1024x128xf32>, vector<128x128xf32>, vector<1024x128xf32> -> vector<1024x128xf32>
    %add3A_50 = arith.addf %dot_general3A_46, %dot_general3A_49 : vector<1024x128xf32>
    %slice3A_51 = vector.extract_strided_slice %get3A_42 {offsets = [256, 0], sizes = [128, 128], strides = [1, 1]} : vector<384x128xf32> to vector<128x128xf32>
    %dot_general3A_52 = arith.constant dense<0.000000e+00> : vector<1024x128xf32>
    %dot_general3A_53 = tpu.matmul %div3A_39, %slice3A_51, %dot_general3A_52 {dimension_numbers = #tpu.dot_dimension_numbers<[1], [0], [0], [1], [0, 0, 1, 1], [], []>, transpose_lhs_hint = false} : vector<1024x128xf32>, vector<128x128xf32>, vector<1024x128xf32> -> vector<1024x128xf32>
    %add3A_54 = arith.addf %add3A_50, %dot_general3A_53 : vector<1024x128xf32>
    %get3A_55 = arith.constant 0 : index
    %get3A_56 = vector.load %arg6[%get3A_55] : memref<128xf32, #tpu.memory_space<vmem>>, vector<128xf32>
    %broadcast_in_dim3A_57 = vector.shape_cast %get3A_56 : vector<128xf32> to vector<1x128xf32>
    %add3A_58 = vector.broadcast %broadcast_in_dim3A_57 : vector<1x128xf32> to vector<1024x128xf32>
    %add3A_59 = arith.addf %add3A_54, %add3A_58 : vector<1024x128xf32>
    %gt3A = arith.constant 0.000000e+00 : f32
    %gt3A_60 = vector.broadcast %gt3A : f32 to vector<1024x128xf32>
    %gt3A_61 = arith.cmpf ogt, %add3A_59, %gt3A_60 : vector<1024x128xf32>
    %mul3A = arith.constant 1.000000e-01 : f32
    %mul3A_62 = vector.broadcast %mul3A : f32 to vector<1024x128xf32>
    %mul3A_63 = arith.mulf %mul3A_62, %add3A_59 : vector<1024x128xf32>
    %select_n3A = arith.select %gt3A_61, %add3A_59, %mul3A_63 : vector<1024x128xi1>, vector<1024x128xf32>
    %get3A_64 = arith.constant 0 : index
    %get3A_65 = arith.constant 0 : index
    %get3A_66 = vector.load %arg7[%get3A_64, %get3A_65] : memref<128x128xf32, #tpu.memory_space<vmem>>, vector<128x128xf32>
    %dot_general3A_67 = arith.constant dense<0.000000e+00> : vector<1024x128xf32>
    %dot_general3A_68 = tpu.matmul %select_n3A, %get3A_66, %dot_general3A_67 {dimension_numbers = #tpu.dot_dimension_numbers<[1], [0], [0], [1], [0, 0, 1, 1], [], []>, transpose_lhs_hint = false} : vector<1024x128xf32>, vector<128x128xf32>, vector<1024x128xf32> -> vector<1024x128xf32>
    %get3A_69 = arith.constant 0 : index
    %get3A_70 = vector.load %arg8[%get3A_69] : memref<128xf32, #tpu.memory_space<vmem>>, vector<128xf32>
    %broadcast_in_dim3A_71 = vector.shape_cast %get3A_70 : vector<128xf32> to vector<1x128xf32>
    %add3A_72 = vector.broadcast %broadcast_in_dim3A_71 : vector<1x128xf32> to vector<1024x128xf32>
    %add3A_73 = arith.addf %dot_general3A_68, %add3A_72 : vector<1024x128xf32>
    %swap3A = arith.constant 0 : index
    %swap3A_74 = arith.constant 0 : index
    %swap3A_75 = vector.load %arg9[%swap3A, %swap3A_74] : memref<1024x128xf32, #tpu.memory_space<vmem>>, vector<1024x128xf32>
    tpu.vector_store %arg9[%swap3A, %swap3A_74], %add3A_73 {strides = array<i32>} : memref<1024x128xf32, #tpu.memory_space<vmem>>, vector<1024x128xf32>,
    return
  }
}

</mosaic_0001>

<sc_bundles>
// kernel: kernel.4.cloned.1.call-start
scs
__scs_entry_jumppad:
0x0: {  	(pc) =	sbr.rel $0x88, $3  }
0x1: {  	(tag) =	ssettag $0x0;
	lr =	simm.s32 $0x1  }
0x2: {  	[smem:$0x3F98] =	sst lr;
	_ =	strace $0xD0000000  }
0x3: {  	_ = 	snop  }
0x4: {  	_ = 	snop  }
0x5: {  	_ = 	snop  }
0x6: {  	_ = 	snop  }
0x7: {  	_ = 	snop  }
__scs_overlays_trampoline_lowered:
0x8: {  	[smem:$0x3FA7] =	sst s0  }
0x9: {  	[smem:$0x3FA8] =	sst s1  }
0xa: {  	[smem:$0x3FA9] =	sst s2  }
0xb: {  	[smem:$0x3FAA] =	sst s3  }
0xc: {  	[smem:$0x3FAB] =	sst s4  }
0xd: {  	[smem:$0x3FAC] =	sst s5  }
0xe: {  	[smem:$0x3FAD] =	sst s6  }
0xf: {  	[smem:$0x3FAE] =	sst s7  }
0x10: {  	[smem:$0x3FAF] =	sst s8  }
0x11: {  	[smem:$0x3FB0] =	sst s9;
	s0 =	simm.s32 @!p0 $0x0  }
0x12: {  	s1 =	sld [smem:$0x3F96];
	s0 =	simm.s32 @p0 $0x1  }
0x13: {  	[smem:$0x3FB1] =	sst s0;
	s0 =	simm.s32 @!p1 $0x0  }
0x14: {  	s2 =	sld [smem:$0x3F95];
	s0 =	simm.s32 @p1 $0x1  }
0x15: {  	[smem:$0x3FB2] =	sst s0;
	s0 =	simm.s32 @!p2 $0x0  }
0x16: {  	s3 =	sld [smem:$0x3FDB];
	s0 =	simm.s32 @p2 $0x1  }
0x17: {  	s4 =	simm.s32 $0x1BF5;
	[smem:$0x3FB4] =	sst s0  }
0x18: {  	s0 =	sld [smem:$0x3F97];
	_ =	swait.ge [sflag:s4], $0x0  }
0x19: {  	s7 =	sld [smem:$0x3F98]  }
0x1a: {  	s8 =	sadd.s32 $0xFFFFE003, lr  }
0x1b: {  	s9 =	sadd.s32 $0xFFFFFEF7, lr;
	s5 =	simm.s32 $0xFFFFFFFF;
	p2 =	slt.u32 s8, $0xFFFFF086  }
0x1c: {  	p1 =	slt.u32 s9, $0xF7A;
	s5 =	simm.s32 @!p2 $0x0  }
0x1d: {  	s5 =	simm.s32 @p1 $0x1;
	p0 =	seq.s32 s7, s2  }
0x1e: {  	s7 =	smul.u32 @!p0 $0xF7A, s2;
	p2 =	seq.s32 @!p0 s5, $0x0  }
0x1f: {  	s9 =	smul.u32 $0xF7A, s1;
	s8 =	simm.s32 @!p0 $0x1BF5;
	p2 =	por !p2, p0  }
0x20: {  	[sflag:s8] =	ssyncset.s32 @!p0 $0xFFFFF086;
	s6 =	sadd.s32 @!p0 s3, s7;
	s7 =	simm.s32 @!p0 $0x108  }
0x21: {  	s3 =	sadd.s32 s3, s9;
	s6 =	sadd.s32 @!p0 $0x88, s6;
	s7 =	simm.s32 @p2 $0x1082  }
0x22: {  	[simem:s7], [sflag:s8] =	dma.local @!p0 [hbm:s6], $0xF7A  }
0x23: {  	s9 =	sor.u32 $0xD0000000, s2;
	s6 =	simm.s32 $0x108;
	_ =	swait.ge @!p0 [sflag:s8], $0x0  }
0x24: {  	s3 =	sadd.s32 $0x88, s3;
	s6 =	simm.s32 @!p1 $0x1082;
	[sflag:s4] =	ssyncset.s32 $0xFFFFF086  }
0x25: {  	[simem:s6], [sflag:s4] =	dma.local [hbm:s3], $0xF7A  }
0x26: {  	[smem:$0x3F98] =	sst s1;
	(tag) =	ssettag s2;
	_ =	strace s9  }
0x27: {  	s1 =	sld [smem:$0x3FA8]  }
0x28: {  	s2 =	sld [smem:$0x3FA9]  }
0x29: {  	s4 =	sld [smem:$0x3FAB]  }
0x2a: {  	p0 =	seq.s32 s5, $0x0;
	s5 =	sld [smem:$0x3FAC]  }
0x2b: {  	s6 =	sld [smem:$0x3FAD]  }
0x2c: {  	s7 =	sld [smem:$0x3FAE]  }
0x2d: {  	s3 =	simm.s32 $0x108;
	s8 =	sld [smem:$0x3FAF]  }
0x2e: {  	s3 =	simm.s32 @!p0 $0x1082;
	s9 =	sld [smem:$0x3FB0]  }
0x2f: {  	lr =	sadd.s32 s0, s3;
	s0 =	sld [smem:$0x3FA7]  }
0x30: {  	s3 =	sld [smem:$0x3FAA]  }
0x31: {  	[smem:$0x3FB3] =	sst s10  }
0x32: {  	s10 =	sld [smem:$0x3FB1];
	_ =	sdelay $0x3  }
0x33: {  	p0 =	seq.s32 s10, $0x1;
	s10 =	sld [smem:$0x3FB3];
	_ =	sdelay $0x3  }
0x34: {  	[smem:$0x3FB3] =	sst s10  }
0x35: {  	s10 =	sld [smem:$0x3FB2];
	_ =	sdelay $0x3  }
0x36: {  	p1 =	seq.s32 s10, $0x1;
	s10 =	sld [smem:$0x3FB3];
	_ =	sdelay $0x3  }
0x37: {  	[smem:$0x3FB3] =	sst s10  }
0x38: {  	s10 =	sld [smem:$0x3FB4]  }
0x39: {  	_ = 	snop;
	(pc) =	sbr.ind lr, $3  }
0x3a: {  	_ = 	snop  }
0x3b: {  	_ = 	snop  }
0x3c: {  	p2 =	seq.s32 s10, $0x1;
	s10 =	sld [smem:$0x3FB3]  }
0x3d: {  	_ =	shalt  }
0x3e: {  	_ =	shalt  }
0x3f: {  	_ =	shalt  }
0x40: {  	_ =	shalt  }
0x41: {  	_ =	shalt  }
0x42: {  	_ =	shalt  }
0x43: {  	_ =	shalt  }
0x44: {  	_ =	shalt  }
0x45: {  	_ =	shalt  }
0x46: {  	_ =	shalt  }
0x47: {  	_ =	shalt  }
0x48: {  	_ =	shalt  }
0x49: {  	_ =	shalt  }
0x4a: {  	_ =	shalt  }
0x4b: {  	_ =	shalt  }
0x4c: {  	_ =	shalt  }
0x4d: {  	_ =	shalt  }
0x4e: {  	_ =	shalt  }
0x4f: {  	_ =	shalt  }
0x50: {  	_ =	shalt  }
0x51: {  	_ =	shalt  }
0x52: {  	_ =	shalt  }
0x53: {  	_ =	shalt  }
0x54: {  	_ =	shalt  }
0x55: {  	_ =	shalt  }
0x56: {  	_ =	shalt  }
0x57: {  	_ =	shalt  }
0x58: {  	_ =	shalt  }
0x59: {  	_ =	shalt  }
0x5a: {  	_ =	shalt  }
0x5b: {  	_ =	shalt  }
0x5c: {  	_ =	shalt  }
0x5d: {  	_ =	shalt  }
0x5e: {  	_ =	shalt  }
0x5f: {  	_ =	shalt  }
0x60: {  	_ =	shalt  }
0x61: {  	_ =	shalt  }
0x62: {  	_ =	shalt  }
0x63: {  	_ =	shalt  }
0x64: {  	_ =	shalt  }
0x65: {  	_ =	shalt  }
0x66: {  	_ =	shalt  }
0x67: {  	_ =	shalt  }
0x68: {  	_ =	shalt  }
0x69: {  	_ =	shalt  }
0x6a: {  	_ =	shalt  }
0x6b: {  	_ =	shalt  }
0x6c: {  	_ =	shalt  }
0x6d: {  	_ =	shalt  }
0x6e: {  	_ =	shalt  }
0x6f: {  	_ =	shalt  }
0x70: {  	_ =	shalt  }
0x71: {  	_ =	shalt  }
0x72: {  	_ =	shalt  }
0x73: {  	_ =	shalt  }
0x74: {  	_ =	shalt  }
0x75: {  	_ =	shalt  }
0x76: {  	_ =	shalt  }
0x77: {  	_ =	shalt  }
0x78: {  	_ =	shalt  }
0x79: {  	_ =	shalt  }
0x7a: {  	_ =	shalt  }
0x7b: {  	_ =	shalt  }
0x7c: {  	_ =	shalt  }
0x7d: {  	_ =	shalt  }
0x7e: {  	_ =	shalt  }
0x7f: {  	_ =	shalt  }
0x80: {  	_ =	shalt  }
0x81: {  	_ =	shalt  }
0x82: {  	_ =	shalt  }
0x83: {  	_ =	shalt  }
0x84: {  	_ =	shalt  }
0x85: {  	_ =	shalt  }
0x86: {  	_ =	shalt  }
0x87: {  	_ =	shalt  }
.Lfunc_end0:
.L_simem_size_0:
called_computation_lowered:
.L_overlay_start_0:
0x88: {  	s2 =	sld [smem:$0x3FD9]  }
0x89: {  	s3 =	sld [smem:$0x3FFE];
	_ =	sdelay $0x1  }
0x8a: {  	s1 =	srdreg.scid  }
0x8b: {  	s0 =	sand.u32 $0x1, s1  }
0x8c: {  	s17 =	sshll.u32 s0, $0xA;
	s2 =	sadd.s32 s3, s2  }
0x8d: {  	s2 =	sadd.s32 s2, s17  }
0x8e: {  	[smem:$0x3FBF] =	sst s2  }
0x8f: {  	_ = 	snop  }
0x90: {  	s2 =	sld [smem:$0x3FC9]  }
0x91: {  	s18 =	sld [smem:$0x3FC8]  }
0x92: {  	s4 =	sld [smem:$0x3FD0];
	(tm) =	ssettm $0x1  }
0x93: {  	s5 =	sld [smem:$0x3FFB];
	_ =	sdelay $0x3  }
0x94: {  	_ =	strace s5  }
0x95: {  	s5 =	sld [smem:$0x3FFC];
	_ =	sdelay $0x3  }
0x96: {  	_ =	strace s5  }
0x97: {  	s5 =	sld [smem:$0x3FFD];
	_ =	sdelay $0x3  }
0x98: {  	_ =	strace s5  }
0x99: {  	_ =	strace $0x8FFFFFFF  }
0x9a: {  	s19 =	sld [smem:$0x3FDB];
	_ =	sdelay $0x1  }
0x9b: {  	s6 =	simm.s32 $_scs_section_size  }
0x9c: {  	s7 =	simm.s32 $_size__tile_overlayer_lowered;
	s8 =	simm.s32 $_tile_overlayer_lowered  }
0x9d: {  	s22 =	simm.s32 $0x1BFF;
	s21 =	sshll.u32 s8, $0x1;
	s5 =	sadd.s32 s6, s19  }
0x9e: {  	s9 =	simm.s32 $0x0;
	s20 =	sshll.u32 s7, $0x1;
	s7 =	sadd.s32 s21, s5  }
0x9f: {  	[timem:s9], [sflag:s22] =	dma.local [hbm:s7], s20  }
0xa0: {  	_ =	swait.ge [sflag:s22], s20  }
0xa1: {  	s6 =	ssub.s32 $0x0, s20;
	[sflag:s22] =	ssyncset.done $0x0  }
0xa2: {  	[sflag:s22] =	ssyncadd.s32 s6;
	_ =	sdelay $0x1  }
0xa3: {  	s23 =	simm.s32 $0x1B8B  }
0xa4: {  	_ =	swait.ge [sflag:s23], $0x1  }
0xa5: {  	[sflag:s23] =	ssyncset.done $0x0  }
0xa6: {  	s25 =	simm.s32 $0x1B8E;
	s24 =	sld [smem:$0x3FFE];
	[sflag:s23] =	ssyncadd.s32 $0xFFFFFFFF  }
0xa7: {  	s26 =	simm.s32 $execute0_lowered;
	[smem:$0x3FD2] =	sst s25  }
0xa8: {  	s7 =	sshll.u32 s26, $0x1;
	_ =	strace $0x80000046;
	[dreg:$0x1] =	wrdreg $0xFFFFFFFF  }
0xa9: {  	s28 =	simm.s32 $_size_execute0_lowered;
	s5 =	sadd.s32 s5, s7;
	[dreg:$0x0] =	wrdreg $0x0  }
0xaa: {  	s7 =	sshll.u32 s28, $0x1;
	[dreg:$0x2] =	wrdreg s5  }
0xab: {  	[dreg:$0x3] =	wrdreg s7  }
0xac: {  	[dreg:$0x4] =	wrdreg $0xC0  }
0xad: {  	_ =	task [dreg:s9], $0x5FFFF  }
0xae: {  	[dreg:$0x1] =	wrdreg $0xFFFFFFFF  }
0xaf: {  	[dreg:$0x0] =	wrdreg $0x60  }
0xb0: {  	[dreg:$0x2] =	wrdreg s2  }
0xb1: {  	[dreg:$0x3] =	wrdreg s18  }
0xb2: {  	[dreg:$0x4] =	wrdreg s24  }
0xb3: {  	[dreg:$0x5] =	wrdreg s4  }
0xb4: {  	[dreg:$0x6] =	wrdreg $0x1A0000  }
0xb5: {  	[dreg:$0x7] =	wrdreg $0x1C0000  }
0xb6: {  	[dreg:$0x8] =	wrdreg $0x9  }
0xb7: {  	_ =	task.clear_ibuf [dreg:s9], $0x9FFFF;
	_ =	strace $0x90000046  }
0xb8: {  	s29 =	simm.s32 $0x9;
	_ =	strace $0x80000048  }
0xb9: {  	_ =	swait.ge [sflag:s29], $0x1  }
0xba: {  	[sflag:s29] =	ssyncadd.s32 $0xFFFFFFFF  }
0xbb: {  	_ =	strace $0x90000048  }
0xbc: {  	_ =	sfence  }
0xbd: {  	s30 =	sld [smem:$0x0];
	_ =	sdelay $0x2  }
0xbe: {  	s31 =	sshll.u32 s1, $0xD;
	s1 =	sshrl.u32 s1, $0x2  }
0xbf: {  	s3 =	sand.u32 $0x4000, s31;
	s1 =	sadd.s32 s1, s30  }
0xc0: {  	s0 =	sor.u32 s3, s0;
	s1 =	sshll.u32 s1, $0x11  }
0xc1: {  	s0 =	sor.u32 s1, s0  }
0xc2: {  	s0 =	sadd.s32 $0x8F2B, s0  }
0xc3: {  	[sflag:s0] =	ssyncadd.remote.s32 $0x1  }
0xc4: {  	_ =	sfence.sel $0xFFFF  }
0xc5: {  	[dreg:$0x0] =	wrdreg $0xFFFFFFFF;
	(pc) =	sbr.abs _section_cstart, $3  }
0xc6: {  	[dreg:$0x1] =	wrdreg $0xFFFFFFFF  }
0xc7: {  	_ =	task.clear_ibuf [dreg:s9], $0x2FFFF;
	_ =	strace $0x9FFFFFFF  }
0xc8: {  	(tm) =	ssettm $0x7FFFFFFF  }
0xc9: {  	_ =	shalt  }
tec
execute0_lowered:
.L_overlay_start_1:
0x0: {  	(tag) =	ssettag $0x1  }
0x1: {  	s0 =	rddreg [dreg:$0x0]  }
0x2: {  	s4 =	rddreg [dreg:$0x1]  }
0x3: {  	s5 =	rddreg [dreg:$0x2]  }
0x4: {  	s6 =	rddreg [dreg:$0x3]  }
0x5: {  	s1 =	rddreg [dreg:$0x4]  }
0x6: {  	s2 =	rddreg [dreg:$0x5]  }
0x7: {  	s3 =	simm.s32 $0x0;
	s7 =	srdreg.scid;
	s18 =	stileid.u32  }
0x8: {  	s28 =	simm.s32 $0x19800;
	s29 =	simm.s32 $0x3;
	s30 =	simm.s32 $0x50  }
0x9: {  	s31 =	simm.s32 $0x80;
	[smem:$0x7FF] =	sst s3;
	s8 =	sadd.s32 $0x1C00, s5  }
0xa: {  	s7 =	sand.u32 $0x1, s7;
	s9 =	sadd.s32 $0x1AC00, s5;
	s11 =	sadd.s32 $0x33C00, s5  }
0xb: {  	s21 =	sshll.u32 s18, $0xD;
	s16 =	sshll.u32 s18, $0x6;
	s23 =	smul.u32 $0x19, s18  }
0xc: {  	s24 =	sshll.u32 s18, $0x7;
	s25 =	smul.u32 $0x27100, s18;
	_ =	strace $0x80000047  }
0xd: {  	s10 =	sshll.u32 s7, $0x4;
	[dreg:$0x9] =	wrdreg s11;
	s17 =	sshll.u32 s7, $0xE  }
0xe: {  	s12 =	ssub.s32 $0x2, s7;
	s14 =	sshll.u32 s7, $0xB;
	s22 =	smul.u32 $0x190, s7  }
0xf: {  	s7 =	smul.u32 $0x271000, s7;
	s10 =	sor.u32 s18, s10;
	s11 =	sadd.s32 s17, s5  }
0x10: {  	s15 =	sshrl.u32 s12, $0x1;
	s5 =	sadd.s32 s14, s5;
	s13 =	smul.u32 $0xC80, s10  }
0x11: {  	s17 =	sadd.s32 s21, s1;
	s6 =	sadd.s32 s6, s14;
	s10 =	smul.u32 $0x27100, s10  }
0x12: {  	s12 =	ssub.s32 s12, s15;
	[dreg:$0xc] =	wrdreg s17;
	s15 =	sadd.s32 s21, s2  }
0x13: {  	s14 =	sadd.s32 s23, s22;
	s5 =	sadd.s32 $0x44000, s5;
	[dreg:$0xe] =	wrdreg s15  }
0x14: {  	s15 =	sshll.u32 s18, $0xA;
	s14 =	sshll.u32 s14, $0x7;
	s12 =	smax.u32 s12, $0x1  }
0x15: {  	s18 =	simm.s32 $0x800;
	s19 =	sadd.s32 s8, s13;
	s20 =	sadd.s32 s0, s10  }
0x16: {  	s17 =	sor.u32 s24, s15;
	s13 =	sadd.s32 s9, s13;
	[dreg:$0x11] =	wrdreg s12  }
0x17: {  	s0 =	sadd.s32 s7, s0;
	s10 =	sadd.s32 s4, s10;
	[dreg:$0xa] =	wrdreg s19  }
0x18: {  	s4 =	sadd.s32 s7, s4;
	s21 =	sadd.s32 $0x80, s14;
	[dreg:$0xb] =	wrdreg s20  }
0x19: {  	s12 =	simm.s32 $0x2;
	s20 =	sor.u32 $0x1C05, s16;
	[dreg:$0xf] =	wrdreg s13  }
0x1a: {  	s26 =	sand.u32 $0x2380, s17;
	[dreg:$0x10] =	wrdreg s10;
	s0 =	sadd.s32 s25, s0  }
0x1b: {  	s17 =	sadd.s32 $0x34000, s11;
	s19 =	sadd.s32 s14, s8;
	s11 =	sadd.s32 $0x3C000, s11  }
0x1c: {  	s4 =	sadd.s32 s25, s4;
	s8 =	sadd.s32 s21, s8;
	[dreg:$0x7] =	wrdreg s0  }
0x1d: {  	s22 =	sadd.s32 s21, s9;
	s10 =	simm.s32 $0x200;
	[dreg:$0x13] =	wrdreg s8  }
0x1e: {  	s13 =	sshrl.u32 s26, $0x3;
	s7 =	sadd.s32 $0x100, s19;
	[dreg:$0x8] =	wrdreg s4  }
0x1f: {  	s0 =	sadd.s32 s14, s9;
	[dreg:$0x15] =	wrdreg s22;
	s19 =	simm.s32 $0x5  }
0x20: {  	s22 =	simm.s32 $0x400;
	s25 =	sadd.s32 s15, s17;
	s26 =	sadd.s32 s15, s11  }
0x21: {  	s4 =	simm.s32 $0x100;
	s8 =	simm.s32 $0x8000;
	[dreg:$0xd] =	wrdreg s20  }
0x22: {  	s11 =	simm.s32 $0xA800;
	s17 =	simm.s32 $0x600;
	[dreg:$0x12] =	wrdreg s7  }
0x23: {  	s14 =	simm.s32 $0x0;
	s0 =	sadd.s32 $0x100, s0;
	[dreg:$0x18] =	wrdreg s25  }
0x24: {  	s23 =	sadd.s32 s13, s6;
	s24 =	sadd.s32 s13, s5;
	[dreg:$0x19] =	wrdreg s26  }
0x25: {  	s25 =	simm.s32 $0xD000;
	s26 =	simm.s32 $0x1;
	[dreg:$0x14] =	wrdreg s0  }
0x26: {  	s6 =	simm.s32 $0x5800;
	s7 =	simm.s32 $0x180;
	[dreg:$0x16] =	wrdreg s23  }
0x27: {  	s13 =	simm.s32 $0x4;
	s5 =	simm.s32 $0x19C00;
	[dreg:$0x17] =	wrdreg s24  }
0x28: {  	v0 =	vimm.f32 $0.0e+00;
	v1 =	vimm.f32 $1.000000000e+00;
	s0 =	simm.s32 $0x3000;
	s23 =	simm.s32 $0x14800;
	s24 =	simm.s32 $0x17000  }
.LBB2_1:
0x29: {  	[dreg:$0x1a] =	wrdreg s14  }
0x2a: {  	s9 =	rddreg [dreg:$0xa]  }
0x2b: {  	s21 =	rddreg [dreg:$0xb]  }
0x2c: {  	s14 =	rddreg [dreg:$0xc]  }
0x2d: {  	[tilespmem:s3], [sflag:$0x1] =	stream.linear.gather [hbm4b:s9+s3], $0x280, $0x38;
	[tilespmem:$0x1E000] =	vst v63  }
0x2e: {  	s16 =	rddreg [dreg:$0x9];
	s15 =	sshrl.u32 s14, $0x3  }
0x2f: {  	[dreg:$0x1b] =	wrdreg s15  }
0x30: {  	[tilespmem:s18], [sflag:$0x3] =	stream.linear.gather [hbm4b:s21+s3], $0xC800, $0x38;
	[tilespmem:$0x1E000] =	vst v63  }
0x31: {  	[spmem:s15], [sflag:s20] =	dma.local [hbm:s16], $0x400  }
0x32: {  	_ =	swait.ge [sflag:s19], $0x400  }
0x33: {  	s21 =	rddreg [dreg:$0xe]  }
0x34: {  	[sflag:s19] =	ssyncset.done $0x0;
	s14 =	sshrl.u32 s21, $0x3  }
0x35: {  	[sflag:s19] =	ssyncadd.s32 $0xFFFFFC00;
	[dreg:$0x1c] =	wrdreg s14  }
0x36: {  	[spmem:s14], [sflag:s20] =	dma.local [hbm:s16], $0x400  }
0x37: {  	_ =	swait.ge [sflag:s19], $0x400  }
0x38: {  	[sflag:s19] =	ssyncset.done $0x0  }
0x39: {  	s9 =	simm.s32 $0x40;
	s14 =	simm.s32 $0x0;
	[sflag:s19] =	ssyncadd.s32 $0xFFFFFC00  }
.LBB2_2:
0x3a: {  	p0 =	sne.s32 s9, $0xFC0;
	[tilespmem:s14+$0x19800] =	vst v0;
	s15 =	smov.u32 s9;
	s9 =	sadd.s32 $0x40, s9  }
.Ltmp0:
0x3b: {  	[tilespmem:s14+$0x19C00] =	vst v0;
	(pc) =	sbr.rel @p0 .LBB2_2-.Ltmp0, $2  }
0x3c: {  	_ =	sdelay $0x2  }
0x3d: {  	s14 =	sshra.s32 s15, $0x2  }
0x3e: {  	[tilespmem:s14+$0x19800] =	vst v0  }
0x3f: {  	[tilespmem:s14+$0x19C00] =	vst v0  }
0x40: {  	[bflag:$0x0] =	sbarrier.arrive $0xFFFF  }
0x41: {  	s14 =	rddreg [dreg:$0x13]  }
0x42: {  	s9 =	simm.s32 $0x0;
	s20 =	rddreg [dreg:$0x12]  }
.LBB2_4:
0x43: {  	s15 =	rddreg [dreg:$0x7]  }
0x44: {  	[tilespmem:s22], [sflag:$0x2] =	stream.linear.gather [hbm4b:s14+s3], $0x280, $0x38;
	[tilespmem:$0x1E000] =	vst v63  }
0x45: {  	s15 =	sadd.s32 s9, s15  }
0x46: {  	s21 =	sadd.s32 $0x1900, s15  }
0x47: {  	[tilespmem:s25], [sflag:$0x4] =	stream.linear.gather [hbm4b:s21+s3], $0xC800, $0x38;
	[tilespmem:$0x1E000] =	vst v63  }
0x48: {  	_ =	swait.ge [sflag:s26], $0x280  }
0x49: {  	[sflag:s26] =	ssyncset.done $0x0  }
0x4a: {  	[sflag:s26] =	ssyncadd.s32 $0xFFFFFD80  }
0x4b: {  	v2 =	vld [tilespmem:$0x0];
	_ =	sdelay $0x7  }
0x4c: {  	[tilespmem:v2+s28+$0x0] =	vst.idx.add.f32.msk $0xffff, v1  }
0x4d: {  	v2 =	vld [tilespmem:$0x10];
	_ =	sdelay $0x7  }
0x4e: {  	[tilespmem:v2+s28+$0x0] =	vst.idx.add.f32.msk $0xffff, v1  }
0x4f: {  	v2 =	vld [tilespmem:$0x20];
	_ =	sdelay $0x7  }
0x50: {  	[tilespmem:v2+s28+$0x0] =	vst.idx.add.f32.msk $0xffff, v1  }
0x51: {  	v2 =	vld [tilespmem:$0x30];
	_ =	sdelay $0x7  }
0x52: {  	[tilespmem:v2+s28+$0x0] =	vst.idx.add.f32.msk $0xffff, v1  }
0x53: {  	v2 =	vld [tilespmem:$0x40];
	_ =	sdelay $0x7  }
0x54: {  	[tilespmem:v2+s28+$0x0] =	vst.idx.add.f32.msk $0xffff, v1  }
0x55: {  	v2 =	vld [tilespmem:$0x80];
	_ =	sdelay $0x7  }
0x56: {  	[tilespmem:v2+s28+$0x0] =	vst.idx.add.f32.msk $0xffff, v1  }
0x57: {  	v2 =	vld [tilespmem:$0x90];
	_ =	sdelay $0x7  }
0x58: {  	[tilespmem:v2+s28+$0x0] =	vst.idx.add.f32.msk $0xffff, v1  }
0x59: {  	v2 =	vld [tilespmem:$0xA0];
	_ =	sdelay $0x7  }
0x5a: {  	[tilespmem:v2+s28+$0x0] =	vst.idx.add.f32.msk $0xffff, v1  }
0x5b: {  	v2 =	vld [tilespmem:$0xB0];
	_ =	sdelay $0x7  }
0x5c: {  	[tilespmem:v2+s28+$0x0] =	vst.idx.add.f32.msk $0xffff, v1  }
0x5d: {  	v2 =	vld [tilespmem:$0xC0];
	_ =	sdelay $0x7  }
0x5e: {  	[tilespmem:v2+s28+$0x0] =	vst.idx.add.f32.msk $0xffff, v1  }
0x5f: {  	v2 =	vld [tilespmem:$0x100];
	_ =	sdelay $0x7  }
0x60: {  	[tilespmem:v2+s28+$0x0] =	vst.idx.add.f32.msk $0xffff, v1  }
0x61: {  	v2 =	vld [tilespmem:$0x110];
	_ =	sdelay $0x7  }
0x62: {  	[tilespmem:v2+s28+$0x0] =	vst.idx.add.f32.msk $0xffff, v1  }
0x63: {  	v2 =	vld [tilespmem:$0x120];
	_ =	sdelay $0x7  }
0x64: {  	[tilespmem:v2+s28+$0x0] =	vst.idx.add.f32.msk $0xffff, v1  }
0x65: {  	v2 =	vld [tilespmem:$0x130];
	_ =	sdelay $0x7  }
0x66: {  	[tilespmem:v2+s28+$0x0] =	vst.idx.add.f32.msk $0xffff, v1  }
0x67: {  	v2 =	vld [tilespmem:$0x140];
	_ =	sdelay $0x7  }
0x68: {  	[tilespmem:v2+s28+$0x0] =	vst.idx.add.f32.msk $0xffff, v1  }
0x69: {  	v2 =	vld [tilespmem:$0x180];
	_ =	sdelay $0x7  }
0x6a: {  	[tilespmem:v2+s28+$0x0] =	vst.idx.add.f32.msk $0xffff, v1  }
0x6b: {  	v2 =	vld [tilespmem:$0x190];
	_ =	sdelay $0x7  }
0x6c: {  	[tilespmem:v2+s28+$0x0] =	vst.idx.add.f32.msk $0xffff, v1  }
0x6d: {  	v2 =	vld [tilespmem:$0x1A0];
	_ =	sdelay $0x7  }
0x6e: {  	[tilespmem:v2+s28+$0x0] =	vst.idx.add.f32.msk $0xffff, v1  }
0x6f: {  	v2 =	vld [tilespmem:$0x1B0];
	_ =	sdelay $0x7  }
0x70: {  	[tilespmem:v2+s28+$0x0] =	vst.idx.add.f32.msk $0xffff, v1  }
0x71: {  	v2 =	vld [tilespmem:$0x1C0];
	_ =	sdelay $0x7  }
0x72: {  	[tilespmem:v2+s28+$0x0] =	vst.idx.add.f32.msk $0xffff, v1  }
0x73: {  	v2 =	vld [tilespmem:$0x200];
	_ =	sdelay $0x7  }
0x74: {  	[tilespmem:v2+s28+$0x0] =	vst.idx.add.f32.msk $0xffff, v1  }
0x75: {  	v2 =	vld [tilespmem:$0x210];
	_ =	sdelay $0x7  }
0x76: {  	[tilespmem:v2+s28+$0x0] =	vst.idx.add.f32.msk $0xffff, v1  }
0x77: {  	v2 =	vld [tilespmem:$0x220];
	_ =	sdelay $0x7  }
0x78: {  	[tilespmem:v2+s28+$0x0] =	vst.idx.add.f32.msk $0xffff, v1  }
0x79: {  	v2 =	vld [tilespmem:$0x230];
	_ =	sdelay $0x7  }
0x7a: {  	[tilespmem:v2+s28+$0x0] =	vst.idx.add.f32.msk $0xffff, v1  }
0x7b: {  	v2 =	vld [tilespmem:$0x240];
	_ =	sdelay $0x7  }
0x7c: {  	[tilespmem:v2+s28+$0x0] =	vst.idx.add.f32.msk $0xffff, v1  }
0x7d: {  	_ =	swait.ge [sflag:s29], $0xC800  }
0x7e: {  	[sflag:s29] =	ssyncset.done $0x0  }
0x7f: {  	[sflag:s29] =	ssyncadd.s32 $0xFFFF3800  }
0x80: {  	[spmem:s1] =	stream.indirect.scatter.add.f32 [tilespmem:s18], [sflag:$0x5], $0x80, s3, s30, $0xb8;
	[tilespmem:$0x1E000] =	vst v63  }
0x81: {  	_ =	swait.ge [sflag:s19], $0x2800  }
0x82: {  	[sflag:s19] =	ssyncset.done $0x0  }
0x83: {  	[sflag:s19] =	ssyncadd.s32 $0xFFFFD800  }
0x84: {  	[spmem:s1] =	stream.indirect.scatter.add.f32 [tilespmem:s0], [sflag:$0x5], $0x80, s31, s30, $0xb8;
	[tilespmem:$0x1E000] =	vst v63  }
0x85: {  	_ =	swait.ge [sflag:s19], $0x2800  }
0x86: {  	[sflag:s19] =	ssyncset.done $0x0  }
0x87: {  	[sflag:s19] =	ssyncadd.s32 $0xFFFFD800  }
0x88: {  	[spmem:s1] =	stream.indirect.scatter.add.f32 [tilespmem:s6], [sflag:$0x5], $0x80, s4, s30, $0xb8;
	[tilespmem:$0x1E000] =	vst v63  }
0x89: {  	_ =	swait.ge [sflag:s19], $0x2800  }
0x8a: {  	[sflag:s19] =	ssyncset.done $0x0  }
0x8b: {  	[sflag:s19] =	ssyncadd.s32 $0xFFFFD800  }
0x8c: {  	[spmem:s1] =	stream.indirect.scatter.add.f32 [tilespmem:s8], [sflag:$0x5], $0x80, s7, s30, $0xb8;
	[tilespmem:$0x1E000] =	vst v63  }
0x8d: {  	_ =	swait.ge [sflag:s19], $0x2800  }
0x8e: {  	[sflag:s19] =	ssyncset.done $0x0  }
0x8f: {  	[sflag:s19] =	ssyncadd.s32 $0xFFFFD800  }
0x90: {  	[spmem:s1] =	stream.indirect.scatter.add.f32 [tilespmem:s11], [sflag:$0x5], $0x80, s10, s30, $0xb8;
	[tilespmem:$0x1E000] =	vst v63  }
0x91: {  	_ =	swait.ge [sflag:s19], $0x2800  }
0x92: {  	[sflag:s19] =	ssyncset.done $0x0  }
0x93: {  	[sflag:s19] =	ssyncadd.s32 $0xFFFFD800  }
0x94: {  	[tilespmem:s3], [sflag:$0x1] =	stream.linear.gather [hbm4b:s20+s3], $0x280, $0x38;
	[tilespmem:$0x1E000] =	vst v63  }
0x95: {  	s15 =	sadd.s32 $0x3200, s15  }
0x96: {  	[tilespmem:s18], [sflag:$0x3] =	stream.linear.gather [hbm4b:s15+s3], $0xC800, $0x38;
	[tilespmem:$0x1E000] =	vst v63  }
0x97: {  	_ =	swait.ge [sflag:s12], $0x280  }
0x98: {  	[sflag:s12] =	ssyncset.done $0x0  }
0x99: {  	[sflag:s12] =	ssyncadd.s32 $0xFFFFFD80  }
0x9a: {  	v2 =	vld [tilespmem:$0x400];
	_ =	sdelay $0x7  }
0x9b: {  	[tilespmem:v2+s28+$0x0] =	vst.idx.add.f32.msk $0xffff, v1  }
0x9c: {  	v2 =	vld [tilespmem:$0x410];
	_ =	sdelay $0x7  }
0x9d: {  	[tilespmem:v2+s28+$0x0] =	vst.idx.add.f32.msk $0xffff, v1  }
0x9e: {  	v2 =	vld [tilespmem:$0x420];
	_ =	sdelay $0x7  }
0x9f: {  	[tilespmem:v2+s28+$0x0] =	vst.idx.add.f32.msk $0xffff, v1  }
0xa0: {  	v2 =	vld [tilespmem:$0x430];
	_ =	sdelay $0x7  }
0xa1: {  	[tilespmem:v2+s28+$0x0] =	vst.idx.add.f32.msk $0xffff, v1  }
0xa2: {  	v2 =	vld [tilespmem:$0x440];
	_ =	sdelay $0x7  }
0xa3: {  	[tilespmem:v2+s28+$0x0] =	vst.idx.add.f32.msk $0xffff, v1  }
0xa4: {  	v2 =	vld [tilespmem:$0x480];
	_ =	sdelay $0x7  }
0xa5: {  	[tilespmem:v2+s28+$0x0] =	vst.idx.add.f32.msk $0xffff, v1  }
0xa6: {  	v2 =	vld [tilespmem:$0x490];
	_ =	sdelay $0x7  }
0xa7: {  	[tilespmem:v2+s28+$0x0] =	vst.idx.add.f32.msk $0xffff, v1  }
0xa8: {  	v2 =	vld [tilespmem:$0x4A0];
	_ =	sdelay $0x7  }
0xa9: {  	[tilespmem:v2+s28+$0x0] =	vst.idx.add.f32.msk $0xffff, v1  }
0xaa: {  	v2 =	vld [tilespmem:$0x4B0];
	_ =	sdelay $0x7  }
0xab: {  	[tilespmem:v2+s28+$0x0] =	vst.idx.add.f32.msk $0xffff, v1  }
0xac: {  	v2 =	vld [tilespmem:$0x4C0];
	_ =	sdelay $0x7  }
0xad: {  	[tilespmem:v2+s28+$0x0] =	vst.idx.add.f32.msk $0xffff, v1  }
0xae: {  	v2 =	vld [tilespmem:$0x500];
	_ =	sdelay $0x7  }
0xaf: {  	[tilespmem:v2+s28+$0x0] =	vst.idx.add.f32.msk $0xffff, v1  }
0xb0: {  	v2 =	vld [tilespmem:$0x510];
	_ =	sdelay $0x7  }
0xb1: {  	[tilespmem:v2+s28+$0x0] =	vst.idx.add.f32.msk $0xffff, v1  }
0xb2: {  	v2 =	vld [tilespmem:$0x520];
	_ =	sdelay $0x7  }
0xb3: {  	[tilespmem:v2+s28+$0x0] =	vst.idx.add.f32.msk $0xffff, v1  }
0xb4: {  	v2 =	vld [tilespmem:$0x530];
	_ =	sdelay $0x7  }
0xb5: {  	[tilespmem:v2+s28+$0x0] =	vst.idx.add.f32.msk $0xffff, v1  }
0xb6: {  	v2 =	vld [tilespmem:$0x540];
	_ =	sdelay $0x7  }
0xb7: {  	[tilespmem:v2+s28+$0x0] =	vst.idx.add.f32.msk $0xffff, v1  }
0xb8: {  	v2 =	vld [tilespmem:$0x580];
	_ =	sdelay $0x7  }
0xb9: {  	[tilespmem:v2+s28+$0x0] =	vst.idx.add.f32.msk $0xffff, v1  }
0xba: {  	v2 =	vld [tilespmem:$0x590];
	_ =	sdelay $0x7  }
0xbb: {  	[tilespmem:v2+s28+$0x0] =	vst.idx.add.f32.msk $0xffff, v1  }
0xbc: {  	v2 =	vld [tilespmem:$0x5A0];
	_ =	sdelay $0x7  }
0xbd: {  	[tilespmem:v2+s28+$0x0] =	vst.idx.add.f32.msk $0xffff, v1  }
0xbe: {  	v2 =	vld [tilespmem:$0x5B0];
	_ =	sdelay $0x7  }
0xbf: {  	[tilespmem:v2+s28+$0x0] =	vst.idx.add.f32.msk $0xffff, v1  }
0xc0: {  	v2 =	vld [tilespmem:$0x5C0];
	_ =	sdelay $0x7  }
0xc1: {  	[tilespmem:v2+s28+$0x0] =	vst.idx.add.f32.msk $0xffff, v1  }
0xc2: {  	v2 =	vld [tilespmem:$0x600];
	_ =	sdelay $0x7  }
0xc3: {  	[tilespmem:v2+s28+$0x0] =	vst.idx.add.f32.msk $0xffff, v1  }
0xc4: {  	v2 =	vld [tilespmem:$0x610];
	_ =	sdelay $0x7  }
0xc5: {  	[tilespmem:v2+s28+$0x0] =	vst.idx.add.f32.msk $0xffff, v1  }
0xc6: {  	v2 =	vld [tilespmem:$0x620];
	_ =	sdelay $0x7  }
0xc7: {  	[tilespmem:v2+s28+$0x0] =	vst.idx.add.f32.msk $0xffff, v1  }
0xc8: {  	v2 =	vld [tilespmem:$0x630];
	_ =	sdelay $0x7  }
0xc9: {  	[tilespmem:v2+s28+$0x0] =	vst.idx.add.f32.msk $0xffff, v1  }
0xca: {  	v2 =	vld [tilespmem:$0x640];
	_ =	sdelay $0x7  }
0xcb: {  	[tilespmem:v2+s28+$0x0] =	vst.idx.add.f32.msk $0xffff, v1  }
0xcc: {  	_ =	swait.ge [sflag:s13], $0xC800  }
0xcd: {  	[sflag:s13] =	ssyncset.done $0x0  }
0xce: {  	[sflag:s13] =	ssyncadd.s32 $0xFFFF3800  }
0xcf: {  	[spmem:s1] =	stream.indirect.scatter.add.f32 [tilespmem:s25], [sflag:$0x5], $0x80, s22, s30, $0xb8;
	[tilespmem:$0x1E000] =	vst v63  }
0xd0: {  	_ =	swait.ge [sflag:s19], $0x2800  }
0xd1: {  	[sflag:s19] =	ssyncset.done $0x0  }
0xd2: {  	s16 =	simm.s32 $0xF800;
	s21 =	simm.s32 $0x480;
	[sflag:s19] =	ssyncadd.s32 $0xFFFFD800  }
0xd3: {  	[spmem:s1] =	stream.indirect.scatter.add.f32 [tilespmem:s16], [sflag:$0x5], $0x80, s21, s30, $0xb8;
	[tilespmem:$0x1E000] =	vst v63  }
0xd4: {  	_ =	swait.ge [sflag:s19], $0x2800  }
0xd5: {  	[sflag:s19] =	ssyncset.done $0x0  }
0xd6: {  	s15 =	simm.s32 $0x12000;
	s21 =	simm.s32 $0x500;
	[sflag:s19] =	ssyncadd.s32 $0xFFFFD800  }
0xd7: {  	[spmem:s1] =	stream.indirect.scatter.add.f32 [tilespmem:s15], [sflag:$0x5], $0x80, s21, s30, $0xb8;
	[tilespmem:$0x1E000] =	vst v63  }
0xd8: {  	_ =	swait.ge [sflag:s19], $0x2800  }
0xd9: {  	[sflag:s19] =	ssyncset.done $0x0  }
0xda: {  	s21 =	simm.s32 $0x580;
	[sflag:s19] =	ssyncadd.s32 $0xFFFFD800  }
0xdb: {  	[spmem:s1] =	stream.indirect.scatter.add.f32 [tilespmem:s23], [sflag:$0x5], $0x80, s21, s30, $0xb8;
	[tilespmem:$0x1E000] =	vst v63  }
0xdc: {  	_ =	swait.ge [sflag:s19], $0x2800  }
0xdd: {  	p0 =	sne.s32 s9, $0x22600;
	[sflag:s19] =	ssyncset.done $0x0  }
.Ltmp1:
0xde: {  	[sflag:s19] =	ssyncadd.s32 $0xFFFFD800;
	(pc) =	sbr.rel @p0 .LBB2_4-.Ltmp1, $4  }
0xdf: {  	[spmem:s1] =	stream.indirect.scatter.add.f32 [tilespmem:s24], [sflag:$0x5], $0x80, s17, s30, $0xb8;
	[tilespmem:$0x1E000] =	vst v63  }
0xe0: {  	_ =	swait.ge [sflag:s19], $0x2800  }
0xe1: {  	s14 =	sadd.s32 $0x100, s14;
	[sflag:s19] =	ssyncset.done $0x0  }
0xe2: {  	s9 =	sadd.s32 $0x3200, s9;
	s20 =	sadd.s32 $0x100, s20;
	[sflag:s19] =	ssyncadd.s32 $0xFFFFD800  }
0xe3: {  	_ =	swait.ge [sflag:s26], $0x280  }
0xe4: {  	[sflag:s26] =	ssyncset.done $0x0  }
0xe5: {  	[sflag:s26] =	ssyncadd.s32 $0xFFFFFD80  }
0xe6: {  	v2 =	vld [tilespmem:$0x0];
	_ =	sdelay $0x7  }
0xe7: {  	[tilespmem:v2+s28+$0x0] =	vst.idx.add.f32.msk $0xffff, v1  }
0xe8: {  	v2 =	vld [tilespmem:$0x10];
	_ =	sdelay $0x7  }
0xe9: {  	[tilespmem:v2+s28+$0x0] =	vst.idx.add.f32.msk $0xffff, v1  }
0xea: {  	v2 =	vld [tilespmem:$0x20];
	_ =	sdelay $0x7  }
0xeb: {  	[tilespmem:v2+s28+$0x0] =	vst.idx.add.f32.msk $0xffff, v1  }
0xec: {  	v2 =	vld [tilespmem:$0x30];
	_ =	sdelay $0x7  }
0xed: {  	[tilespmem:v2+s28+$0x0] =	vst.idx.add.f32.msk $0xffff, v1  }
0xee: {  	v2 =	vld [tilespmem:$0x40];
	_ =	sdelay $0x7  }
0xef: {  	[tilespmem:v2+s28+$0x0] =	vst.idx.add.f32.msk $0xffff, v1  }
0xf0: {  	v2 =	vld [tilespmem:$0x80];
	_ =	sdelay $0x7  }
0xf1: {  	[tilespmem:v2+s28+$0x0] =	vst.idx.add.f32.msk $0xffff, v1  }
0xf2: {  	v2 =	vld [tilespmem:$0x90];
	_ =	sdelay $0x7  }
0xf3: {  	[tilespmem:v2+s28+$0x0] =	vst.idx.add.f32.msk $0xffff, v1  }
0xf4: {  	v2 =	vld [tilespmem:$0xA0];
	_ =	sdelay $0x7  }
0xf5: {  	[tilespmem:v2+s28+$0x0] =	vst.idx.add.f32.msk $0xffff, v1  }
0xf6: {  	v2 =	vld [tilespmem:$0xB0];
	_ =	sdelay $0x7  }
0xf7: {  	[tilespmem:v2+s28+$0x0] =	vst.idx.add.f32.msk $0xffff, v1  }
0xf8: {  	v2 =	vld [tilespmem:$0xC0];
	_ =	sdelay $0x7  }
0xf9: {  	[tilespmem:v2+s28+$0x0] =	vst.idx.add.f32.msk $0xffff, v1  }
0xfa: {  	v2 =	vld [tilespmem:$0x100];
	_ =	sdelay $0x7  }
0xfb: {  	[tilespmem:v2+s28+$0x0] =	vst.idx.add.f32.msk $0xffff, v1  }
0xfc: {  	v2 =	vld [tilespmem:$0x110];
	_ =	sdelay $0x7  }
0xfd: {  	[tilespmem:v2+s28+$0x0] =	vst.idx.add.f32.msk $0xffff, v1  }
0xfe: {  	v2 =	vld [tilespmem:$0x120];
	_ =	sdelay $0x7  }
0xff: {  	[tilespmem:v2+s28+$0x0] =	vst.idx.add.f32.msk $0xffff, v1  }
0x100: {  	v2 =	vld [tilespmem:$0x130];
	_ =	sdelay $0x7  }
0x101: {  	[tilespmem:v2+s28+$0x0] =	vst.idx.add.f32.msk $0xffff, v1  }
0x102: {  	v2 =	vld [tilespmem:$0x140];
	_ =	sdelay $0x7  }
0x103: {  	[tilespmem:v2+s28+$0x0] =	vst.idx.add.f32.msk $0xffff, v1  }
0x104: {  	v2 =	vld [tilespmem:$0x180];
	_ =	sdelay $0x7  }
0x105: {  	[tilespmem:v2+s28+$0x0] =	vst.idx.add.f32.msk $0xffff, v1  }
0x106: {  	v2 =	vld [tilespmem:$0x190];
	_ =	sdelay $0x7  }
0x107: {  	[tilespmem:v2+s28+$0x0] =	vst.idx.add.f32.msk $0xffff, v1  }
0x108: {  	v2 =	vld [tilespmem:$0x1A0];
	_ =	sdelay $0x7  }
0x109: {  	[tilespmem:v2+s28+$0x0] =	vst.idx.add.f32.msk $0xffff, v1  }
0x10a: {  	v2 =	vld [tilespmem:$0x1B0];
	_ =	sdelay $0x7  }
0x10b: {  	[tilespmem:v2+s28+$0x0] =	vst.idx.add.f32.msk $0xffff, v1  }
0x10c: {  	v2 =	vld [tilespmem:$0x1C0];
	_ =	sdelay $0x7  }
0x10d: {  	[tilespmem:v2+s28+$0x0] =	vst.idx.add.f32.msk $0xffff, v1  }
0x10e: {  	v2 =	vld [tilespmem:$0x200];
	_ =	sdelay $0x7  }
0x10f: {  	[tilespmem:v2+s28+$0x0] =	vst.idx.add.f32.msk $0xffff, v1  }
0x110: {  	v2 =	vld [tilespmem:$0x210];
	_ =	sdelay $0x7  }
0x111: {  	[tilespmem:v2+s28+$0x0] =	vst.idx.add.f32.msk $0xffff, v1  }
0x112: {  	v2 =	vld [tilespmem:$0x220];
	_ =	sdelay $0x7  }
0x113: {  	[tilespmem:v2+s28+$0x0] =	vst.idx.add.f32.msk $0xffff, v1  }
0x114: {  	v2 =	vld [tilespmem:$0x230];
	_ =	sdelay $0x7  }
0x115: {  	[tilespmem:v2+s28+$0x0] =	vst.idx.add.f32.msk $0xffff, v1  }
0x116: {  	v2 =	vld [tilespmem:$0x240];
	_ =	sdelay $0x7  }
0x117: {  	[tilespmem:v2+s28+$0x0] =	vst.idx.add.f32.msk $0xffff, v1  }
0x118: {  	_ =	swait.ge [sflag:s29], $0xC800  }
0x119: {  	[sflag:s29] =	ssyncset.done $0x0  }
0x11a: {  	s9 =	simm.s32 $0x0;
	[sflag:s29] =	ssyncadd.s32 $0xFFFF3800  }
0x11b: {  	[spmem:s1] =	stream.indirect.scatter.add.f32 [tilespmem:s18], [sflag:$0x5], $0x80, s9, s30, $0xb8;
	[tilespmem:$0x1E000] =	vst v63  }
0x11c: {  	_ =	swait.ge [sflag:s19], $0x2800  }
0x11d: {  	[sflag:s19] =	ssyncset.done $0x0  }
0x11e: {  	[sflag:s19] =	ssyncadd.s32 $0xFFFFD800  }
0x11f: {  	[spmem:s1] =	stream.indirect.scatter.add.f32 [tilespmem:s0], [sflag:$0x5], $0x80, s31, s30, $0xb8;
	[tilespmem:$0x1E000] =	vst v63  }
0x120: {  	_ =	swait.ge [sflag:s19], $0x2800  }
0x121: {  	[sflag:s19] =	ssyncset.done $0x0  }
0x122: {  	[sflag:s19] =	ssyncadd.s32 $0xFFFFD800  }
0x123: {  	[spmem:s1] =	stream.indirect.scatter.add.f32 [tilespmem:s6], [sflag:$0x5], $0x80, s4, s30, $0xb8;
	[tilespmem:$0x1E000] =	vst v63  }
0x124: {  	_ =	swait.ge [sflag:s19], $0x2800  }
0x125: {  	[sflag:s19] =	ssyncset.done $0x0  }
0x126: {  	[sflag:s19] =	ssyncadd.s32 $0xFFFFD800  }
0x127: {  	[spmem:s1] =	stream.indirect.scatter.add.f32 [tilespmem:s8], [sflag:$0x5], $0x80, s7, s30, $0xb8;
	[tilespmem:$0x1E000] =	vst v63  }
0x128: {  	_ =	swait.ge [sflag:s19], $0x2800  }
0x129: {  	[sflag:s19] =	ssyncset.done $0x0  }
0x12a: {  	[sflag:s19] =	ssyncadd.s32 $0xFFFFD800  }
0x12b: {  	[spmem:s1] =	stream.indirect.scatter.add.f32 [tilespmem:s11], [sflag:$0x5], $0x80, s10, s30, $0xb8;
	[tilespmem:$0x1E000] =	vst v63  }
0x12c: {  	_ =	swait.ge [sflag:s19], $0x2800  }
0x12d: {  	s14 =	rddreg [dreg:$0xf]  }
0x12e: {  	[sflag:s19] =	ssyncset.done $0x0;
	s21 =	rddreg [dreg:$0x10]  }
0x12f: {  	s20 =	rddreg [dreg:$0x14];
	[sflag:s19] =	ssyncadd.s32 $0xFFFFD800  }
0x130: {  	[tilespmem:s9], [sflag:$0x1] =	stream.linear.gather [hbm4b:s14+s9], $0x280, $0x38;
	[tilespmem:$0x1E000] =	vst v63  }
0x131: {  	s14 =	rddreg [dreg:$0x15]  }
0x132: {  	[tilespmem:s18], [sflag:$0x3] =	stream.linear.gather [hbm4b:s21+s9], $0xC800, $0x38;
	[tilespmem:$0x1E000] =	vst v63  }
.LBB2_6:
0x133: {  	s15 =	rddreg [dreg:$0x8]  }
0x134: {  	[tilespmem:s22], [sflag:$0x2] =	stream.linear.gather [hbm4b:s14+s3], $0x280, $0x38;
	[tilespmem:$0x1E000] =	vst v63  }
0x135: {  	s15 =	sadd.s32 s9, s15  }
0x136: {  	s21 =	sadd.s32 $0x1900, s15  }
0x137: {  	[tilespmem:s25], [sflag:$0x4] =	stream.linear.gather [hbm4b:s21+s3], $0xC800, $0x38;
	[tilespmem:$0x1E000] =	vst v63  }
0x138: {  	_ =	swait.ge [sflag:s26], $0x280  }
0x139: {  	[sflag:s26] =	ssyncset.done $0x0  }
0x13a: {  	[sflag:s26] =	ssyncadd.s32 $0xFFFFFD80  }
0x13b: {  	v2 =	vld [tilespmem:$0x0];
	_ =	sdelay $0x7  }
0x13c: {  	[tilespmem:v2+s5+$0x0] =	vst.idx.add.f32.msk $0xffff, v1  }
0x13d: {  	v2 =	vld [tilespmem:$0x10];
	_ =	sdelay $0x7  }
0x13e: {  	[tilespmem:v2+s5+$0x0] =	vst.idx.add.f32.msk $0xffff, v1  }
0x13f: {  	v2 =	vld [tilespmem:$0x20];
	_ =	sdelay $0x7  }
0x140: {  	[tilespmem:v2+s5+$0x0] =	vst.idx.add.f32.msk $0xffff, v1  }
0x141: {  	v2 =	vld [tilespmem:$0x30];
	_ =	sdelay $0x7  }
0x142: {  	[tilespmem:v2+s5+$0x0] =	vst.idx.add.f32.msk $0xffff, v1  }
0x143: {  	v2 =	vld [tilespmem:$0x40];
	_ =	sdelay $0x7  }
0x144: {  	[tilespmem:v2+s5+$0x0] =	vst.idx.add.f32.msk $0xffff, v1  }
0x145: {  	v2 =	vld [tilespmem:$0x80];
	_ =	sdelay $0x7  }
0x146: {  	[tilespmem:v2+s5+$0x0] =	vst.idx.add.f32.msk $0xffff, v1  }
0x147: {  	v2 =	vld [tilespmem:$0x90];
	_ =	sdelay $0x7  }
0x148: {  	[tilespmem:v2+s5+$0x0] =	vst.idx.add.f32.msk $0xffff, v1  }
0x149: {  	v2 =	vld [tilespmem:$0xA0];
	_ =	sdelay $0x7  }
0x14a: {  	[tilespmem:v2+s5+$0x0] =	vst.idx.add.f32.msk $0xffff, v1  }
0x14b: {  	v2 =	vld [tilespmem:$0xB0];
	_ =	sdelay $0x7  }
0x14c: {  	[tilespmem:v2+s5+$0x0] =	vst.idx.add.f32.msk $0xffff, v1  }
0x14d: {  	v2 =	vld [tilespmem:$0xC0];
	_ =	sdelay $0x7  }
0x14e: {  	[tilespmem:v2+s5+$0x0] =	vst.idx.add.f32.msk $0xffff, v1  }
0x14f: {  	v2 =	vld [tilespmem:$0x100];
	_ =	sdelay $0x7  }
0x150: {  	[tilespmem:v2+s5+$0x0] =	vst.idx.add.f32.msk $0xffff, v1  }
0x151: {  	v2 =	vld [tilespmem:$0x110];
	_ =	sdelay $0x7  }
0x152: {  	[tilespmem:v2+s5+$0x0] =	vst.idx.add.f32.msk $0xffff, v1  }
0x153: {  	v2 =	vld [tilespmem:$0x120];
	_ =	sdelay $0x7  }
0x154: {  	[tilespmem:v2+s5+$0x0] =	vst.idx.add.f32.msk $0xffff, v1  }
0x155: {  	v2 =	vld [tilespmem:$0x130];
	_ =	sdelay $0x7  }
0x156: {  	[tilespmem:v2+s5+$0x0] =	vst.idx.add.f32.msk $0xffff, v1  }
0x157: {  	v2 =	vld [tilespmem:$0x140];
	_ =	sdelay $0x7  }
0x158: {  	[tilespmem:v2+s5+$0x0] =	vst.idx.add.f32.msk $0xffff, v1  }
0x159: {  	v2 =	vld [tilespmem:$0x180];
	_ =	sdelay $0x7  }
0x15a: {  	[tilespmem:v2+s5+$0x0] =	vst.idx.add.f32.msk $0xffff, v1  }
0x15b: {  	v2 =	vld [tilespmem:$0x190];
	_ =	sdelay $0x7  }
0x15c: {  	[tilespmem:v2+s5+$0x0] =	vst.idx.add.f32.msk $0xffff, v1  }
0x15d: {  	v2 =	vld [tilespmem:$0x1A0];
	_ =	sdelay $0x7  }
0x15e: {  	[tilespmem:v2+s5+$0x0] =	vst.idx.add.f32.msk $0xffff, v1  }
0x15f: {  	v2 =	vld [tilespmem:$0x1B0];
	_ =	sdelay $0x7  }
0x160: {  	[tilespmem:v2+s5+$0x0] =	vst.idx.add.f32.msk $0xffff, v1  }
0x161: {  	v2 =	vld [tilespmem:$0x1C0];
	_ =	sdelay $0x7  }
0x162: {  	[tilespmem:v2+s5+$0x0] =	vst.idx.add.f32.msk $0xffff, v1  }
0x163: {  	v2 =	vld [tilespmem:$0x200];
	_ =	sdelay $0x7  }
0x164: {  	[tilespmem:v2+s5+$0x0] =	vst.idx.add.f32.msk $0xffff, v1  }
0x165: {  	v2 =	vld [tilespmem:$0x210];
	_ =	sdelay $0x7  }
0x166: {  	[tilespmem:v2+s5+$0x0] =	vst.idx.add.f32.msk $0xffff, v1  }
0x167: {  	v2 =	vld [tilespmem:$0x220];
	_ =	sdelay $0x7  }
0x168: {  	[tilespmem:v2+s5+$0x0] =	vst.idx.add.f32.msk $0xffff, v1  }
0x169: {  	v2 =	vld [tilespmem:$0x230];
	_ =	sdelay $0x7  }
0x16a: {  	[tilespmem:v2+s5+$0x0] =	vst.idx.add.f32.msk $0xffff, v1  }
0x16b: {  	v2 =	vld [tilespmem:$0x240];
	_ =	sdelay $0x7  }
0x16c: {  	[tilespmem:v2+s5+$0x0] =	vst.idx.add.f32.msk $0xffff, v1  }
0x16d: {  	_ =	swait.ge [sflag:s29], $0xC800  }
0x16e: {  	[sflag:s29] =	ssyncset.done $0x0  }
0x16f: {  	[sflag:s29] =	ssyncadd.s32 $0xFFFF3800  }
0x170: {  	[spmem:s2] =	stream.indirect.scatter.add.f32 [tilespmem:s18], [sflag:$0x5], $0x80, s3, s30, $0xb8;
	[tilespmem:$0x1E000] =	vst v63  }
0x171: {  	_ =	swait.ge [sflag:s19], $0x2800  }
0x172: {  	[sflag:s19] =	ssyncset.done $0x0  }
0x173: {  	[sflag:s19] =	ssyncadd.s32 $0xFFFFD800  }
0x174: {  	[spmem:s2] =	stream.indirect.scatter.add.f32 [tilespmem:s0], [sflag:$0x5], $0x80, s31, s30, $0xb8;
	[tilespmem:$0x1E000] =	vst v63  }
0x175: {  	_ =	swait.ge [sflag:s19], $0x2800  }
0x176: {  	[sflag:s19] =	ssyncset.done $0x0  }
0x177: {  	[sflag:s19] =	ssyncadd.s32 $0xFFFFD800  }
0x178: {  	[spmem:s2] =	stream.indirect.scatter.add.f32 [tilespmem:s6], [sflag:$0x5], $0x80, s4, s30, $0xb8;
	[tilespmem:$0x1E000] =	vst v63  }
0x179: {  	_ =	swait.ge [sflag:s19], $0x2800  }
0x17a: {  	[sflag:s19] =	ssyncset.done $0x0  }
0x17b: {  	[sflag:s19] =	ssyncadd.s32 $0xFFFFD800  }
0x17c: {  	[spmem:s2] =	stream.indirect.scatter.add.f32 [tilespmem:s8], [sflag:$0x5], $0x80, s7, s30, $0xb8;
	[tilespmem:$0x1E000] =	vst v63  }
0x17d: {  	_ =	swait.ge [sflag:s19], $0x2800  }
0x17e: {  	[sflag:s19] =	ssyncset.done $0x0  }
0x17f: {  	[sflag:s19] =	ssyncadd.s32 $0xFFFFD800  }
0x180: {  	[spmem:s2] =	stream.indirect.scatter.add.f32 [tilespmem:s11], [sflag:$0x5], $0x80, s10, s30, $0xb8;
	[tilespmem:$0x1E000] =	vst v63  }
0x181: {  	_ =	swait.ge [sflag:s19], $0x2800  }
0x182: {  	[sflag:s19] =	ssyncset.done $0x0  }
0x183: {  	[sflag:s19] =	ssyncadd.s32 $0xFFFFD800  }
0x184: {  	[tilespmem:s3], [sflag:$0x1] =	stream.linear.gather [hbm4b:s20+s3], $0x280, $0x38;
	[tilespmem:$0x1E000] =	vst v63  }
0x185: {  	s15 =	sadd.s32 $0x3200, s15  }
0x186: {  	[tilespmem:s18], [sflag:$0x3] =	stream.linear.gather [hbm4b:s15+s3], $0xC800, $0x38;
	[tilespmem:$0x1E000] =	vst v63  }
0x187: {  	_ =	swait.ge [sflag:s12], $0x280  }
0x188: {  	[sflag:s12] =	ssyncset.done $0x0  }
0x189: {  	[sflag:s12] =	ssyncadd.s32 $0xFFFFFD80  }
0x18a: {  	v2 =	vld [tilespmem:$0x400];
	_ =	sdelay $0x7  }
0x18b: {  	[tilespmem:v2+s5+$0x0] =	vst.idx.add.f32.msk $0xffff, v1  }
0x18c: {  	v2 =	vld [tilespmem:$0x410];
	_ =	sdelay $0x7  }
0x18d: {  	[tilespmem:v2+s5+$0x0] =	vst.idx.add.f32.msk $0xffff, v1  }
0x18e: {  	v2 =	vld [tilespmem:$0x420];
	_ =	sdelay $0x7  }
0x18f: {  	[tilespmem:v2+s5+$0x0] =	vst.idx.add.f32.msk $0xffff, v1  }
0x190: {  	v2 =	vld [tilespmem:$0x430];
	_ =	sdelay $0x7  }
0x191: {  	[tilespmem:v2+s5+$0x0] =	vst.idx.add.f32.msk $0xffff, v1  }
0x192: {  	v2 =	vld [tilespmem:$0x440];
	_ =	sdelay $0x7  }
0x193: {  	[tilespmem:v2+s5+$0x0] =	vst.idx.add.f32.msk $0xffff, v1  }
0x194: {  	v2 =	vld [tilespmem:$0x480];
	_ =	sdelay $0x7  }
0x195: {  	[tilespmem:v2+s5+$0x0] =	vst.idx.add.f32.msk $0xffff, v1  }
0x196: {  	v2 =	vld [tilespmem:$0x490];
	_ =	sdelay $0x7  }
0x197: {  	[tilespmem:v2+s5+$0x0] =	vst.idx.add.f32.msk $0xffff, v1  }
0x198: {  	v2 =	vld [tilespmem:$0x4A0];
	_ =	sdelay $0x7  }
0x199: {  	[tilespmem:v2+s5+$0x0] =	vst.idx.add.f32.msk $0xffff, v1  }
0x19a: {  	v2 =	vld [tilespmem:$0x4B0];
	_ =	sdelay $0x7  }
0x19b: {  	[tilespmem:v2+s5+$0x0] =	vst.idx.add.f32.msk $0xffff, v1  }
0x19c: {  	v2 =	vld [tilespmem:$0x4C0];
	_ =	sdelay $0x7  }
0x19d: {  	[tilespmem:v2+s5+$0x0] =	vst.idx.add.f32.msk $0xffff, v1  }
0x19e: {  	v2 =	vld [tilespmem:$0x500];
	_ =	sdelay $0x7  }
0x19f: {  	[tilespmem:v2+s5+$0x0] =	vst.idx.add.f32.msk $0xffff, v1  }
0x1a0: {  	v2 =	vld [tilespmem:$0x510];
	_ =	sdelay $0x7  }
0x1a1: {  	[tilespmem:v2+s5+$0x0] =	vst.idx.add.f32.msk $0xffff, v1  }
0x1a2: {  	v2 =	vld [tilespmem:$0x520];
	_ =	sdelay $0x7  }
0x1a3: {  	[tilespmem:v2+s5+$0x0] =	vst.idx.add.f32.msk $0xffff, v1  }
0x1a4: {  	v2 =	vld [tilespmem:$0x530];
	_ =	sdelay $0x7  }
0x1a5: {  	[tilespmem:v2+s5+$0x0] =	vst.idx.add.f32.msk $0xffff, v1  }
0x1a6: {  	v2 =	vld [tilespmem:$0x540];
	_ =	sdelay $0x7  }
0x1a7: {  	[tilespmem:v2+s5+$0x0] =	vst.idx.add.f32.msk $0xffff, v1  }
0x1a8: {  	v2 =	vld [tilespmem:$0x580];
	_ =	sdelay $0x7  }
0x1a9: {  	[tilespmem:v2+s5+$0x0] =	vst.idx.add.f32.msk $0xffff, v1  }
0x1aa: {  	v2 =	vld [tilespmem:$0x590];
	_ =	sdelay $0x7  }
0x1ab: {  	[tilespmem:v2+s5+$0x0] =	vst.idx.add.f32.msk $0xffff, v1  }
0x1ac: {  	v2 =	vld [tilespmem:$0x5A0];
	_ =	sdelay $0x7  }
0x1ad: {  	[tilespmem:v2+s5+$0x0] =	vst.idx.add.f32.msk $0xffff, v1  }
0x1ae: {  	v2 =	vld [tilespmem:$0x5B0];
	_ =	sdelay $0x7  }
0x1af: {  	[tilespmem:v2+s5+$0x0] =	vst.idx.add.f32.msk $0xffff, v1  }
0x1b0: {  	v2 =	vld [tilespmem:$0x5C0];
	_ =	sdelay $0x7  }
0x1b1: {  	[tilespmem:v2+s5+$0x0] =	vst.idx.add.f32.msk $0xffff, v1  }
0x1b2: {  	v2 =	vld [tilespmem:$0x600];
	_ =	sdelay $0x7  }
0x1b3: {  	[tilespmem:v2+s5+$0x0] =	vst.idx.add.f32.msk $0xffff, v1  }
0x1b4: {  	v2 =	vld [tilespmem:$0x610];
	_ =	sdelay $0x7  }
0x1b5: {  	[tilespmem:v2+s5+$0x0] =	vst.idx.add.f32.msk $0xffff, v1  }
0x1b6: {  	v2 =	vld [tilespmem:$0x620];
	_ =	sdelay $0x7  }
0x1b7: {  	[tilespmem:v2+s5+$0x0] =	vst.idx.add.f32.msk $0xffff, v1  }
0x1b8: {  	v2 =	vld [tilespmem:$0x630];
	_ =	sdelay $0x7  }
0x1b9: {  	[tilespmem:v2+s5+$0x0] =	vst.idx.add.f32.msk $0xffff, v1  }
0x1ba: {  	v2 =	vld [tilespmem:$0x640];
	_ =	sdelay $0x7  }
0x1bb: {  	[tilespmem:v2+s5+$0x0] =	vst.idx.add.f32.msk $0xffff, v1  }
0x1bc: {  	_ =	swait.ge [sflag:s13], $0xC800  }
0x1bd: {  	[sflag:s13] =	ssyncset.done $0x0  }
0x1be: {  	[sflag:s13] =	ssyncadd.s32 $0xFFFF3800  }
0x1bf: {  	[spmem:s2] =	stream.indirect.scatter.add.f32 [tilespmem:s25], [sflag:$0x5], $0x80, s22, s30, $0xb8;
	[tilespmem:$0x1E000] =	vst v63  }
0x1c0: {  	_ =	swait.ge [sflag:s19], $0x2800  }
0x1c1: {  	[sflag:s19] =	ssyncset.done $0x0  }
0x1c2: {  	s16 =	simm.s32 $0xF800;
	s21 =	simm.s32 $0x480;
	[sflag:s19] =	ssyncadd.s32 $0xFFFFD800  }
0x1c3: {  	[spmem:s2] =	stream.indirect.scatter.add.f32 [tilespmem:s16], [sflag:$0x5], $0x80, s21, s30, $0xb8;
	[tilespmem:$0x1E000] =	vst v63  }
0x1c4: {  	_ =	swait.ge [sflag:s19], $0x2800  }
0x1c5: {  	[sflag:s19] =	ssyncset.done $0x0  }
0x1c6: {  	s15 =	simm.s32 $0x12000;
	s21 =	simm.s32 $0x500;
	[sflag:s19] =	ssyncadd.s32 $0xFFFFD800  }
0x1c7: {  	[spmem:s2] =	stream.indirect.scatter.add.f32 [tilespmem:s15], [sflag:$0x5], $0x80, s21, s30, $0xb8;
	[tilespmem:$0x1E000] =	vst v63  }
0x1c8: {  	_ =	swait.ge [sflag:s19], $0x2800  }
0x1c9: {  	[sflag:s19] =	ssyncset.done $0x0  }
0x1ca: {  	s21 =	simm.s32 $0x580;
	[sflag:s19] =	ssyncadd.s32 $0xFFFFD800  }
0x1cb: {  	[spmem:s2] =	stream.indirect.scatter.add.f32 [tilespmem:s23], [sflag:$0x5], $0x80, s21, s30, $0xb8;
	[tilespmem:$0x1E000] =	vst v63  }
0x1cc: {  	_ =	swait.ge [sflag:s19], $0x2800  }
0x1cd: {  	p0 =	sne.s32 s9, $0x22600;
	[sflag:s19] =	ssyncset.done $0x0  }
.Ltmp2:
0x1ce: {  	[sflag:s19] =	ssyncadd.s32 $0xFFFFD800;
	(pc) =	sbr.rel @p0 .LBB2_6-.Ltmp2, $4  }
0x1cf: {  	[spmem:s2] =	stream.indirect.scatter.add.f32 [tilespmem:s24], [sflag:$0x5], $0x80, s17, s30, $0xb8;
	[tilespmem:$0x1E000] =	vst v63  }
0x1d0: {  	_ =	swait.ge [sflag:s19], $0x2800  }
0x1d1: {  	s14 =	sadd.s32 $0x100, s14;
	[sflag:s19] =	ssyncset.done $0x0  }
0x1d2: {  	s9 =	sadd.s32 $0x3200, s9;
	s20 =	sadd.s32 $0x100, s20;
	[sflag:s19] =	ssyncadd.s32 $0xFFFFD800  }
0x1d3: {  	_ =	swait.ge [sflag:s26], $0x280  }
0x1d4: {  	[sflag:s26] =	ssyncset.done $0x0  }
0x1d5: {  	[sflag:s26] =	ssyncadd.s32 $0xFFFFFD80  }
0x1d6: {  	v2 =	vld [tilespmem:$0x0];
	_ =	sdelay $0x7  }
0x1d7: {  	[tilespmem:v2+s5+$0x0] =	vst.idx.add.f32.msk $0xffff, v1  }
0x1d8: {  	v2 =	vld [tilespmem:$0x10];
	_ =	sdelay $0x7  }
0x1d9: {  	[tilespmem:v2+s5+$0x0] =	vst.idx.add.f32.msk $0xffff, v1  }
0x1da: {  	v2 =	vld [tilespmem:$0x20];
	_ =	sdelay $0x7  }
0x1db: {  	[tilespmem:v2+s5+$0x0] =	vst.idx.add.f32.msk $0xffff, v1  }
0x1dc: {  	v2 =	vld [tilespmem:$0x30];
	_ =	sdelay $0x7  }
0x1dd: {  	[tilespmem:v2+s5+$0x0] =	vst.idx.add.f32.msk $0xffff, v1  }
0x1de: {  	v2 =	vld [tilespmem:$0x40];
	_ =	sdelay $0x7  }
0x1df: {  	[tilespmem:v2+s5+$0x0] =	vst.idx.add.f32.msk $0xffff, v1  }
0x1e0: {  	v2 =	vld [tilespmem:$0x80];
	_ =	sdelay $0x7  }
0x1e1: {  	[tilespmem:v2+s5+$0x0] =	vst.idx.add.f32.msk $0xffff, v1  }
0x1e2: {  	v2 =	vld [tilespmem:$0x90];
	_ =	sdelay $0x7  }
0x1e3: {  	[tilespmem:v2+s5+$0x0] =	vst.idx.add.f32.msk $0xffff, v1  }
0x1e4: {  	v2 =	vld [tilespmem:$0xA0];
	_ =	sdelay $0x7  }
0x1e5: {  	[tilespmem:v2+s5+$0x0] =	vst.idx.add.f32.msk $0xffff, v1  }
0x1e6: {  	v2 =	vld [tilespmem:$0xB0];
	_ =	sdelay $0x7  }
0x1e7: {  	[tilespmem:v2+s5+$0x0] =	vst.idx.add.f32.msk $0xffff, v1  }
0x1e8: {  	v2 =	vld [tilespmem:$0xC0];
	_ =	sdelay $0x7  }
0x1e9: {  	[tilespmem:v2+s5+$0x0] =	vst.idx.add.f32.msk $0xffff, v1  }
0x1ea: {  	v2 =	vld [tilespmem:$0x100];
	_ =	sdelay $0x7  }
0x1eb: {  	[tilespmem:v2+s5+$0x0] =	vst.idx.add.f32.msk $0xffff, v1  }
0x1ec: {  	v2 =	vld [tilespmem:$0x110];
	_ =	sdelay $0x7  }
0x1ed: {  	[tilespmem:v2+s5+$0x0] =	vst.idx.add.f32.msk $0xffff, v1  }
0x1ee: {  	v2 =	vld [tilespmem:$0x120];
	_ =	sdelay $0x7  }
0x1ef: {  	[tilespmem:v2+s5+$0x0] =	vst.idx.add.f32.msk $0xffff, v1  }
0x1f0: {  	v2 =	vld [tilespmem:$0x130];
	_ =	sdelay $0x7  }
0x1f1: {  	[tilespmem:v2+s5+$0x0] =	vst.idx.add.f32.msk $0xffff, v1  }
0x1f2: {  	v2 =	vld [tilespmem:$0x140];
	_ =	sdelay $0x7  }
0x1f3: {  	[tilespmem:v2+s5+$0x0] =	vst.idx.add.f32.msk $0xffff, v1  }
0x1f4: {  	v2 =	vld [tilespmem:$0x180];
	_ =	sdelay $0x7  }
0x1f5: {  	[tilespmem:v2+s5+$0x0] =	vst.idx.add.f32.msk $0xffff, v1  }
0x1f6: {  	v2 =	vld [tilespmem:$0x190];
	_ =	sdelay $0x7  }
0x1f7: {  	[tilespmem:v2+s5+$0x0] =	vst.idx.add.f32.msk $0xffff, v1  }
0x1f8: {  	v2 =	vld [tilespmem:$0x1A0];
	_ =	sdelay $0x7  }
0x1f9: {  	[tilespmem:v2+s5+$0x0] =	vst.idx.add.f32.msk $0xffff, v1  }
0x1fa: {  	v2 =	vld [tilespmem:$0x1B0];
	_ =	sdelay $0x7  }
0x1fb: {  	[tilespmem:v2+s5+$0x0] =	vst.idx.add.f32.msk $0xffff, v1  }
0x1fc: {  	v2 =	vld [tilespmem:$0x1C0];
	_ =	sdelay $0x7  }
0x1fd: {  	[tilespmem:v2+s5+$0x0] =	vst.idx.add.f32.msk $0xffff, v1  }
0x1fe: {  	v2 =	vld [tilespmem:$0x200];
	_ =	sdelay $0x7  }
0x1ff: {  	[tilespmem:v2+s5+$0x0] =	vst.idx.add.f32.msk $0xffff, v1  }
0x200: {  	v2 =	vld [tilespmem:$0x210];
	_ =	sdelay $0x7  }
0x201: {  	[tilespmem:v2+s5+$0x0] =	vst.idx.add.f32.msk $0xffff, v1  }
0x202: {  	v2 =	vld [tilespmem:$0x220];
	_ =	sdelay $0x7  }
0x203: {  	[tilespmem:v2+s5+$0x0] =	vst.idx.add.f32.msk $0xffff, v1  }
0x204: {  	v2 =	vld [tilespmem:$0x230];
	_ =	sdelay $0x7  }
0x205: {  	[tilespmem:v2+s5+$0x0] =	vst.idx.add.f32.msk $0xffff, v1  }
0x206: {  	v2 =	vld [tilespmem:$0x240];
	_ =	sdelay $0x7  }
0x207: {  	[tilespmem:v2+s5+$0x0] =	vst.idx.add.f32.msk $0xffff, v1  }
0x208: {  	_ =	swait.ge [sflag:s29], $0xC800  }
0x209: {  	[sflag:s29] =	ssyncset.done $0x0  }
0x20a: {  	[sflag:s29] =	ssyncadd.s32 $0xFFFF3800  }
0x20b: {  	[spmem:s2] =	stream.indirect.scatter.add.f32 [tilespmem:s18], [sflag:$0x5], $0x80, s3, s30, $0xb8;
	[tilespmem:$0x1E000] =	vst v63  }
0x20c: {  	_ =	swait.ge [sflag:s19], $0x2800  }
0x20d: {  	[sflag:s19] =	ssyncset.done $0x0  }
0x20e: {  	[sflag:s19] =	ssyncadd.s32 $0xFFFFD800  }
0x20f: {  	[spmem:s2] =	stream.indirect.scatter.add.f32 [tilespmem:s0], [sflag:$0x5], $0x80, s31, s30, $0xb8;
	[tilespmem:$0x1E000] =	vst v63  }
0x210: {  	_ =	swait.ge [sflag:s19], $0x2800  }
0x211: {  	[sflag:s19] =	ssyncset.done $0x0  }
0x212: {  	[sflag:s19] =	ssyncadd.s32 $0xFFFFD800  }
0x213: {  	[spmem:s2] =	stream.indirect.scatter.add.f32 [tilespmem:s6], [sflag:$0x5], $0x80, s4, s30, $0xb8;
	[tilespmem:$0x1E000] =	vst v63  }
0x214: {  	_ =	swait.ge [sflag:s19], $0x2800  }
0x215: {  	[sflag:s19] =	ssyncset.done $0x0  }
0x216: {  	[sflag:s19] =	ssyncadd.s32 $0xFFFFD800  }
0x217: {  	[spmem:s2] =	stream.indirect.scatter.add.f32 [tilespmem:s8], [sflag:$0x5], $0x80, s7, s30, $0xb8;
	[tilespmem:$0x1E000] =	vst v63  }
0x218: {  	_ =	swait.ge [sflag:s19], $0x2800  }
0x219: {  	[sflag:s19] =	ssyncset.done $0x0  }
0x21a: {  	[sflag:s19] =	ssyncadd.s32 $0xFFFFD800  }
0x21b: {  	[spmem:s2] =	stream.indirect.scatter.add.f32 [tilespmem:s11], [sflag:$0x5], $0x80, s10, s30, $0xb8;
	[tilespmem:$0x1E000] =	vst v63  }
0x21c: {  	_ =	swait.ge [sflag:s19], $0x2800  }
0x21d: {  	[sflag:s19] =	ssyncset.done $0x0  }
0x21e: {  	s9 =	rddreg [dreg:$0x16];
	[sflag:s19] =	ssyncadd.s32 $0xFFFFD800  }
0x21f: {  	[hbm4b:s9+s31] =	stream.strided.scatter [tilespmem:s28], [sflag:$0x5], $0x400, s22, s31, $0x38;
	[tilespmem:$0x1E000] =	vst v63  }
0x220: {  	_ =	swait.ge [sflag:s19], $0x400  }
0x221: {  	[sflag:s19] =	ssyncset.done $0x0  }
0x222: {  	s20 =	rddreg [dreg:$0x17];
	[sflag:s19] =	ssyncadd.s32 $0xFFFFFC00  }
0x223: {  	[hbm4b:s20+s31] =	stream.strided.scatter [tilespmem:s5], [sflag:$0x5], $0x400, s22, s31, $0x38;
	[tilespmem:$0x1E000] =	vst v63  }
0x224: {  	_ =	swait.ge [sflag:s19], $0x400  }
0x225: {  	[sflag:s19] =	ssyncset.done $0x0  }
0x226: {  	[sflag:s19] =	ssyncadd.s32 $0xFFFFFC00  }
0x227: {  	[bflag:$0x0] =	sbarrier.arrive $0xFFFF  }
0x228: {  	s20 =	rddreg [dreg:$0xd]  }
0x229: {  	s21 =	rddreg [dreg:$0x18]  }
0x22a: {  	s14 =	rddreg [dreg:$0x1b]  }
0x22b: {  	[hbm:s21], [sflag:s20] =	dma.local [spmem:s14], $0x400  }
0x22c: {  	_ =	swait.ge [sflag:s19], $0x400  }
0x22d: {  	[sflag:s19] =	ssyncset.done $0x0;
	s14 =	rddreg [dreg:$0x19]  }
0x22e: {  	s15 =	rddreg [dreg:$0x1c];
	[sflag:s19] =	ssyncadd.s32 $0xFFFFFC00  }
0x22f: {  	[hbm:s14], [sflag:s20] =	dma.local [spmem:s15], $0x400  }
0x230: {  	_ =	swait.ge [sflag:s19], $0x400  }
0x231: {  	s16 =	rddreg [dreg:$0x1a]  }
0x232: {  	s21 =	rddreg [dreg:$0x11];
	s14 =	sadd.s32 $0x1, s16  }
0x233: {  	p0 =	sne.s32 s14, s21  }
.Ltmp3:
0x234: {  	_ = 	snop;
	(pc) =	sbr.rel @p0 .LBB2_1-.Ltmp3, $3  }
0x235: {  	_ =	sdelay $0x1  }
0x236: {  	[sflag:s19] =	ssyncset.done $0x0  }
0x237: {  	[sflag:s19] =	ssyncadd.s32 $0xFFFFFC00  }
0x238: {  	_ =	sfence.sel $0x180000  }
0x239: {  	[bflag:$0x0] =	sbarrier.arrive $0xFFFF  }
0x23a: {  	_ =	strace $0x90000047  }
0x23b: {  	s0 =	stileid.u32;
	[bflag:$0x2] =	sbarrier.arrive $0xFFFF  }
0x23c: {  	p0 =	sne.s32 s0, $0x0;
	s0 =	rddreg [dreg:$0x6]  }
0x23d: {  	s0 =	sadd.s32 @!p0 $0x100000, s0  }
0x23e: {  	[sflag:s0] =	ssyncadd.tile.s32 @!p0 $0x1;
	_ =	shalt  }
.Lfunc_end2:
_tile_overlayer_lowered:
.L_overlay_start_2:
0x23f: {  	(tag) =	ssettag $0x2  }
0x240: {  	s0 =	rddreg [dreg:$0x0];
	s2 =	stileid.u32  }
0x241: {  	s1 =	rddreg [dreg:$0x1];
	p0 =	sne.s32 s2, $0x0  }
0x242: {  	s3 =	rddreg [dreg:$0x2];
	[bflag:$0x3] =	sbarrier.arrive $0xFFFF;
	s2 =	simm.s32 @!p0 $0x1C05  }
0x243: {  	[timem:s3], [sflag:s2] =	dma.local @!p0 [hbm:s0], s1  }
0x244: {  	s0 =	simm.s32 @!p0 $0x5  }
0x245: {  	_ =	swait.ge @!p0 [sflag:s0], s1  }
0x246: {  	s1 =	ssub.s32 @!p0 $0x0, s1;
	[sflag:s0] =	ssyncset.done @!p0 $0x0  }
0x247: {  	[sflag:s0] =	ssyncadd.s32 @!p0 s1  }
0x248: {  	[bflag:$0x3] =	sbarrier.arrive $0xFFFF  }
0x249: {  	_ =	shalt  }

</sc_bundles>
